<compile_context>
chip_gen: v7x
topology: tpu7x:2x2x1
jax: 0.10.2.dev20260603
libtpu: 0.0.44.dev20260713+nightly
codegen_flags: <defaults>
</compile_context>

<pallas_src>
import functools

import jax
import jax.numpy as jnp
from jax import lax
from jax.experimental import pallas as pl
from jax.experimental.pallas import tpu as pltpu
from jax.experimental.pallas import tpu_sc as plsc

N_NODES = 10000
N_EDGES = 320000
D_H = 128
D_E = 16
D_HIDDEN = 32
N_GRAPHS = 64

NTILES = 32
CH = 128
PER_TILE = 10240
EP = NTILES * PER_TILE
NCHUNK = PER_TILE // CH
NC_SLOW = 56
NC_FAST = 2 * NCHUNK - NC_SLOW
NGROUP = CH // 16
NSEG = 10240
ZCH = NSEG // 16

_f32 = jnp.float32
_i32 = jnp.int32



def _tables_body(h_ref, wsrc_ref, wdst_ref, q_ref, wq_ref, bg1_ref,
                 tsrc_ref, tdst_ref, cg_ref):
    hb = h_ref[...]
    tsrc_ref[...] = jnp.dot(hb, wsrc_ref[...], preferred_element_type=_f32)
    tdst_ref[...] = jnp.dot(hb, wdst_ref[...], preferred_element_type=_f32)

    @pl.when(pl.program_id(0) == 0)
    def _():
        cg_ref[...] = (jnp.dot(q_ref[...], wq_ref[...],
                               preferred_element_type=_f32) + bg1_ref[...])


def _node_tables(h, wsrc, wdst, q, wq, bg1):
    nb = 5
    bn = N_NODES // nb
    return pl.pallas_call(
        _tables_body,
        grid=(nb,),
        in_specs=[
            pl.BlockSpec((bn, D_H), lambda i: (i, 0)),
            pl.BlockSpec((D_H, 64), lambda i: (0, 0)),
            pl.BlockSpec((D_H, 64), lambda i: (0, 0)),
            pl.BlockSpec((N_GRAPHS, D_H), lambda i: (0, 0)),
            pl.BlockSpec((D_H, D_HIDDEN), lambda i: (0, 0)),
            pl.BlockSpec((1, D_HIDDEN), lambda i: (0, 0)),
        ],
        out_specs=[
            pl.BlockSpec((bn, 64), lambda i: (i, 0)),
            pl.BlockSpec((bn, 64), lambda i: (i, 0)),
            pl.BlockSpec((N_GRAPHS, D_HIDDEN), lambda i: (0, 0)),
        ],
        out_shape=[
            jax.ShapeDtypeStruct((N_NODES, 64), _f32),
            jax.ShapeDtypeStruct((N_NODES, 64), _f32),
            jax.ShapeDtypeStruct((N_GRAPHS, D_HIDDEN), _f32),
        ],
    )(h, wsrc, wdst, q, wq, bg1)


def _es_body(e4_ref, w4_ref, b4_ref, es_ref):
    es_ref[...] = (jnp.dot(e4_ref[...], w4_ref[...],
                           preferred_element_type=_f32) + b4_ref[...])


def _edge_es(e4, w4, b4):
    nb = 80
    ne4 = N_EDGES // 4
    be = ne4 // nb
    return pl.pallas_call(
        _es_body,
        grid=(nb,),
        in_specs=[
            pl.BlockSpec((be, 4 * D_E), lambda i: (i, 0)),
            pl.BlockSpec((4 * D_E, 4 * D_HIDDEN), lambda i: (0, 0)),
            pl.BlockSpec((1, 4 * D_HIDDEN), lambda i: (0, 0)),
        ],
        out_specs=pl.BlockSpec((be, 4 * D_HIDDEN), lambda i: (i, 0)),
        out_shape=jax.ShapeDtypeStruct((ne4, 4 * D_HIDDEN), _f32),
    )(e4, w4, b4)



_MESH = plsc.VectorSubcoreMesh(core_axis_name="c", subcore_axis_name="s",
                               num_cores=2, num_subcores=16)


@functools.partial(
    pl.kernel,
    out_type=[
        jax.ShapeDtypeStruct((EP,), _f32),
        jax.ShapeDtypeStruct((2, NSEG), _f32),
    ],
    mesh=_MESH,
    scratch_types=[
        pltpu.VMEM((NC_FAST, CH), _i32),
        pltpu.VMEM((NC_FAST, CH), _i32),
        pltpu.VMEM((NC_FAST * CH,), _i32),
        pltpu.VMEM((CH, 64), _f32),
        pltpu.VMEM((CH, 64), _f32),
        pltpu.VMEM((CH, 64), _f32),
        pltpu.VMEM((CH, 64), _f32),
        pltpu.VMEM((CH // 4, 4 * D_HIDDEN), _f32),
        pltpu.VMEM((CH // 4, 4 * D_HIDDEN), _f32),
        pltpu.VMEM((CH,), _f32),
        pltpu.VMEM((CH,), _f32),
        pltpu.VMEM((68 * 16,), _f32),
        pltpu.VMEM((N_GRAPHS * D_HIDDEN,), _f32),
        pltpu.VMEM((ZCH,), _f32),
        pltpu.VMEM_SHARED((NSEG,), _f32),
        pltpu.SemaphoreType.DMA,
        pltpu.SemaphoreType.DMA,
        pltpu.SemaphoreType.DMA,
        pltpu.SemaphoreType.DMA,
        pltpu.SemaphoreType.DMA,
        pltpu.SemaphoreType.DMA,
        pltpu.SemaphoreType.DMA,
        pltpu.SemaphoreType.DMA,
    ],
    compiler_params=pltpu.CompilerParams(needs_layout_passes=False, use_tc_tiling_on_sc=False),
)
def _edge_kernel(src_hbm, dst_hbm, bat_hbm, tsrc_hbm, tdst_hbm, es_hbm,
                 params_hbm, cg_hbm, ev_hbm, partials_hbm,
                 src_all, dst_all, bat_all, srows0, srows1, drows0, drows1,
                 erows0, erows1, ev0, ev1, params_v, cg_v, zeros_v, sums_sh,
                 semg0, semg1, seme0, seme1, semw0, semw1, sems0, sems1):
    cid = lax.axis_index("c")
    sid = lax.axis_index("s")
    wid = cid * 16 + sid

    srows = [srows0, srows1]
    drows = [drows0, drows1]
    erows = [erows0, erows1]
    evb = [ev0, ev1]
    semg = [semg0, semg1]
    seme = [seme0, seme1]
    semw = [semw0, semw1]
    sems = [sems0, sems1]

    nch = jnp.where(cid == 1, NC_SLOW, NC_FAST)
    rowbase = jnp.where(cid == 1, sid * NC_SLOW,
                        16 * NC_SLOW + sid * NC_FAST)
    ebase0 = rowbase * CH
    pltpu.sync_copy(params_hbm, params_v)
    pltpu.sync_copy(cg_hbm, cg_v)
    pltpu.sync_copy(src_hbm.at[pl.ds(rowbase, NC_FAST)], src_all)
    pltpu.sync_copy(dst_hbm.at[pl.ds(rowbase, NC_FAST)], dst_all)
    pltpu.sync_copy(bat_hbm.at[pl.ds(ebase0, NC_FAST * CH)], bat_all)

    zvec = jnp.zeros((16,), _f32)

    def _zbody(i, carry):
        zeros_v[pl.ds(i * 16, 16)] = zvec
        return carry

    lax.fori_loop(0, ZCH // 16, _zbody, 0)
    pltpu.sync_copy(zeros_v, sums_sh.at[pl.ds(sid * ZCH, ZCH)])
    plsc.subcore_barrier()

    iota = lax.broadcasted_iota(_i32, (16,), 0)
    bg2v = params_v[pl.ds(64 * 16, 16)]
    bs2v = params_v[pl.ds(65 * 16, 16)]

    def fill_descs(c, b):
        base = ebase0 + c * CH
        ebase4 = jnp.minimum(base, N_EDGES - CH) // 4
        return [
            pltpu.make_async_copy(tsrc_hbm.at[src_all.at[c]], srows[b],
                                  semg[b]),
            pltpu.make_async_copy(tdst_hbm.at[dst_all.at[c]], drows[b],
                                  semg[b]),
            pltpu.make_async_copy(es_hbm.at[pl.ds(ebase4, CH // 4)],
                                  erows[b], seme[b]),
        ]

    def issue(c, b):
        for d in fill_descs(c, b):
            d.start()

    def wait_in(c, b):
        for d in fill_descs(c, b):
            d.wait()

    def compute(c, b):
        def _group(g, carry):
            rowv = iota + g * 16
            row4 = lax.shift_right_logical(iota, 2) + g * 4
            ecol0 = lax.shift_left(jnp.bitwise_and(iota, 3), 5)
            batv32 = plsc.load_gather(bat_all, [c * CH + rowv]) * D_HIDDEN

            def _jblk(t, car):
                colj, accg, accs = car
                for u in range(4):
                    joff = (t * 4 + u) * 16
                    wg = params_v[pl.ds(joff, 16)]
                    ws = params_v[pl.ds(joff + D_HIDDEN * 16, 16)]
                    colj32 = colj + D_HIDDEN
                    sg = plsc.load_gather(srows[b], [rowv, colj])
                    dg = plsc.load_gather(drows[b], [rowv, colj])
                    cgv = plsc.load_gather(cg_v, [batv32 + colj])
                    tg = jnp.maximum(sg + dg + cgv, 0.0) * wg
                    ss = plsc.load_gather(srows[b], [rowv, colj32])
                    dsv = plsc.load_gather(drows[b], [rowv, colj32])
                    esv = plsc.load_gather(erows[b], [row4, ecol0 + colj])
                    ts = jnp.maximum(ss + dsv + esv, 0.0) * ws
                    accg = accg + tg
                    accs = accs + ts
                    colj = jnp.bitwise_and(colj + 1, D_HIDDEN - 1)
                return (colj, accg, accs)

            zero = jnp.zeros((16,), _f32)
            _, accg, accs = lax.fori_loop(0, D_HIDDEN // 4, _jblk,
                                          (iota, zero, zero))
            gate = 1.0 / (1.0 + jnp.exp(-(accg + bg2v)))
            raw = gate * (accs + bs2v)
            plsc.store_scatter(evb[b], [rowv], jnp.exp(raw))
            return carry

        lax.fori_loop(0, NGROUP, _group, 0)

    def writeout(c, b):
        base = ebase0 + c * CH
        pltpu.make_async_copy(evb[b], ev_hbm.at[pl.ds(base, CH)],
                              semw[b]).start()
        pltpu.async_copy(evb[b], sums_sh.at[dst_all.at[c]], sems[b],
                         add=True)

    def wait_out(c, b):
        pltpu.make_async_copy(evb[b], ev_hbm.at[pl.ds(ebase0 + c * CH, CH)],
                              semw[b]).wait()
        pltpu.make_async_copy(evb[b], sums_sh.at[dst_all.at[c]],
                              sems[b]).wait()

    issue(0, 0)

    def _pair(k, carry):
        c0 = k * 2
        c1 = c0 + 1
        issue(c1, 1)
        wait_in(c0, 0)

        @pl.when(c0 >= 2)
        def _():
            wait_out(c0 - 2, 0)

        compute(c0, 0)
        writeout(c0, 0)

        @pl.when(c1 + 1 < nch)
        def _():
            issue(c1 + 1, 0)

        wait_in(c1, 1)

        @pl.when(c1 >= 2)
        def _():
            wait_out(c1 - 2, 1)

        compute(c1, 1)
        writeout(c1, 1)
        return carry

    lax.fori_loop(0, nch // 2, _pair, 0)
    wait_out(nch - 2, 0)
    wait_out(nch - 1, 1)
    plsc.subcore_barrier()

    @pl.when(sid == 0)
    def _():
        pltpu.sync_copy(sums_sh, partials_hbm.at[cid])



PT2 = N_EDGES // NTILES
CH2 = 400
NCHUNK2 = PT2 // CH2


@functools.partial(
    pl.kernel,
    out_type=jax.ShapeDtypeStruct((N_EDGES,), _f32),
    mesh=_MESH,
    scratch_types=[
        pltpu.VMEM((NSEG,), _f32),
        pltpu.VMEM((NSEG,), _f32),
        pltpu.VMEM((CH2,), _i32),
        pltpu.VMEM((CH2,), _f32),
        pltpu.VMEM((CH2,), _f32),
        pltpu.SemaphoreType.DMA,
    ],
    compiler_params=pltpu.CompilerParams(needs_layout_passes=False, use_tc_tiling_on_sc=False),
)
def _norm_kernel(partials_hbm, ev_hbm, dst_hbm, out_hbm,
                 t0_v, t1_v, dst_v, ev_v, out_v, sem0):
    cid = lax.axis_index("c")
    sid = lax.axis_index("s")
    wid = cid * 16 + sid

    c0 = pltpu.async_copy(partials_hbm.at[0], t0_v, sem0)
    c1 = pltpu.async_copy(partials_hbm.at[1], t1_v, sem0)
    c0.wait()
    c1.wait()

    def _chunk(c, carry):
        base = wid * PT2 + c * CH2
        c2 = pltpu.async_copy(dst_hbm.at[pl.ds(base, CH2)], dst_v, sem0)
        c3 = pltpu.async_copy(ev_hbm.at[pl.ds(base, CH2)], ev_v, sem0)
        c2.wait()
        c3.wait()
        for g in range(CH2 // 16):
            dv = dst_v[pl.ds(g * 16, 16)]
            evv = ev_v[pl.ds(g * 16, 16)]
            s0 = plsc.load_gather(t0_v, [dv])
            s1 = plsc.load_gather(t1_v, [dv])
            out_v[pl.ds(g * 16, 16)] = evv / jnp.maximum(s0 + s1, 1e-9)
        pltpu.sync_copy(out_v, out_hbm.at[pl.ds(base, CH2)])
        return carry

    lax.fori_loop(0, NCHUNK2, _chunk, 0)



def kernel(h, e, q, edge_index, edge_batch, Wg1, bg1, Wg2, bg2,
           Ws1, bs1, Ws2, bs2):
    src = edge_index[0].astype(_i32)
    dst = edge_index[1].astype(_i32)
    bat = edge_batch.astype(_i32)

    npad = EP - N_EDGES
    src_p = jnp.concatenate([src, jnp.zeros((npad,), _i32)])
    dst_p = jnp.concatenate(
        [dst, N_NODES + (jnp.arange(npad, dtype=_i32) % (NSEG - N_NODES))])
    bat_p = jnp.concatenate([bat, jnp.zeros((npad,), _i32)])

    wsrc = jnp.concatenate([Wg1[:D_H], Ws1[:D_H]], axis=1)
    wdst = jnp.concatenate([Wg1[D_H:2 * D_H], Ws1[D_H:2 * D_H]], axis=1)
    wq = Wg1[2 * D_H:]
    we = Ws1[2 * D_H:]

    tsrc, tdst, cg = _node_tables(h, wsrc, wdst, q, wq, bg1.reshape(1, -1))
    w4 = jnp.kron(jnp.eye(4, dtype=_f32), we)
    b4 = jnp.tile(bs1, 4).reshape(1, -1)
    es = _edge_es(e.reshape(-1, 4 * D_E), w4, b4)

    rot = (jnp.arange(D_HIDDEN, dtype=_i32)[:, None]
           + jnp.arange(16, dtype=_i32)[None, :]) % D_HIDDEN
    params = jnp.concatenate([
        Wg2[:, 0][rot],
        Ws2[:, 0][rot],
        jnp.broadcast_to(bg2.reshape(1, 1), (1, 16)),
        jnp.broadcast_to(bs2.reshape(1, 1), (1, 16)),
        jnp.zeros((2, 16), _f32),
    ]).reshape(-1)

    ev, partials = _edge_kernel(src_p.reshape(-1, CH), dst_p.reshape(-1, CH),
                                bat_p, tsrc, tdst,
                                es, params, cg.reshape(-1))
    return _norm_kernel(partials, ev, dst)

# --- scband reference (transcript-rebuilt; emitter-appended) ---
"""Pipeline reference for scband-edge-reweighting-69389491634806 (READ-ONLY COPY).

The authoritative reference and input builder live on the scoring server;
editing this copy changes nothing except your own understanding.
"""

import jax, jax.numpy as jnp
import numpy as np

N_NODES = 10000
N_EDGES = 320000
D_H = 128
D_E = 16
D_Q = 128
D_HIDDEN = 32
N_GRAPHS = 64


def _mlp(x, W1, b1, W2, b2):
    # Linear -> ReLU -> Linear (use_layer_norm=False)
    hidden = jnp.maximum(x @ W1 + b1, 0.0)
    return hidden @ W2 + b2


def setup_inputs(seed: int = 0) -> dict:
    key = jax.random.key(seed)
    ks = jax.random.split(key, 16)
    h = jax.random.normal(ks[0], (N_NODES, D_H), dtype=jnp.float32)
    e = jax.random.normal(ks[1], (N_EDGES, D_E), dtype=jnp.float32)
    q = jax.random.normal(ks[2], (N_GRAPHS, D_Q), dtype=jnp.float32)
    edge_index = jax.random.randint(ks[3], (2, N_EDGES), 0, N_NODES)
    edge_batch = jnp.sort(jax.random.randint(ks[4], (N_EDGES,), 0, N_GRAPHS))
    d_gate_in = D_H + D_H + D_Q
    d_score_in = D_H + D_H + D_E
    Wg1 = jax.random.normal(ks[5], (d_gate_in, D_HIDDEN), dtype=jnp.float32) / np.sqrt(d_gate_in)
    bg1 = jnp.zeros((D_HIDDEN,), dtype=jnp.float32)
    Wg2 = jax.random.normal(ks[6], (D_HIDDEN, 1), dtype=jnp.float32) / np.sqrt(D_HIDDEN)
    bg2 = jnp.zeros((1,), dtype=jnp.float32)
    Ws1 = jax.random.normal(ks[7], (d_score_in, D_HIDDEN), dtype=jnp.float32) / np.sqrt(d_score_in)
    bs1 = jnp.zeros((D_HIDDEN,), dtype=jnp.float32)
    Ws2 = jax.random.normal(ks[8], (D_HIDDEN, 1), dtype=jnp.float32) / np.sqrt(D_HIDDEN)
    bs2 = jnp.zeros((1,), dtype=jnp.float32)
    return {"h": h, "e": e, "q": q, "edge_index": edge_index, "edge_batch": edge_batch,
            "Wg1": Wg1, "bg1": bg1, "Wg2": Wg2, "bg2": bg2,
            "Ws1": Ws1, "bs1": bs1, "Ws2": Ws2, "bs2": bs2}


def reference(h, e, q, edge_index, edge_batch, Wg1, bg1, Wg2, bg2, Ws1, bs1, Ws2, bs2):
    src = edge_index[0]
    dst = edge_index[1]
    h_i = h[src]
    h_j = h[dst]
    q_e = q[edge_batch]
    gate_input = jnp.concatenate([h_i, h_j, q_e], axis=-1)
    gate = jax.nn.sigmoid(_mlp(gate_input, Wg1, bg1, Wg2, bg2)).squeeze(-1)
    score_input = jnp.concatenate([h_i, h_j, e], axis=-1)
    score = _mlp(score_input, Ws1, bs1, Ws2, bs2).squeeze(-1)
    raw = gate * score
    # destination-wise softmax (global_softmax=False)
    max_vals = jax.ops.segment_max(raw, dst, num_segments=N_NODES)
    shifted = raw - max_vals[dst]
    exp_vals = jnp.exp(shifted)
    sum_exp = jax.ops.segment_sum(exp_vals, dst, num_segments=N_NODES)
    denom = jnp.maximum(sum_exp[dst], 1e-9)
    edge_weight = exp_vals / denom
    return edge_weight

if __name__ == "__main__":
    import jax
    _d = setup_inputs()
    print(jax.jit(kernel)(*tuple(_d.values())))

</pallas_src>

<mosaic_0001>
#map = affine_map<(d0, d1) -> (0, 0)>
#map1 = affine_map<(d0, d1) -> (0)>
module attributes {stable_mosaic.version = 14 : i64} {
  func.func @_edge_kernel(%arg0: i32, %arg1: i32, %arg2: memref<2560x128xi32, #tpu.memory_space<hbm>>, %arg3: memref<2560x128xi32, #tpu.memory_space<hbm>>, %arg4: memref<327680xi32, #tpu.memory_space<hbm>>, %arg5: memref<10000x64xf32, #tpu.memory_space<hbm>>, %arg6: memref<10000x64xf32, #tpu.memory_space<hbm>>, %arg7: memref<80000x128xf32, #tpu.memory_space<hbm>>, %arg8: memref<1088xf32, #tpu.memory_space<hbm>>, %arg9: memref<2048xf32, #tpu.memory_space<hbm>>, %arg10: memref<327680xf32, #tpu.memory_space<hbm>>, %arg11: memref<2x10240xf32, #tpu.memory_space<hbm>>, %arg12: memref<104x128xi32, #tpu.memory_space<vmem>>, %arg13: memref<104x128xi32, #tpu.memory_space<vmem>>, %arg14: memref<13312xi32, #tpu.memory_space<vmem>>, %arg15: memref<128x64xf32, #tpu.memory_space<vmem>>, %arg16: memref<128x64xf32, #tpu.memory_space<vmem>>, %arg17: memref<128x64xf32, #tpu.memory_space<vmem>>, %arg18: memref<128x64xf32, #tpu.memory_space<vmem>>, %arg19: memref<32x128xf32, #tpu.memory_space<vmem>>, %arg20: memref<32x128xf32, #tpu.memory_space<vmem>>, %arg21: memref<128xf32, #tpu.memory_space<vmem>>, %arg22: memref<128xf32, #tpu.memory_space<vmem>>, %arg23: memref<1088xf32, #tpu.memory_space<vmem>>, %arg24: memref<2048xf32, #tpu.memory_space<vmem>>, %arg25: memref<640xf32, #tpu.memory_space<vmem>>, %arg26: memref<10240xf32, #tpu.memory_space<vmem_shared>>, %arg27: memref<!tpu.dma_semaphore, #tpu.memory_space<semaphore_mem>>, %arg28: memref<!tpu.dma_semaphore, #tpu.memory_space<semaphore_mem>>, %arg29: memref<!tpu.dma_semaphore, #tpu.memory_space<semaphore_mem>>, %arg30: memref<!tpu.dma_semaphore, #tpu.memory_space<semaphore_mem>>, %arg31: memref<!tpu.dma_semaphore, #tpu.memory_space<semaphore_mem>>, %arg32: memref<!tpu.dma_semaphore, #tpu.memory_space<semaphore_mem>>, %arg33: memref<!tpu.dma_semaphore, #tpu.memory_space<semaphore_mem>>, %arg34: memref<!tpu.dma_semaphore, #tpu.memory_space<semaphore_mem>>) attributes {dimension_semantics = [#tpu.dimension_semantics<core_parallel>, #tpu.dimension_semantics<subcore_parallel>], iteration_bounds = array<i64: 2, 16>, scalar_prefetch = 0 : i64, scratch_operands = 23 : i64, tpu.core_type = #tpu.core_type<sc_vector_subcore>, window_params = [{transform_indices = #map}, {transform_indices = #map}, {transform_indices = #map1}, {transform_indices = #map}, {transform_indices = #map}, {transform_indices = #map}, {transform_indices = #map1}, {transform_indices = #map1}, {transform_indices = #map1}, {transform_indices = #map}]} {
    %mul3A = arith.constant 16 : i32
    %mul3A_0 = arith.muli %arg0, %mul3A : i32
    %add3A = arith.addi %mul3A_0, %arg1 : i32
    %eq3A = arith.constant 1 : i32
    %eq3A_1 = arith.cmpi eq, %arg0, %eq3A : i32
    %jit3A = arith.constant 56 : i32
    %jit3A_2 = arith.constant 104 : i32
    %select_n3A = arith.select %eq3A_1, %jit3A, %jit3A_2 : i32
    %eq3A_3 = arith.constant 1 : i32
    %eq3A_4 = arith.cmpi eq, %arg0, %eq3A_3 : i32
    %mul3A_5 = arith.constant 56 : i32
    %mul3A_6 = arith.muli %arg1, %mul3A_5 : i32
    %mul3A_7 = arith.constant 104 : i32
    %mul3A_8 = arith.muli %arg1, %mul3A_7 : i32
    %add3A_9 = arith.constant 896 : i32
    %add3A_10 = arith.addi %add3A_9, %mul3A_8 : i32
    %select_n3A_11 = arith.select %eq3A_4, %mul3A_6, %add3A_10 : i32
    %mul3A_12 = arith.constant 128 : i32
    %mul3A_13 = arith.muli %select_n3A_11, %mul3A_12 : i32
    "tpu.region"() ({
      %run_scoped3A = tpu.sem_alloc : memref<!tpu.dma_semaphore, #tpu.memory_space<semaphore_mem>>
      tpu.enqueue_dma source(%arg8 : memref<1088xf32, #tpu.memory_space<hbm>>) target(%arg23 : memref<1088xf32, #tpu.memory_space<vmem>>) target_semaphore(%run_scoped3A : memref<!tpu.dma_semaphore, #tpu.memory_space<semaphore_mem>>)
      tpu.wait_dma2 semaphore(%run_scoped3A : memref<!tpu.dma_semaphore, #tpu.memory_space<semaphore_mem>>) src(%arg8 : memref<1088xf32, #tpu.memory_space<hbm>>) dst(%arg23 : memref<1088xf32, #tpu.memory_space<vmem>>)
      tpu.yield
    }) : () -> ()
    "tpu.region"() ({
      %run_scoped3A = tpu.sem_alloc : memref<!tpu.dma_semaphore, #tpu.memory_space<semaphore_mem>>
      tpu.enqueue_dma source(%arg9 : memref<2048xf32, #tpu.memory_space<hbm>>) target(%arg24 : memref<2048xf32, #tpu.memory_space<vmem>>) target_semaphore(%run_scoped3A : memref<!tpu.dma_semaphore, #tpu.memory_space<semaphore_mem>>)
      tpu.wait_dma2 semaphore(%run_scoped3A : memref<!tpu.dma_semaphore, #tpu.memory_space<semaphore_mem>>) src(%arg9 : memref<2048xf32, #tpu.memory_space<hbm>>) dst(%arg24 : memref<2048xf32, #tpu.memory_space<vmem>>)
      tpu.yield
    }) : () -> ()
    "tpu.region"() ({
      %run_scoped3A = tpu.sem_alloc : memref<!tpu.dma_semaphore, #tpu.memory_space<semaphore_mem>>
      %dma_start3A_123 = arith.constant 0 : i32
      %dma_start3A_124 = tpu.memref_slice %arg2[%select_n3A_11, %dma_start3A_123] : memref<2560x128xi32, #tpu.memory_space<hbm>> -> memref<104x128xi32, #tpu.memory_space<hbm>>
      %dma_start3A_125 = arith.constant 0 : i32
      %dma_start3A_126 = tpu.memref_slice %arg2[%select_n3A_11, %dma_start3A_125] : memref<2560x128xi32, #tpu.memory_space<hbm>> -> memref<104x128xi32, #tpu.memory_space<hbm>>
      tpu.enqueue_dma source(%dma_start3A_126 : memref<104x128xi32, #tpu.memory_space<hbm>>) target(%arg12 : memref<104x128xi32, #tpu.memory_space<vmem>>) target_semaphore(%run_scoped3A : memref<!tpu.dma_semaphore, #tpu.memory_space<semaphore_mem>>)
      %dma_wait3A_127 = arith.constant 0 : i32
      %dma_wait3A_128 = tpu.memref_slice %arg2[%select_n3A_11, %dma_wait3A_127] : memref<2560x128xi32, #tpu.memory_space<hbm>> -> memref<104x128xi32, #tpu.memory_space<hbm>>
      %dma_wait3A_129 = arith.constant 0 : i32
      %dma_wait3A_130 = tpu.memref_slice %arg2[%select_n3A_11, %dma_wait3A_129] : memref<2560x128xi32, #tpu.memory_space<hbm>> -> memref<104x128xi32, #tpu.memory_space<hbm>>
      tpu.wait_dma2 semaphore(%run_scoped3A : memref<!tpu.dma_semaphore, #tpu.memory_space<semaphore_mem>>) src(%dma_wait3A_130 : memref<104x128xi32, #tpu.memory_space<hbm>>) dst(%arg12 : memref<104x128xi32, #tpu.memory_space<vmem>>)
      tpu.yield
    }) : () -> ()
    "tpu.region"() ({
      %run_scoped3A = tpu.sem_alloc : memref<!tpu.dma_semaphore, #tpu.memory_space<semaphore_mem>>
      %dma_start3A_123 = arith.constant 0 : i32
      %dma_start3A_124 = tpu.memref_slice %arg3[%select_n3A_11, %dma_start3A_123] : memref<2560x128xi32, #tpu.memory_space<hbm>> -> memref<104x128xi32, #tpu.memory_space<hbm>>
      %dma_start3A_125 = arith.constant 0 : i32
      %dma_start3A_126 = tpu.memref_slice %arg3[%select_n3A_11, %dma_start3A_125] : memref<2560x128xi32, #tpu.memory_space<hbm>> -> memref<104x128xi32, #tpu.memory_space<hbm>>
      tpu.enqueue_dma source(%dma_start3A_126 : memref<104x128xi32, #tpu.memory_space<hbm>>) target(%arg13 : memref<104x128xi32, #tpu.memory_space<vmem>>) target_semaphore(%run_scoped3A : memref<!tpu.dma_semaphore, #tpu.memory_space<semaphore_mem>>)
      %dma_wait3A_127 = arith.constant 0 : i32
      %dma_wait3A_128 = tpu.memref_slice %arg3[%select_n3A_11, %dma_wait3A_127] : memref<2560x128xi32, #tpu.memory_space<hbm>> -> memref<104x128xi32, #tpu.memory_space<hbm>>
      %dma_wait3A_129 = arith.constant 0 : i32
      %dma_wait3A_130 = tpu.memref_slice %arg3[%select_n3A_11, %dma_wait3A_129] : memref<2560x128xi32, #tpu.memory_space<hbm>> -> memref<104x128xi32, #tpu.memory_space<hbm>>
      tpu.wait_dma2 semaphore(%run_scoped3A : memref<!tpu.dma_semaphore, #tpu.memory_space<semaphore_mem>>) src(%dma_wait3A_130 : memref<104x128xi32, #tpu.memory_space<hbm>>) dst(%arg13 : memref<104x128xi32, #tpu.memory_space<vmem>>)
      tpu.yield
    }) : () -> ()
    "tpu.region"() ({
      %run_scoped3A = tpu.sem_alloc : memref<!tpu.dma_semaphore, #tpu.memory_space<semaphore_mem>>
      %dma_start3A_123 = tpu.memref_slice %arg4[%mul3A_13] : memref<327680xi32, #tpu.memory_space<hbm>> -> memref<13312xi32, #tpu.memory_space<hbm>>
      %dma_start3A_124 = tpu.memref_slice %arg4[%mul3A_13] : memref<327680xi32, #tpu.memory_space<hbm>> -> memref<13312xi32, #tpu.memory_space<hbm>>
      tpu.enqueue_dma source(%dma_start3A_124 : memref<13312xi32, #tpu.memory_space<hbm>>) target(%arg14 : memref<13312xi32, #tpu.memory_space<vmem>>) target_semaphore(%run_scoped3A : memref<!tpu.dma_semaphore, #tpu.memory_space<semaphore_mem>>)
      %dma_wait3A_125 = tpu.memref_slice %arg4[%mul3A_13] : memref<327680xi32, #tpu.memory_space<hbm>> -> memref<13312xi32, #tpu.memory_space<hbm>>
      %dma_wait3A_126 = tpu.memref_slice %arg4[%mul3A_13] : memref<327680xi32, #tpu.memory_space<hbm>> -> memref<13312xi32, #tpu.memory_space<hbm>>
      tpu.wait_dma2 semaphore(%run_scoped3A : memref<!tpu.dma_semaphore, #tpu.memory_space<semaphore_mem>>) src(%dma_wait3A_126 : memref<13312xi32, #tpu.memory_space<hbm>>) dst(%arg14 : memref<13312xi32, #tpu.memory_space<vmem>>)
      tpu.yield
    }) : () -> ()
    %broadcast_in_dim3A = arith.constant 0.000000e+00 : f32
    %broadcast_in_dim3A_14 = vector.broadcast %broadcast_in_dim3A : f32 to vector<16xf32>
    %scan3A = arith.constant 0 : i32
    %scan3A_15 = arith.constant 0 : i32
    %scan3A_16 = arith.constant 40 : i32
    %scan3A_17 = arith.addi %scan3A_15, %scan3A_16 : i32
    %scan3A_18 = arith.constant 1 : i32
    scf.for %scan3A_123 = %scan3A_15 to %scan3A_17 step %scan3A_18  : i32 {
      %mul3A_124 = arith.constant 16 : i32
      %mul3A_125 = arith.muli %scan3A_123, %mul3A_124 : i32
      %swap3A = arith.index_cast %mul3A_125 : i32 to index
      %swap3A_126 = tpu.vector_load %arg25[%swap3A] {strides = array<i32>} : memref<640xf32, #tpu.memory_space<vmem>>, vector<16xf32>,
      tpu.vector_store %arg25[%swap3A], %broadcast_in_dim3A_14 {strides = array<i32>} : memref<640xf32, #tpu.memory_space<vmem>>, vector<16xf32>,
    }
    %scan3A_19 = arith.constant 40 : i32
    %mul3A_20 = arith.constant 640 : i32
    %mul3A_21 = arith.muli %arg1, %mul3A_20 : i32
    "tpu.region"() ({
      %run_scoped3A = tpu.sem_alloc : memref<!tpu.dma_semaphore, #tpu.memory_space<semaphore_mem>>
      %dma_start3A_123 = tpu.memref_slice %arg26[%mul3A_21] : memref<10240xf32, #tpu.memory_space<vmem_shared>> -> memref<640xf32, #tpu.memory_space<vmem_shared>>
      %dma_start3A_124 = tpu.memref_slice %arg26[%mul3A_21] : memref<10240xf32, #tpu.memory_space<vmem_shared>> -> memref<640xf32, #tpu.memory_space<vmem_shared>>
      tpu.enqueue_dma source(%arg25 : memref<640xf32, #tpu.memory_space<vmem>>) target(%dma_start3A_124 : memref<640xf32, #tpu.memory_space<vmem_shared>>) target_semaphore(%run_scoped3A : memref<!tpu.dma_semaphore, #tpu.memory_space<semaphore_mem>>)
      %dma_wait3A_125 = tpu.memref_slice %arg26[%mul3A_21] : memref<10240xf32, #tpu.memory_space<vmem_shared>> -> memref<640xf32, #tpu.memory_space<vmem_shared>>
      %dma_wait3A_126 = tpu.memref_slice %arg26[%mul3A_21] : memref<10240xf32, #tpu.memory_space<vmem_shared>> -> memref<640xf32, #tpu.memory_space<vmem_shared>>
      tpu.wait_dma2 semaphore(%run_scoped3A : memref<!tpu.dma_semaphore, #tpu.memory_space<semaphore_mem>>) src(%arg25 : memref<640xf32, #tpu.memory_space<vmem>>) dst(%dma_wait3A_126 : memref<640xf32, #tpu.memory_space<vmem_shared>>)
      tpu.yield
    }) : () -> ()
    %barrier3A = arith.constant 0 : index
    tpu.barrier barrier_id(%barrier3A)
    %iota3A = tpu.iota {dimensions = array<i32: 0>} : vector<16xi32>
    %get3A = arith.constant 1024 : index
    %get3A_22 = tpu.vector_load %arg23[%get3A] {strides = array<i32>} : memref<1088xf32, #tpu.memory_space<vmem>>, vector<16xf32>,
    %get3A_23 = arith.constant 1040 : index
    %get3A_24 = tpu.vector_load %arg23[%get3A_23] {strides = array<i32>} : memref<1088xf32, #tpu.memory_space<vmem>>, vector<16xf32>,
    %add3A_25 = arith.constant 0 : i32
    %add3A_26 = arith.addi %mul3A_13, %add3A_25 : i32
    %min3A = arith.constant 319872 : i32
    %min3A_27 = arith.minsi %add3A_26, %min3A : i32
    %jit3A_28 = arith.constant 4 : i32
    %div3A = arith.divsi %min3A_27, %jit3A_28 : i32
    %sign3A = arith.constant 0 : i32
    %sign3A_29 = arith.cmpi sgt, %min3A_27, %sign3A : i32
    %sign3A_30 = arith.extui %sign3A_29 : i1 to i32
    %sign3A_31 = arith.constant 0 : i32
    %sign3A_32 = arith.cmpi slt, %min3A_27, %sign3A_31 : i32
    %sign3A_33 = arith.extui %sign3A_32 : i1 to i32
    %sign3A_34 = arith.subi %sign3A_30, %sign3A_33 : i32
    %sign3A_35 = arith.constant 0 : i32
    %sign3A_36 = arith.cmpi sgt, %jit3A_28, %sign3A_35 : i32
    %sign3A_37 = arith.extui %sign3A_36 : i1 to i32
    %sign3A_38 = arith.constant 0 : i32
    %sign3A_39 = arith.cmpi slt, %jit3A_28, %sign3A_38 : i32
    %sign3A_40 = arith.extui %sign3A_39 : i1 to i32
    %sign3A_41 = arith.subi %sign3A_37, %sign3A_40 : i32
    %ne3A = arith.cmpi ne, %sign3A_34, %sign3A_41 : i32
    %rem3A = arith.remsi %min3A_27, %jit3A_28 : i32
    %ne3A_42 = arith.constant 0 : i32
    %ne3A_43 = arith.cmpi ne, %rem3A, %ne3A_42 : i32
    %and3A = arith.andi %ne3A, %ne3A_43 : i1
    %sub3A = arith.constant 1 : i32
    %sub3A_44 = arith.subi %div3A, %sub3A : i32
    %select_n3A_45 = arith.select %and3A, %sub3A_44, %div3A : i32
    %dma_start3A = arith.constant 0 : i32
    %dma_start3A_46 = arith.constant 0 : i32
    %dma_start3A_47 = tpu.memref_slice %arg12[%dma_start3A, %dma_start3A_46] : memref<104x128xi32, #tpu.memory_space<vmem>> -> memref<1x128xi32, #tpu.memory_space<vmem>>
    %dma_start3A_48 = tpu.memref_squeeze %dma_start3A_47 : memref<1x128xi32, #tpu.memory_space<vmem>> -> memref<128xi32, #tpu.memory_space<vmem>>
    %dma_start3A_49 = arith.constant 0 : i32
    %dma_start3A_50 = arith.constant 0 : i32
    %dma_start3A_51 = tpu.memref_slice %arg5[%dma_start3A_49, %dma_start3A_50] : memref<10000x64xf32, #tpu.memory_space<hbm>> -> memref<10000x64xf32, #tpu.memory_space<hbm>>
    tpu.enqueue_indirect_dma source(%dma_start3A_51 : memref<10000x64xf32, #tpu.memory_space<hbm>>) target(%arg15 : memref<128x64xf32, #tpu.memory_space<vmem>>) offsets(%dma_start3A_48 : memref<128xi32, #tpu.memory_space<vmem>>) semaphore(%arg27 : memref<!tpu.dma_semaphore, #tpu.memory_space<semaphore_mem>>)
    %dma_start3A_52 = arith.constant 0 : i32
    %dma_start3A_53 = arith.constant 0 : i32
    %dma_start3A_54 = tpu.memref_slice %arg13[%dma_start3A_52, %dma_start3A_53] : memref<104x128xi32, #tpu.memory_space<vmem>> -> memref<1x128xi32, #tpu.memory_space<vmem>>
    %dma_start3A_55 = tpu.memref_squeeze %dma_start3A_54 : memref<1x128xi32, #tpu.memory_space<vmem>> -> memref<128xi32, #tpu.memory_space<vmem>>
    %dma_start3A_56 = arith.constant 0 : i32
    %dma_start3A_57 = arith.constant 0 : i32
    %dma_start3A_58 = tpu.memref_slice %arg6[%dma_start3A_56, %dma_start3A_57] : memref<10000x64xf32, #tpu.memory_space<hbm>> -> memref<10000x64xf32, #tpu.memory_space<hbm>>
    tpu.enqueue_indirect_dma source(%dma_start3A_58 : memref<10000x64xf32, #tpu.memory_space<hbm>>) target(%arg17 : memref<128x64xf32, #tpu.memory_space<vmem>>) offsets(%dma_start3A_55 : memref<128xi32, #tpu.memory_space<vmem>>) semaphore(%arg27 : memref<!tpu.dma_semaphore, #tpu.memory_space<semaphore_mem>>)
    %dma_start3A_59 = arith.constant 0 : i32
    %dma_start3A_60 = tpu.memref_slice %arg7[%select_n3A_45, %dma_start3A_59] : memref<80000x128xf32, #tpu.memory_space<hbm>> -> memref<32x128xf32, #tpu.memory_space<hbm>>
    %dma_start3A_61 = arith.constant 0 : i32
    %dma_start3A_62 = tpu.memref_slice %arg7[%select_n3A_45, %dma_start3A_61] : memref<80000x128xf32, #tpu.memory_space<hbm>> -> memref<32x128xf32, #tpu.memory_space<hbm>>
    tpu.enqueue_dma source(%dma_start3A_62 : memref<32x128xf32, #tpu.memory_space<hbm>>) target(%arg19 : memref<32x128xf32, #tpu.memory_space<vmem>>) target_semaphore(%arg29 : memref<!tpu.dma_semaphore, #tpu.memory_space<semaphore_mem>>)
    %jit3A_63 = arith.constant 2 : i32
    %div3A_64 = arith.divsi %select_n3A, %jit3A_63 : i32
    %sign3A_65 = arith.constant 0 : i32
    %sign3A_66 = arith.cmpi sgt, %select_n3A, %sign3A_65 : i32
    %sign3A_67 = arith.extui %sign3A_66 : i1 to i32
    %sign3A_68 = arith.constant 0 : i32
    %sign3A_69 = arith.cmpi slt, %select_n3A, %sign3A_68 : i32
    %sign3A_70 = arith.extui %sign3A_69 : i1 to i32
    %sign3A_71 = arith.subi %sign3A_67, %sign3A_70 : i32
    %sign3A_72 = arith.constant 0 : i32
    %sign3A_73 = arith.cmpi sgt, %jit3A_63, %sign3A_72 : i32
    %sign3A_74 = arith.extui %sign3A_73 : i1 to i32
    %sign3A_75 = arith.constant 0 : i32
    %sign3A_76 = arith.cmpi slt, %jit3A_63, %sign3A_75 : i32
    %sign3A_77 = arith.extui %sign3A_76 : i1 to i32
    %sign3A_78 = arith.subi %sign3A_74, %sign3A_77 : i32
    %ne3A_79 = arith.cmpi ne, %sign3A_71, %sign3A_78 : i32
    %rem3A_80 = arith.remsi %select_n3A, %jit3A_63 : i32
    %ne3A_81 = arith.constant 0 : i32
    %ne3A_82 = arith.cmpi ne, %rem3A_80, %ne3A_81 : i32
    %and3A_83 = arith.andi %ne3A_79, %ne3A_82 : i1
    %sub3A_84 = arith.constant 1 : i32
    %sub3A_85 = arith.subi %div3A_64, %sub3A_84 : i32
    %select_n3A_86 = arith.select %and3A_83, %sub3A_85, %div3A_64 : i32
    %while3A = arith.constant 0 : i32
    %while3A_87 = arith.constant 0 : i32
    %while3A_88 = arith.subi %select_n3A_86, %while3A_87 : i32
    %while3A_89 = arith.addi %while3A_87, %while3A_88 : i32
    %while3A_90 = arith.constant 1 : i32
    %while3A_91 = arith.divsi %while3A_88, %while3A_90 : i32
    %while3A_92 = arith.muli %while3A_91, %while3A_90 : i32
    %while3A_93 = arith.addi %while3A_87, %while3A_92 : i32
    %while3A_94 = arith.constant 1 : i32
    scf.for %while3A_123 = %while3A_87 to %while3A_93 step %while3A_94  : i32 {
      %mul3A_124 = arith.constant 2 : i32
      %mul3A_125 = arith.muli %while3A_123, %mul3A_124 : i32
      %add3A_126 = arith.constant 1 : i32
      %add3A_127 = arith.addi %mul3A_125, %add3A_126 : i32
      %mul3A_128 = arith.constant 128 : i32
      %mul3A_129 = arith.muli %add3A_127, %mul3A_128 : i32
      %add3A_130 = arith.addi %mul3A_13, %mul3A_129 : i32
      %min3A_131 = arith.constant 319872 : i32
      %min3A_132 = arith.minsi %add3A_130, %min3A_131 : i32
      %jit3A_133 = arith.constant 4 : i32
      %div3A_134 = arith.divsi %min3A_132, %jit3A_133 : i32
      %sign3A_135 = arith.constant 0 : i32
      %sign3A_136 = arith.cmpi sgt, %min3A_132, %sign3A_135 : i32
      %sign3A_137 = arith.extui %sign3A_136 : i1 to i32
      %sign3A_138 = arith.constant 0 : i32
      %sign3A_139 = arith.cmpi slt, %min3A_132, %sign3A_138 : i32
      %sign3A_140 = arith.extui %sign3A_139 : i1 to i32
      %sign3A_141 = arith.subi %sign3A_137, %sign3A_140 : i32
      %sign3A_142 = arith.constant 0 : i32
      %sign3A_143 = arith.cmpi sgt, %jit3A_133, %sign3A_142 : i32
      %sign3A_144 = arith.extui %sign3A_143 : i1 to i32
      %sign3A_145 = arith.constant 0 : i32
      %sign3A_146 = arith.cmpi slt, %jit3A_133, %sign3A_145 : i32
      %sign3A_147 = arith.extui %sign3A_146 : i1 to i32
      %sign3A_148 = arith.subi %sign3A_144, %sign3A_147 : i32
      %ne3A_149 = arith.cmpi ne, %sign3A_141, %sign3A_148 : i32
      %rem3A_150 = arith.remsi %min3A_132, %jit3A_133 : i32
      %ne3A_151 = arith.constant 0 : i32
      %ne3A_152 = arith.cmpi ne, %rem3A_150, %ne3A_151 : i32
      %and3A_153 = arith.andi %ne3A_149, %ne3A_152 : i1
      %sub3A_154 = arith.constant 1 : i32
      %sub3A_155 = arith.subi %div3A_134, %sub3A_154 : i32
      %select_n3A_156 = arith.select %and3A_153, %sub3A_155, %div3A_134 : i32
      %dma_start3A_157 = arith.constant 0 : i32
      %dma_start3A_158 = tpu.memref_slice %arg12[%add3A_127, %dma_start3A_157] : memref<104x128xi32, #tpu.memory_space<vmem>> -> memref<1x128xi32, #tpu.memory_space<vmem>>
      %dma_start3A_159 = tpu.memref_squeeze %dma_start3A_158 : memref<1x128xi32, #tpu.memory_space<vmem>> -> memref<128xi32, #tpu.memory_space<vmem>>
      %dma_start3A_160 = arith.constant 0 : i32
      %dma_start3A_161 = arith.constant 0 : i32
      %dma_start3A_162 = tpu.memref_slice %arg5[%dma_start3A_160, %dma_start3A_161] : memref<10000x64xf32, #tpu.memory_space<hbm>> -> memref<10000x64xf32, #tpu.memory_space<hbm>>
      tpu.enqueue_indirect_dma source(%dma_start3A_162 : memref<10000x64xf32, #tpu.memory_space<hbm>>) target(%arg16 : memref<128x64xf32, #tpu.memory_space<vmem>>) offsets(%dma_start3A_159 : memref<128xi32, #tpu.memory_space<vmem>>) semaphore(%arg28 : memref<!tpu.dma_semaphore, #tpu.memory_space<semaphore_mem>>)
      %dma_start3A_163 = arith.constant 0 : i32
      %dma_start3A_164 = tpu.memref_slice %arg13[%add3A_127, %dma_start3A_163] : memref<104x128xi32, #tpu.memory_space<vmem>> -> memref<1x128xi32, #tpu.memory_space<vmem>>
      %dma_start3A_165 = tpu.memref_squeeze %dma_start3A_164 : memref<1x128xi32, #tpu.memory_space<vmem>> -> memref<128xi32, #tpu.memory_space<vmem>>
      %dma_start3A_166 = arith.constant 0 : i32
      %dma_start3A_167 = arith.constant 0 : i32
      %dma_start3A_168 = tpu.memref_slice %arg6[%dma_start3A_166, %dma_start3A_167] : memref<10000x64xf32, #tpu.memory_space<hbm>> -> memref<10000x64xf32, #tpu.memory_space<hbm>>
      tpu.enqueue_indirect_dma source(%dma_start3A_168 : memref<10000x64xf32, #tpu.memory_space<hbm>>) target(%arg18 : memref<128x64xf32, #tpu.memory_space<vmem>>) offsets(%dma_start3A_165 : memref<128xi32, #tpu.memory_space<vmem>>) semaphore(%arg28 : memref<!tpu.dma_semaphore, #tpu.memory_space<semaphore_mem>>)
      %dma_start3A_169 = arith.constant 0 : i32
      %dma_start3A_170 = tpu.memref_slice %arg7[%select_n3A_156, %dma_start3A_169] : memref<80000x128xf32, #tpu.memory_space<hbm>> -> memref<32x128xf32, #tpu.memory_space<hbm>>
      %dma_start3A_171 = arith.constant 0 : i32
      %dma_start3A_172 = tpu.memref_slice %arg7[%select_n3A_156, %dma_start3A_171] : memref<80000x128xf32, #tpu.memory_space<hbm>> -> memref<32x128xf32, #tpu.memory_space<hbm>>
      tpu.enqueue_dma source(%dma_start3A_172 : memref<32x128xf32, #tpu.memory_space<hbm>>) target(%arg20 : memref<32x128xf32, #tpu.memory_space<vmem>>) target_semaphore(%arg30 : memref<!tpu.dma_semaphore, #tpu.memory_space<semaphore_mem>>)
      %mul3A_173 = arith.constant 128 : i32
      %mul3A_174 = arith.muli %mul3A_125, %mul3A_173 : i32
      %add3A_175 = arith.addi %mul3A_13, %mul3A_174 : i32
      %min3A_176 = arith.constant 319872 : i32
      %min3A_177 = arith.minsi %add3A_175, %min3A_176 : i32
      %jit3A_178 = arith.constant 4 : i32
      %div3A_179 = arith.divsi %min3A_177, %jit3A_178 : i32
      %sign3A_180 = arith.constant 0 : i32
      %sign3A_181 = arith.cmpi sgt, %min3A_177, %sign3A_180 : i32
      %sign3A_182 = arith.extui %sign3A_181 : i1 to i32
      %sign3A_183 = arith.constant 0 : i32
      %sign3A_184 = arith.cmpi slt, %min3A_177, %sign3A_183 : i32
      %sign3A_185 = arith.extui %sign3A_184 : i1 to i32
      %sign3A_186 = arith.subi %sign3A_182, %sign3A_185 : i32
      %sign3A_187 = arith.constant 0 : i32
      %sign3A_188 = arith.cmpi sgt, %jit3A_178, %sign3A_187 : i32
      %sign3A_189 = arith.extui %sign3A_188 : i1 to i32
      %sign3A_190 = arith.constant 0 : i32
      %sign3A_191 = arith.cmpi slt, %jit3A_178, %sign3A_190 : i32
      %sign3A_192 = arith.extui %sign3A_191 : i1 to i32
      %sign3A_193 = arith.subi %sign3A_189, %sign3A_192 : i32
      %ne3A_194 = arith.cmpi ne, %sign3A_186, %sign3A_193 : i32
      %rem3A_195 = arith.remsi %min3A_177, %jit3A_178 : i32
      %ne3A_196 = arith.constant 0 : i32
      %ne3A_197 = arith.cmpi ne, %rem3A_195, %ne3A_196 : i32
      %and3A_198 = arith.andi %ne3A_194, %ne3A_197 : i1
      %sub3A_199 = arith.constant 1 : i32
      %sub3A_200 = arith.subi %div3A_179, %sub3A_199 : i32
      %select_n3A_201 = arith.select %and3A_198, %sub3A_200, %div3A_179 : i32
      %dma_wait3A_202 = arith.constant 0 : i32
      %dma_wait3A_203 = tpu.memref_slice %arg12[%mul3A_125, %dma_wait3A_202] : memref<104x128xi32, #tpu.memory_space<vmem>> -> memref<1x128xi32, #tpu.memory_space<vmem>>
      %dma_wait3A_204 = tpu.memref_squeeze %dma_wait3A_203 : memref<1x128xi32, #tpu.memory_space<vmem>> -> memref<128xi32, #tpu.memory_space<vmem>>
      %dma_wait3A_205 = arith.constant 0 : i32
      %dma_wait3A_206 = arith.constant 0 : i32
      %dma_wait3A_207 = tpu.memref_slice %arg5[%dma_wait3A_205, %dma_wait3A_206] : memref<10000x64xf32, #tpu.memory_space<hbm>> -> memref<10000x64xf32, #tpu.memory_space<hbm>>
      tpu.wait_indirect_dma semaphore(%arg27 : memref<!tpu.dma_semaphore, #tpu.memory_space<semaphore_mem>>) src(%dma_wait3A_207 : memref<10000x64xf32, #tpu.memory_space<hbm>>) dst(%arg15 : memref<128x64xf32, #tpu.memory_space<vmem>>)
      %dma_wait3A_208 = arith.constant 0 : i32
      %dma_wait3A_209 = tpu.memref_slice %arg13[%mul3A_125, %dma_wait3A_208] : memref<104x128xi32, #tpu.memory_space<vmem>> -> memref<1x128xi32, #tpu.memory_space<vmem>>
      %dma_wait3A_210 = tpu.memref_squeeze %dma_wait3A_209 : memref<1x128xi32, #tpu.memory_space<vmem>> -> memref<128xi32, #tpu.memory_space<vmem>>
      %dma_wait3A_211 = arith.constant 0 : i32
      %dma_wait3A_212 = arith.constant 0 : i32
      %dma_wait3A_213 = tpu.memref_slice %arg6[%dma_wait3A_211, %dma_wait3A_212] : memref<10000x64xf32, #tpu.memory_space<hbm>> -> memref<10000x64xf32, #tpu.memory_space<hbm>>
      tpu.wait_indirect_dma semaphore(%arg27 : memref<!tpu.dma_semaphore, #tpu.memory_space<semaphore_mem>>) src(%dma_wait3A_213 : memref<10000x64xf32, #tpu.memory_space<hbm>>) dst(%arg17 : memref<128x64xf32, #tpu.memory_space<vmem>>)
      %dma_wait3A_214 = arith.constant 0 : i32
      %dma_wait3A_215 = tpu.memref_slice %arg7[%select_n3A_201, %dma_wait3A_214] : memref<80000x128xf32, #tpu.memory_space<hbm>> -> memref<32x128xf32, #tpu.memory_space<hbm>>
      %dma_wait3A_216 = arith.constant 0 : i32
      %dma_wait3A_217 = tpu.memref_slice %arg7[%select_n3A_201, %dma_wait3A_216] : memref<80000x128xf32, #tpu.memory_space<hbm>> -> memref<32x128xf32, #tpu.memory_space<hbm>>
      tpu.wait_dma2 semaphore(%arg29 : memref<!tpu.dma_semaphore, #tpu.memory_space<semaphore_mem>>) src(%dma_wait3A_217 : memref<32x128xf32, #tpu.memory_space<hbm>>) dst(%arg19 : memref<32x128xf32, #tpu.memory_space<vmem>>)
      %ge3A = arith.constant 2 : i32
      %ge3A_218 = arith.cmpi sge, %mul3A_125, %ge3A : i32
      %convert_element_type3A_219 = arith.extui %ge3A_218 : i1 to i32
      %cond3A_220 = arith.constant 0 : i32
      %cond3A_221 = arith.cmpi ne, %convert_element_type3A_219, %cond3A_220 : i32
      scf.if %cond3A_221 {
        %sub3A_309 = arith.constant 2 : i32
        %sub3A_310 = arith.subi %mul3A_125, %sub3A_309 : i32
        %mul3A_311 = arith.constant 128 : i32
        %mul3A_312 = arith.muli %sub3A_310, %mul3A_311 : i32
        %add3A_313 = arith.addi %mul3A_13, %mul3A_312 : i32
        %dma_wait3A_314 = tpu.memref_slice %arg10[%add3A_313] : memref<327680xf32, #tpu.memory_space<hbm>> -> memref<128xf32, #tpu.memory_space<hbm>>
        %dma_wait3A_315 = tpu.memref_slice %arg10[%add3A_313] : memref<327680xf32, #tpu.memory_space<hbm>> -> memref<128xf32, #tpu.memory_space<hbm>>
        tpu.wait_dma2 semaphore(%arg31 : memref<!tpu.dma_semaphore, #tpu.memory_space<semaphore_mem>>) src(%arg21 : memref<128xf32, #tpu.memory_space<vmem>>) dst(%dma_wait3A_315 : memref<128xf32, #tpu.memory_space<hbm>>)
        %dma_wait3A_316 = arith.constant 0 : i32
        %dma_wait3A_317 = tpu.memref_slice %arg13[%sub3A_310, %dma_wait3A_316] : memref<104x128xi32, #tpu.memory_space<vmem>> -> memref<1x128xi32, #tpu.memory_space<vmem>>
        %dma_wait3A_318 = tpu.memref_squeeze %dma_wait3A_317 : memref<1x128xi32, #tpu.memory_space<vmem>> -> memref<128xi32, #tpu.memory_space<vmem>>
        %dma_wait3A_319 = arith.constant 0 : i32
        %dma_wait3A_320 = tpu.memref_slice %arg26[%dma_wait3A_319] : memref<10240xf32, #tpu.memory_space<vmem_shared>> -> memref<10240xf32, #tpu.memory_space<vmem_shared>>
        tpu.wait_indirect_dma semaphore(%arg33 : memref<!tpu.dma_semaphore, #tpu.memory_space<semaphore_mem>>) src(%arg21 : memref<128xf32, #tpu.memory_space<vmem>>) dst(%dma_wait3A_320 : memref<10240xf32, #tpu.memory_space<vmem_shared>>)
      } else {
      }
      %scan3A_222 = arith.constant 0 : i32
      %scan3A_223 = arith.constant 0 : i32
      %scan3A_224 = arith.constant 8 : i32
      %scan3A_225 = arith.addi %scan3A_223, %scan3A_224 : i32
      %scan3A_226 = arith.constant 1 : i32
      scf.for %scan3A_309 = %scan3A_223 to %scan3A_225 step %scan3A_226  : i32 {
        %mul3A_310 = arith.constant 16 : i32
        %mul3A_311 = arith.muli %scan3A_309, %mul3A_310 : i32
        %add3A_312 = vector.broadcast %mul3A_311 : i32 to vector<16xi32>
        %add3A_313 = arith.addi %iota3A, %add3A_312 : vector<16xi32>
        %shift_right_logical3A = arith.constant 2 : i32
        %shift_right_logical3A_314 = vector.broadcast %shift_right_logical3A : i32 to vector<16xi32>
        %shift_right_logical3A_315 = arith.shrui %iota3A, %shift_right_logical3A_314 : vector<16xi32>
        %mul3A_316 = arith.constant 4 : i32
        %mul3A_317 = arith.muli %scan3A_309, %mul3A_316 : i32
        %add3A_318 = vector.broadcast %mul3A_317 : i32 to vector<16xi32>
        %add3A_319 = arith.addi %shift_right_logical3A_315, %add3A_318 : vector<16xi32>
        %and3A_320 = arith.constant 3 : i32
        %and3A_321 = vector.broadcast %and3A_320 : i32 to vector<16xi32>
        %and3A_322 = arith.andi %iota3A, %and3A_321 : vector<16xi32>
        %shift_left3A = arith.constant 5 : i32
        %shift_left3A_323 = vector.broadcast %shift_left3A : i32 to vector<16xi32>
        %shift_left3A_324 = arith.shli %and3A_322, %shift_left3A_323 : vector<16xi32>
        %mul3A_325 = arith.constant 128 : i32
        %mul3A_326 = arith.muli %mul3A_125, %mul3A_325 : i32
        %add3A_327 = vector.broadcast %mul3A_326 : i32 to vector<16xi32>
        %add3A_328 = arith.addi %add3A_327, %add3A_313 : vector<16xi32>
        %gather3A = tpu.vector_load_idx %arg14[%add3A_328] : memref<13312xi32, #tpu.memory_space<vmem>>[vector<16xi32>], vector<16xi32>,
        %mul3A_329 = arith.constant 32 : i32
        %mul3A_330 = vector.broadcast %mul3A_329 : i32 to vector<16xi32>
        %mul3A_331 = arith.muli %gather3A, %mul3A_330 : vector<16xi32>
        %broadcast_in_dim3A_332 = arith.constant 0.000000e+00 : f32
        %broadcast_in_dim3A_333 = vector.broadcast %broadcast_in_dim3A_332 : f32 to vector<16xf32>
        %scan3A_334 = arith.constant 0 : i32
        %scan3A_335 = arith.constant 8 : i32
        %scan3A_336 = arith.addi %scan3A_334, %scan3A_335 : i32
        %scan3A_337 = arith.constant 1 : i32
        %scan3A_338:3 = scf.for %scan3A_352 = %scan3A_334 to %scan3A_336 step %scan3A_337 iter_args(%scan3A_353 = %iota3A, %scan3A_354 = %broadcast_in_dim3A_333, %scan3A_355 = %broadcast_in_dim3A_333) -> (vector<16xi32>, vector<16xf32>, vector<16xf32>)  : i32 {
          %mul3A_356 = arith.constant 4 : i32
          %mul3A_357 = arith.muli %scan3A_352, %mul3A_356 : i32
          %add3A_358 = arith.constant 0 : i32
          %add3A_359 = arith.addi %mul3A_357, %add3A_358 : i32
          %mul3A_360 = arith.constant 16 : i32
          %mul3A_361 = arith.muli %add3A_359, %mul3A_360 : i32
          %get3A_362 = arith.index_cast %mul3A_361 : i32 to index
          %get3A_363 = tpu.vector_load %arg23[%get3A_362] {strides = array<i32>} : memref<1088xf32, #tpu.memory_space<vmem>>, vector<16xf32>,
          %add3A_364 = arith.constant 512 : i32
          %add3A_365 = arith.addi %mul3A_361, %add3A_364 : i32
          %get3A_366 = arith.index_cast %add3A_365 : i32 to index
          %get3A_367 = tpu.vector_load %arg23[%get3A_366] {strides = array<i32>} : memref<1088xf32, #tpu.memory_space<vmem>>, vector<16xf32>,
          %add3A_368 = arith.constant 32 : i32
          %add3A_369 = vector.broadcast %add3A_368 : i32 to vector<16xi32>
          %add3A_370 = arith.addi %scan3A_353, %add3A_369 : vector<16xi32>
          %gather3A_371 = tpu.vector_load_idx %arg15[%add3A_313, %scan3A_353] : memref<128x64xf32, #tpu.memory_space<vmem>>[vector<16xi32>, vector<16xi32>], vector<16xf32>,
          %gather3A_372 = tpu.vector_load_idx %arg17[%add3A_313, %scan3A_353] : memref<128x64xf32, #tpu.memory_space<vmem>>[vector<16xi32>, vector<16xi32>], vector<16xf32>,
          %add3A_373 = arith.addi %mul3A_331, %scan3A_353 : vector<16xi32>
          %gather3A_374 = tpu.vector_load_idx %arg24[%add3A_373] : memref<2048xf32, #tpu.memory_space<vmem>>[vector<16xi32>], vector<16xf32>,
          %add3A_375 = arith.addf %gather3A_371, %gather3A_372 : vector<16xf32>
          %add3A_376 = arith.addf %add3A_375, %gather3A_374 : vector<16xf32>
          %max3A = arith.constant 0.000000e+00 : f32
          %max3A_377 = vector.broadcast %max3A : f32 to vector<16xf32>
          %max3A_378 = arith.maximumf %add3A_376, %max3A_377 : vector<16xf32>
          %mul3A_379 = arith.mulf %max3A_378, %get3A_363 : vector<16xf32>
          %gather3A_380 = tpu.vector_load_idx %arg15[%add3A_313, %add3A_370] : memref<128x64xf32, #tpu.memory_space<vmem>>[vector<16xi32>, vector<16xi32>], vector<16xf32>,
          %gather3A_381 = tpu.vector_load_idx %arg17[%add3A_313, %add3A_370] : memref<128x64xf32, #tpu.memory_space<vmem>>[vector<16xi32>, vector<16xi32>], vector<16xf32>,
          %add3A_382 = arith.addi %shift_left3A_324, %scan3A_353 : vector<16xi32>
          %gather3A_383 = tpu.vector_load_idx %arg19[%add3A_319, %add3A_382] : memref<32x128xf32, #tpu.memory_space<vmem>>[vector<16xi32>, vector<16xi32>], vector<16xf32>,
          %add3A_384 = arith.addf %gather3A_380, %gather3A_381 : vector<16xf32>
          %add3A_385 = arith.addf %add3A_384, %gather3A_383 : vector<16xf32>
          %max3A_386 = arith.constant 0.000000e+00 : f32
          %max3A_387 = vector.broadcast %max3A_386 : f32 to vector<16xf32>
          %max3A_388 = arith.maximumf %add3A_385, %max3A_387 : vector<16xf32>
          %mul3A_389 = arith.mulf %max3A_388, %get3A_367 : vector<16xf32>
          %add3A_390 = arith.addf %scan3A_354, %mul3A_379 : vector<16xf32>
          %add3A_391 = arith.addf %scan3A_355, %mul3A_389 : vector<16xf32>
          %add3A_392 = arith.constant 1 : i32
          %add3A_393 = vector.broadcast %add3A_392 : i32 to vector<16xi32>
          %add3A_394 = arith.addi %scan3A_353, %add3A_393 : vector<16xi32>
          %and3A_395 = arith.constant 31 : i32
          %and3A_396 = vector.broadcast %and3A_395 : i32 to vector<16xi32>
          %and3A_397 = arith.andi %add3A_394, %and3A_396 : vector<16xi32>
          %mul3A_398 = arith.constant 4 : i32
          %mul3A_399 = arith.muli %scan3A_352, %mul3A_398 : i32
          %add3A_400 = arith.constant 1 : i32
          %add3A_401 = arith.addi %mul3A_399, %add3A_400 : i32
          %mul3A_402 = arith.constant 16 : i32
          %mul3A_403 = arith.muli %add3A_401, %mul3A_402 : i32
          %get3A_404 = arith.index_cast %mul3A_403 : i32 to index
          %get3A_405 = tpu.vector_load %arg23[%get3A_404] {strides = array<i32>} : memref<1088xf32, #tpu.memory_space<vmem>>, vector<16xf32>,
          %add3A_406 = arith.constant 512 : i32
          %add3A_407 = arith.addi %mul3A_403, %add3A_406 : i32
          %get3A_408 = arith.index_cast %add3A_407 : i32 to index
          %get3A_409 = tpu.vector_load %arg23[%get3A_408] {strides = array<i32>} : memref<1088xf32, #tpu.memory_space<vmem>>, vector<16xf32>,
          %add3A_410 = arith.constant 32 : i32
          %add3A_411 = vector.broadcast %add3A_410 : i32 to vector<16xi32>
          %add3A_412 = arith.addi %and3A_397, %add3A_411 : vector<16xi32>
          %gather3A_413 = tpu.vector_load_idx %arg15[%add3A_313, %and3A_397] : memref<128x64xf32, #tpu.memory_space<vmem>>[vector<16xi32>, vector<16xi32>], vector<16xf32>,
          %gather3A_414 = tpu.vector_load_idx %arg17[%add3A_313, %and3A_397] : memref<128x64xf32, #tpu.memory_space<vmem>>[vector<16xi32>, vector<16xi32>], vector<16xf32>,
          %add3A_415 = arith.addi %mul3A_331, %and3A_397 : vector<16xi32>
          %gather3A_416 = tpu.vector_load_idx %arg24[%add3A_415] : memref<2048xf32, #tpu.memory_space<vmem>>[vector<16xi32>], vector<16xf32>,
          %add3A_417 = arith.addf %gather3A_413, %gather3A_414 : vector<16xf32>
          %add3A_418 = arith.addf %add3A_417, %gather3A_416 : vector<16xf32>
          %max3A_419 = arith.constant 0.000000e+00 : f32
          %max3A_420 = vector.broadcast %max3A_419 : f32 to vector<16xf32>
          %max3A_421 = arith.maximumf %add3A_418, %max3A_420 : vector<16xf32>
          %mul3A_422 = arith.mulf %max3A_421, %get3A_405 : vector<16xf32>
          %gather3A_423 = tpu.vector_load_idx %arg15[%add3A_313, %add3A_412] : memref<128x64xf32, #tpu.memory_space<vmem>>[vector<16xi32>, vector<16xi32>], vector<16xf32>,
          %gather3A_424 = tpu.vector_load_idx %arg17[%add3A_313, %add3A_412] : memref<128x64xf32, #tpu.memory_space<vmem>>[vector<16xi32>, vector<16xi32>], vector<16xf32>,
          %add3A_425 = arith.addi %shift_left3A_324, %and3A_397 : vector<16xi32>
          %gather3A_426 = tpu.vector_load_idx %arg19[%add3A_319, %add3A_425] : memref<32x128xf32, #tpu.memory_space<vmem>>[vector<16xi32>, vector<16xi32>], vector<16xf32>,
          %add3A_427 = arith.addf %gather3A_423, %gather3A_424 : vector<16xf32>
          %add3A_428 = arith.addf %add3A_427, %gather3A_426 : vector<16xf32>
          %max3A_429 = arith.constant 0.000000e+00 : f32
          %max3A_430 = vector.broadcast %max3A_429 : f32 to vector<16xf32>
          %max3A_431 = arith.maximumf %add3A_428, %max3A_430 : vector<16xf32>
          %mul3A_432 = arith.mulf %max3A_431, %get3A_409 : vector<16xf32>
          %add3A_433 = arith.addf %add3A_390, %mul3A_422 : vector<16xf32>
          %add3A_434 = arith.addf %add3A_391, %mul3A_432 : vector<16xf32>
          %add3A_435 = arith.constant 1 : i32
          %add3A_436 = vector.broadcast %add3A_435 : i32 to vector<16xi32>
          %add3A_437 = arith.addi %and3A_397, %add3A_436 : vector<16xi32>
          %and3A_438 = arith.constant 31 : i32
          %and3A_439 = vector.broadcast %and3A_438 : i32 to vector<16xi32>
          %and3A_440 = arith.andi %add3A_437, %and3A_439 : vector<16xi32>
          %mul3A_441 = arith.constant 4 : i32
          %mul3A_442 = arith.muli %scan3A_352, %mul3A_441 : i32
          %add3A_443 = arith.constant 2 : i32
          %add3A_444 = arith.addi %mul3A_442, %add3A_443 : i32
          %mul3A_445 = arith.constant 16 : i32
          %mul3A_446 = arith.muli %add3A_444, %mul3A_445 : i32
          %get3A_447 = arith.index_cast %mul3A_446 : i32 to index
          %get3A_448 = tpu.vector_load %arg23[%get3A_447] {strides = array<i32>} : memref<1088xf32, #tpu.memory_space<vmem>>, vector<16xf32>,
          %add3A_449 = arith.constant 512 : i32
          %add3A_450 = arith.addi %mul3A_446, %add3A_449 : i32
          %get3A_451 = arith.index_cast %add3A_450 : i32 to index
          %get3A_452 = tpu.vector_load %arg23[%get3A_451] {strides = array<i32>} : memref<1088xf32, #tpu.memory_space<vmem>>, vector<16xf32>,
          %add3A_453 = arith.constant 32 : i32
          %add3A_454 = vector.broadcast %add3A_453 : i32 to vector<16xi32>
          %add3A_455 = arith.addi %and3A_440, %add3A_454 : vector<16xi32>
          %gather3A_456 = tpu.vector_load_idx %arg15[%add3A_313, %and3A_440] : memref<128x64xf32, #tpu.memory_space<vmem>>[vector<16xi32>, vector<16xi32>], vector<16xf32>,
          %gather3A_457 = tpu.vector_load_idx %arg17[%add3A_313, %and3A_440] : memref<128x64xf32, #tpu.memory_space<vmem>>[vector<16xi32>, vector<16xi32>], vector<16xf32>,
          %add3A_458 = arith.addi %mul3A_331, %and3A_440 : vector<16xi32>
          %gather3A_459 = tpu.vector_load_idx %arg24[%add3A_458] : memref<2048xf32, #tpu.memory_space<vmem>>[vector<16xi32>], vector<16xf32>,
          %add3A_460 = arith.addf %gather3A_456, %gather3A_457 : vector<16xf32>
          %add3A_461 = arith.addf %add3A_460, %gather3A_459 : vector<16xf32>
          %max3A_462 = arith.constant 0.000000e+00 : f32
          %max3A_463 = vector.broadcast %max3A_462 : f32 to vector<16xf32>
          %max3A_464 = arith.maximumf %add3A_461, %max3A_463 : vector<16xf32>
          %mul3A_465 = arith.mulf %max3A_464, %get3A_448 : vector<16xf32>
          %gather3A_466 = tpu.vector_load_idx %arg15[%add3A_313, %add3A_455] : memref<128x64xf32, #tpu.memory_space<vmem>>[vector<16xi32>, vector<16xi32>], vector<16xf32>,
          %gather3A_467 = tpu.vector_load_idx %arg17[%add3A_313, %add3A_455] : memref<128x64xf32, #tpu.memory_space<vmem>>[vector<16xi32>, vector<16xi32>], vector<16xf32>,
          %add3A_468 = arith.addi %shift_left3A_324, %and3A_440 : vector<16xi32>
          %gather3A_469 = tpu.vector_load_idx %arg19[%add3A_319, %add3A_468] : memref<32x128xf32, #tpu.memory_space<vmem>>[vector<16xi32>, vector<16xi32>], vector<16xf32>,
          %add3A_470 = arith.addf %gather3A_466, %gather3A_467 : vector<16xf32>
          %add3A_471 = arith.addf %add3A_470, %gather3A_469 : vector<16xf32>
          %max3A_472 = arith.constant 0.000000e+00 : f32
          %max3A_473 = vector.broadcast %max3A_472 : f32 to vector<16xf32>
          %max3A_474 = arith.maximumf %add3A_471, %max3A_473 : vector<16xf32>
          %mul3A_475 = arith.mulf %max3A_474, %get3A_452 : vector<16xf32>
          %add3A_476 = arith.addf %add3A_433, %mul3A_465 : vector<16xf32>
          %add3A_477 = arith.addf %add3A_434, %mul3A_475 : vector<16xf32>
          %add3A_478 = arith.constant 1 : i32
          %add3A_479 = vector.broadcast %add3A_478 : i32 to vector<16xi32>
          %add3A_480 = arith.addi %and3A_440, %add3A_479 : vector<16xi32>
          %and3A_481 = arith.constant 31 : i32
          %and3A_482 = vector.broadcast %and3A_481 : i32 to vector<16xi32>
          %and3A_483 = arith.andi %add3A_480, %and3A_482 : vector<16xi32>
          %mul3A_484 = arith.constant 4 : i32
          %mul3A_485 = arith.muli %scan3A_352, %mul3A_484 : i32
          %add3A_486 = arith.constant 3 : i32
          %add3A_487 = arith.addi %mul3A_485, %add3A_486 : i32
          %mul3A_488 = arith.constant 16 : i32
          %mul3A_489 = arith.muli %add3A_487, %mul3A_488 : i32
          %get3A_490 = arith.index_cast %mul3A_489 : i32 to index
          %get3A_491 = tpu.vector_load %arg23[%get3A_490] {strides = array<i32>} : memref<1088xf32, #tpu.memory_space<vmem>>, vector<16xf32>,
          %add3A_492 = arith.constant 512 : i32
          %add3A_493 = arith.addi %mul3A_489, %add3A_492 : i32
          %get3A_494 = arith.index_cast %add3A_493 : i32 to index
          %get3A_495 = tpu.vector_load %arg23[%get3A_494] {strides = array<i32>} : memref<1088xf32, #tpu.memory_space<vmem>>, vector<16xf32>,
          %add3A_496 = arith.constant 32 : i32
          %add3A_497 = vector.broadcast %add3A_496 : i32 to vector<16xi32>
          %add3A_498 = arith.addi %and3A_483, %add3A_497 : vector<16xi32>
          %gather3A_499 = tpu.vector_load_idx %arg15[%add3A_313, %and3A_483] : memref<128x64xf32, #tpu.memory_space<vmem>>[vector<16xi32>, vector<16xi32>], vector<16xf32>,
          %gather3A_500 = tpu.vector_load_idx %arg17[%add3A_313, %and3A_483] : memref<128x64xf32, #tpu.memory_space<vmem>>[vector<16xi32>, vector<16xi32>], vector<16xf32>,
          %add3A_501 = arith.addi %mul3A_331, %and3A_483 : vector<16xi32>
          %gather3A_502 = tpu.vector_load_idx %arg24[%add3A_501] : memref<2048xf32, #tpu.memory_space<vmem>>[vector<16xi32>], vector<16xf32>,
          %add3A_503 = arith.addf %gather3A_499, %gather3A_500 : vector<16xf32>
          %add3A_504 = arith.addf %add3A_503, %gather3A_502 : vector<16xf32>
          %max3A_505 = arith.constant 0.000000e+00 : f32
          %max3A_506 = vector.broadcast %max3A_505 : f32 to vector<16xf32>
          %max3A_507 = arith.maximumf %add3A_504, %max3A_506 : vector<16xf32>
          %mul3A_508 = arith.mulf %max3A_507, %get3A_491 : vector<16xf32>
          %gather3A_509 = tpu.vector_load_idx %arg15[%add3A_313, %add3A_498] : memref<128x64xf32, #tpu.memory_space<vmem>>[vector<16xi32>, vector<16xi32>], vector<16xf32>,
          %gather3A_510 = tpu.vector_load_idx %arg17[%add3A_313, %add3A_498] : memref<128x64xf32, #tpu.memory_space<vmem>>[vector<16xi32>, vector<16xi32>], vector<16xf32>,
          %add3A_511 = arith.addi %shift_left3A_324, %and3A_483 : vector<16xi32>
          %gather3A_512 = tpu.vector_load_idx %arg19[%add3A_319, %add3A_511] : memref<32x128xf32, #tpu.memory_space<vmem>>[vector<16xi32>, vector<16xi32>], vector<16xf32>,
          %add3A_513 = arith.addf %gather3A_509, %gather3A_510 : vector<16xf32>
          %add3A_514 = arith.addf %add3A_513, %gather3A_512 : vector<16xf32>
          %max3A_515 = arith.constant 0.000000e+00 : f32
          %max3A_516 = vector.broadcast %max3A_515 : f32 to vector<16xf32>
          %max3A_517 = arith.maximumf %add3A_514, %max3A_516 : vector<16xf32>
          %mul3A_518 = arith.mulf %max3A_517, %get3A_495 : vector<16xf32>
          %add3A_519 = arith.addf %add3A_476, %mul3A_508 : vector<16xf32>
          %add3A_520 = arith.addf %add3A_477, %mul3A_518 : vector<16xf32>
          %add3A_521 = arith.constant 1 : i32
          %add3A_522 = vector.broadcast %add3A_521 : i32 to vector<16xi32>
          %add3A_523 = arith.addi %and3A_483, %add3A_522 : vector<16xi32>
          %and3A_524 = arith.constant 31 : i32
          %and3A_525 = vector.broadcast %and3A_524 : i32 to vector<16xi32>
          %and3A_526 = arith.andi %add3A_523, %and3A_525 : vector<16xi32>
          scf.yield %and3A_526, %add3A_519, %add3A_520 : vector<16xi32>, vector<16xf32>, vector<16xf32>
        }
        %scan3A_339 = arith.constant 8 : i32
        %add3A_340 = arith.addf %scan3A_338#1, %get3A_22 : vector<16xf32>
        %neg3A = arith.constant 0.000000e+00 : f32
        %neg3A_341 = vector.broadcast %neg3A : f32 to vector<16xf32>
        %neg3A_342 = arith.subf %neg3A_341, %add3A_340 : vector<16xf32>
        %exp3A = math.exp %neg3A_342 : vector<16xf32>
        %add3A_343 = arith.constant 1.000000e+00 : f32
        %add3A_344 = vector.broadcast %add3A_343 : f32 to vector<16xf32>
        %add3A_345 = arith.addf %add3A_344, %exp3A : vector<16xf32>
        %div3A_346 = arith.constant 1.000000e+00 : f32
        %div3A_347 = vector.broadcast %div3A_346 : f32 to vector<16xf32>
        %div3A_348 = arith.divf %div3A_347, %add3A_345 : vector<16xf32>
        %add3A_349 = arith.addf %scan3A_338#2, %get3A_24 : vector<16xf32>
        %mul3A_350 = arith.mulf %div3A_348, %add3A_349 : vector<16xf32>
        %exp3A_351 = math.exp %mul3A_350 : vector<16xf32>
        tpu.vector_store_idx %arg21[%add3A_313], %exp3A_351 : memref<128xf32, #tpu.memory_space<vmem>>[vector<16xi32>], vector<16xf32>,
      }
      %scan3A_227 = arith.constant 8 : i32
      %mul3A_228 = arith.constant 128 : i32
      %mul3A_229 = arith.muli %mul3A_125, %mul3A_228 : i32
      %add3A_230 = arith.addi %mul3A_13, %mul3A_229 : i32
      %dma_start3A_231 = tpu.memref_slice %arg10[%add3A_230] : memref<327680xf32, #tpu.memory_space<hbm>> -> memref<128xf32, #tpu.memory_space<hbm>>
      %dma_start3A_232 = tpu.memref_slice %arg10[%add3A_230] : memref<327680xf32, #tpu.memory_space<hbm>> -> memref<128xf32, #tpu.memory_space<hbm>>
      tpu.enqueue_dma source(%arg21 : memref<128xf32, #tpu.memory_space<vmem>>) target(%dma_start3A_232 : memref<128xf32, #tpu.memory_space<hbm>>) target_semaphore(%arg31 : memref<!tpu.dma_semaphore, #tpu.memory_space<semaphore_mem>>)
      %dma_start3A_233 = arith.constant 0 : i32
      %dma_start3A_234 = tpu.memref_slice %arg13[%mul3A_125, %dma_start3A_233] : memref<104x128xi32, #tpu.memory_space<vmem>> -> memref<1x128xi32, #tpu.memory_space<vmem>>
      %dma_start3A_235 = tpu.memref_squeeze %dma_start3A_234 : memref<1x128xi32, #tpu.memory_space<vmem>> -> memref<128xi32, #tpu.memory_space<vmem>>
      %dma_start3A_236 = arith.constant 0 : i32
      %dma_start3A_237 = tpu.memref_slice %arg26[%dma_start3A_236] : memref<10240xf32, #tpu.memory_space<vmem_shared>> -> memref<10240xf32, #tpu.memory_space<vmem_shared>>
      tpu.enqueue_indirect_dma source(%arg21 : memref<128xf32, #tpu.memory_space<vmem>>) target(%dma_start3A_237 : memref<10240xf32, #tpu.memory_space<vmem_shared>>) offsets(%dma_start3A_235 : memref<128xi32, #tpu.memory_space<vmem>>) semaphore(%arg33 : memref<!tpu.dma_semaphore, #tpu.memory_space<semaphore_mem>>) {add = true}
      %add3A_238 = arith.constant 1 : i32
      %add3A_239 = arith.addi %add3A_127, %add3A_238 : i32
      %lt3A = arith.cmpi slt, %add3A_239, %select_n3A : i32
      %convert_element_type3A_240 = arith.extui %lt3A : i1 to i32
      %cond3A_241 = arith.constant 0 : i32
      %cond3A_242 = arith.cmpi ne, %convert_element_type3A_240, %cond3A_241 : i32
      scf.if %cond3A_242 {
        %add3A_309 = arith.constant 1 : i32
        %add3A_310 = arith.addi %add3A_127, %add3A_309 : i32
        %mul3A_311 = arith.constant 128 : i32
        %mul3A_312 = arith.muli %add3A_310, %mul3A_311 : i32
        %add3A_313 = arith.addi %mul3A_13, %mul3A_312 : i32
        %min3A_314 = arith.constant 319872 : i32
        %min3A_315 = arith.minsi %add3A_313, %min3A_314 : i32
        %jit3A_316 = arith.constant 4 : i32
        %div3A_317 = arith.divsi %min3A_315, %jit3A_316 : i32
        %sign3A_318 = arith.constant 0 : i32
        %sign3A_319 = arith.cmpi sgt, %min3A_315, %sign3A_318 : i32
        %sign3A_320 = arith.extui %sign3A_319 : i1 to i32
        %sign3A_321 = arith.constant 0 : i32
        %sign3A_322 = arith.cmpi slt, %min3A_315, %sign3A_321 : i32
        %sign3A_323 = arith.extui %sign3A_322 : i1 to i32
        %sign3A_324 = arith.subi %sign3A_320, %sign3A_323 : i32
        %sign3A_325 = arith.constant 0 : i32
        %sign3A_326 = arith.cmpi sgt, %jit3A_316, %sign3A_325 : i32
        %sign3A_327 = arith.extui %sign3A_326 : i1 to i32
        %sign3A_328 = arith.constant 0 : i32
        %sign3A_329 = arith.cmpi slt, %jit3A_316, %sign3A_328 : i32
        %sign3A_330 = arith.extui %sign3A_329 : i1 to i32
        %sign3A_331 = arith.subi %sign3A_327, %sign3A_330 : i32
        %ne3A_332 = arith.cmpi ne, %sign3A_324, %sign3A_331 : i32
        %rem3A_333 = arith.remsi %min3A_315, %jit3A_316 : i32
        %ne3A_334 = arith.constant 0 : i32
        %ne3A_335 = arith.cmpi ne, %rem3A_333, %ne3A_334 : i32
        %and3A_336 = arith.andi %ne3A_332, %ne3A_335 : i1
        %sub3A_337 = arith.constant 1 : i32
        %sub3A_338 = arith.subi %div3A_317, %sub3A_337 : i32
        %select_n3A_339 = arith.select %and3A_336, %sub3A_338, %div3A_317 : i32
        %dma_start3A_340 = arith.constant 0 : i32
        %dma_start3A_341 = tpu.memref_slice %arg12[%add3A_310, %dma_start3A_340] : memref<104x128xi32, #tpu.memory_space<vmem>> -> memref<1x128xi32, #tpu.memory_space<vmem>>
        %dma_start3A_342 = tpu.memref_squeeze %dma_start3A_341 : memref<1x128xi32, #tpu.memory_space<vmem>> -> memref<128xi32, #tpu.memory_space<vmem>>
        %dma_start3A_343 = arith.constant 0 : i32
        %dma_start3A_344 = arith.constant 0 : i32
        %dma_start3A_345 = tpu.memref_slice %arg5[%dma_start3A_343, %dma_start3A_344] : memref<10000x64xf32, #tpu.memory_space<hbm>> -> memref<10000x64xf32, #tpu.memory_space<hbm>>
        tpu.enqueue_indirect_dma source(%dma_start3A_345 : memref<10000x64xf32, #tpu.memory_space<hbm>>) target(%arg15 : memref<128x64xf32, #tpu.memory_space<vmem>>) offsets(%dma_start3A_342 : memref<128xi32, #tpu.memory_space<vmem>>) semaphore(%arg27 : memref<!tpu.dma_semaphore, #tpu.memory_space<semaphore_mem>>)
        %dma_start3A_346 = arith.constant 0 : i32
        %dma_start3A_347 = tpu.memref_slice %arg13[%add3A_310, %dma_start3A_346] : memref<104x128xi32, #tpu.memory_space<vmem>> -> memref<1x128xi32, #tpu.memory_space<vmem>>
        %dma_start3A_348 = tpu.memref_squeeze %dma_start3A_347 : memref<1x128xi32, #tpu.memory_space<vmem>> -> memref<128xi32, #tpu.memory_space<vmem>>
        %dma_start3A_349 = arith.constant 0 : i32
        %dma_start3A_350 = arith.constant 0 : i32
        %dma_start3A_351 = tpu.memref_slice %arg6[%dma_start3A_349, %dma_start3A_350] : memref<10000x64xf32, #tpu.memory_space<hbm>> -> memref<10000x64xf32, #tpu.memory_space<hbm>>
        tpu.enqueue_indirect_dma source(%dma_start3A_351 : memref<10000x64xf32, #tpu.memory_space<hbm>>) target(%arg17 : memref<128x64xf32, #tpu.memory_space<vmem>>) offsets(%dma_start3A_348 : memref<128xi32, #tpu.memory_space<vmem>>) semaphore(%arg27 : memref<!tpu.dma_semaphore, #tpu.memory_space<semaphore_mem>>)
        %dma_start3A_352 = arith.constant 0 : i32
        %dma_start3A_353 = tpu.memref_slice %arg7[%select_n3A_339, %dma_start3A_352] : memref<80000x128xf32, #tpu.memory_space<hbm>> -> memref<32x128xf32, #tpu.memory_space<hbm>>
        %dma_start3A_354 = arith.constant 0 : i32
        %dma_start3A_355 = tpu.memref_slice %arg7[%select_n3A_339, %dma_start3A_354] : memref<80000x128xf32, #tpu.memory_space<hbm>> -> memref<32x128xf32, #tpu.memory_space<hbm>>
        tpu.enqueue_dma source(%dma_start3A_355 : memref<32x128xf32, #tpu.memory_space<hbm>>) target(%arg19 : memref<32x128xf32, #tpu.memory_space<vmem>>) target_semaphore(%arg29 : memref<!tpu.dma_semaphore, #tpu.memory_space<semaphore_mem>>)
      } else {
      }
      %mul3A_243 = arith.constant 128 : i32
      %mul3A_244 = arith.muli %add3A_127, %mul3A_243 : i32
      %add3A_245 = arith.addi %mul3A_13, %mul3A_244 : i32
      %min3A_246 = arith.constant 319872 : i32
      %min3A_247 = arith.minsi %add3A_245, %min3A_246 : i32
      %jit3A_248 = arith.constant 4 : i32
      %div3A_249 = arith.divsi %min3A_247, %jit3A_248 : i32
      %sign3A_250 = arith.constant 0 : i32
      %sign3A_251 = arith.cmpi sgt, %min3A_247, %sign3A_250 : i32
      %sign3A_252 = arith.extui %sign3A_251 : i1 to i32
      %sign3A_253 = arith.constant 0 : i32
      %sign3A_254 = arith.cmpi slt, %min3A_247, %sign3A_253 : i32
      %sign3A_255 = arith.extui %sign3A_254 : i1 to i32
      %sign3A_256 = arith.subi %sign3A_252, %sign3A_255 : i32
      %sign3A_257 = arith.constant 0 : i32
      %sign3A_258 = arith.cmpi sgt, %jit3A_248, %sign3A_257 : i32
      %sign3A_259 = arith.extui %sign3A_258 : i1 to i32
      %sign3A_260 = arith.constant 0 : i32
      %sign3A_261 = arith.cmpi slt, %jit3A_248, %sign3A_260 : i32
      %sign3A_262 = arith.extui %sign3A_261 : i1 to i32
      %sign3A_263 = arith.subi %sign3A_259, %sign3A_262 : i32
      %ne3A_264 = arith.cmpi ne, %sign3A_256, %sign3A_263 : i32
      %rem3A_265 = arith.remsi %min3A_247, %jit3A_248 : i32
      %ne3A_266 = arith.constant 0 : i32
      %ne3A_267 = arith.cmpi ne, %rem3A_265, %ne3A_266 : i32
      %and3A_268 = arith.andi %ne3A_264, %ne3A_267 : i1
      %sub3A_269 = arith.constant 1 : i32
      %sub3A_270 = arith.subi %div3A_249, %sub3A_269 : i32
      %select_n3A_271 = arith.select %and3A_268, %sub3A_270, %div3A_249 : i32
      %dma_wait3A_272 = arith.constant 0 : i32
      %dma_wait3A_273 = tpu.memref_slice %arg12[%add3A_127, %dma_wait3A_272] : memref<104x128xi32, #tpu.memory_space<vmem>> -> memref<1x128xi32, #tpu.memory_space<vmem>>
      %dma_wait3A_274 = tpu.memref_squeeze %dma_wait3A_273 : memref<1x128xi32, #tpu.memory_space<vmem>> -> memref<128xi32, #tpu.memory_space<vmem>>
      %dma_wait3A_275 = arith.constant 0 : i32
      %dma_wait3A_276 = arith.constant 0 : i32
      %dma_wait3A_277 = tpu.memref_slice %arg5[%dma_wait3A_275, %dma_wait3A_276] : memref<10000x64xf32, #tpu.memory_space<hbm>> -> memref<10000x64xf32, #tpu.memory_space<hbm>>
      tpu.wait_indirect_dma semaphore(%arg28 : memref<!tpu.dma_semaphore, #tpu.memory_space<semaphore_mem>>) src(%dma_wait3A_277 : memref<10000x64xf32, #tpu.memory_space<hbm>>) dst(%arg16 : memref<128x64xf32, #tpu.memory_space<vmem>>)
      %dma_wait3A_278 = arith.constant 0 : i32
      %dma_wait3A_279 = tpu.memref_slice %arg13[%add3A_127, %dma_wait3A_278] : memref<104x128xi32, #tpu.memory_space<vmem>> -> memref<1x128xi32, #tpu.memory_space<vmem>>
      %dma_wait3A_280 = tpu.memref_squeeze %dma_wait3A_279 : memref<1x128xi32, #tpu.memory_space<vmem>> -> memref<128xi32, #tpu.memory_space<vmem>>
      %dma_wait3A_281 = arith.constant 0 : i32
      %dma_wait3A_282 = arith.constant 0 : i32
      %dma_wait3A_283 = tpu.memref_slice %arg6[%dma_wait3A_281, %dma_wait3A_282] : memref<10000x64xf32, #tpu.memory_space<hbm>> -> memref<10000x64xf32, #tpu.memory_space<hbm>>
      tpu.wait_indirect_dma semaphore(%arg28 : memref<!tpu.dma_semaphore, #tpu.memory_space<semaphore_mem>>) src(%dma_wait3A_283 : memref<10000x64xf32, #tpu.memory_space<hbm>>) dst(%arg18 : memref<128x64xf32, #tpu.memory_space<vmem>>)
      %dma_wait3A_284 = arith.constant 0 : i32
      %dma_wait3A_285 = tpu.memref_slice %arg7[%select_n3A_271, %dma_wait3A_284] : memref<80000x128xf32, #tpu.memory_space<hbm>> -> memref<32x128xf32, #tpu.memory_space<hbm>>
      %dma_wait3A_286 = arith.constant 0 : i32
      %dma_wait3A_287 = tpu.memref_slice %arg7[%select_n3A_271, %dma_wait3A_286] : memref<80000x128xf32, #tpu.memory_space<hbm>> -> memref<32x128xf32, #tpu.memory_space<hbm>>
      tpu.wait_dma2 semaphore(%arg30 : memref<!tpu.dma_semaphore, #tpu.memory_space<semaphore_mem>>) src(%dma_wait3A_287 : memref<32x128xf32, #tpu.memory_space<hbm>>) dst(%arg20 : memref<32x128xf32, #tpu.memory_space<vmem>>)
      %ge3A_288 = arith.constant 2 : i32
      %ge3A_289 = arith.cmpi sge, %add3A_127, %ge3A_288 : i32
      %convert_element_type3A_290 = arith.extui %ge3A_289 : i1 to i32
      %cond3A_291 = arith.constant 0 : i32
      %cond3A_292 = arith.cmpi ne, %convert_element_type3A_290, %cond3A_291 : i32
      scf.if %cond3A_292 {
        %sub3A_309 = arith.constant 2 : i32
        %sub3A_310 = arith.subi %add3A_127, %sub3A_309 : i32
        %mul3A_311 = arith.constant 128 : i32
        %mul3A_312 = arith.muli %sub3A_310, %mul3A_311 : i32
        %add3A_313 = arith.addi %mul3A_13, %mul3A_312 : i32
        %dma_wait3A_314 = tpu.memref_slice %arg10[%add3A_313] : memref<327680xf32, #tpu.memory_space<hbm>> -> memref<128xf32, #tpu.memory_space<hbm>>
        %dma_wait3A_315 = tpu.memref_slice %arg10[%add3A_313] : memref<327680xf32, #tpu.memory_space<hbm>> -> memref<128xf32, #tpu.memory_space<hbm>>
        tpu.wait_dma2 semaphore(%arg32 : memref<!tpu.dma_semaphore, #tpu.memory_space<semaphore_mem>>) src(%arg22 : memref<128xf32, #tpu.memory_space<vmem>>) dst(%dma_wait3A_315 : memref<128xf32, #tpu.memory_space<hbm>>)
        %dma_wait3A_316 = arith.constant 0 : i32
        %dma_wait3A_317 = tpu.memref_slice %arg13[%sub3A_310, %dma_wait3A_316] : memref<104x128xi32, #tpu.memory_space<vmem>> -> memref<1x128xi32, #tpu.memory_space<vmem>>
        %dma_wait3A_318 = tpu.memref_squeeze %dma_wait3A_317 : memref<1x128xi32, #tpu.memory_space<vmem>> -> memref<128xi32, #tpu.memory_space<vmem>>
        %dma_wait3A_319 = arith.constant 0 : i32
        %dma_wait3A_320 = tpu.memref_slice %arg26[%dma_wait3A_319] : memref<10240xf32, #tpu.memory_space<vmem_shared>> -> memref<10240xf32, #tpu.memory_space<vmem_shared>>
        tpu.wait_indirect_dma semaphore(%arg34 : memref<!tpu.dma_semaphore, #tpu.memory_space<semaphore_mem>>) src(%arg22 : memref<128xf32, #tpu.memory_space<vmem>>) dst(%dma_wait3A_320 : memref<10240xf32, #tpu.memory_space<vmem_shared>>)
      } else {
      }
      %scan3A_293 = arith.constant 0 : i32
      %scan3A_294 = arith.constant 0 : i32
      %scan3A_295 = arith.constant 8 : i32
      %scan3A_296 = arith.addi %scan3A_294, %scan3A_295 : i32
      %scan3A_297 = arith.constant 1 : i32
      scf.for %scan3A_309 = %scan3A_294 to %scan3A_296 step %scan3A_297  : i32 {
        %mul3A_310 = arith.constant 16 : i32
        %mul3A_311 = arith.muli %scan3A_309, %mul3A_310 : i32
        %add3A_312 = vector.broadcast %mul3A_311 : i32 to vector<16xi32>
        %add3A_313 = arith.addi %iota3A, %add3A_312 : vector<16xi32>
        %shift_right_logical3A = arith.constant 2 : i32
        %shift_right_logical3A_314 = vector.broadcast %shift_right_logical3A : i32 to vector<16xi32>
        %shift_right_logical3A_315 = arith.shrui %iota3A, %shift_right_logical3A_314 : vector<16xi32>
        %mul3A_316 = arith.constant 4 : i32
        %mul3A_317 = arith.muli %scan3A_309, %mul3A_316 : i32
        %add3A_318 = vector.broadcast %mul3A_317 : i32 to vector<16xi32>
        %add3A_319 = arith.addi %shift_right_logical3A_315, %add3A_318 : vector<16xi32>
        %and3A_320 = arith.constant 3 : i32
        %and3A_321 = vector.broadcast %and3A_320 : i32 to vector<16xi32>
        %and3A_322 = arith.andi %iota3A, %and3A_321 : vector<16xi32>
        %shift_left3A = arith.constant 5 : i32
        %shift_left3A_323 = vector.broadcast %shift_left3A : i32 to vector<16xi32>
        %shift_left3A_324 = arith.shli %and3A_322, %shift_left3A_323 : vector<16xi32>
        %mul3A_325 = arith.constant 128 : i32
        %mul3A_326 = arith.muli %add3A_127, %mul3A_325 : i32
        %add3A_327 = vector.broadcast %mul3A_326 : i32 to vector<16xi32>
        %add3A_328 = arith.addi %add3A_327, %add3A_313 : vector<16xi32>
        %gather3A = tpu.vector_load_idx %arg14[%add3A_328] : memref<13312xi32, #tpu.memory_space<vmem>>[vector<16xi32>], vector<16xi32>,
        %mul3A_329 = arith.constant 32 : i32
        %mul3A_330 = vector.broadcast %mul3A_329 : i32 to vector<16xi32>
        %mul3A_331 = arith.muli %gather3A, %mul3A_330 : vector<16xi32>
        %broadcast_in_dim3A_332 = arith.constant 0.000000e+00 : f32
        %broadcast_in_dim3A_333 = vector.broadcast %broadcast_in_dim3A_332 : f32 to vector<16xf32>
        %scan3A_334 = arith.constant 0 : i32
        %scan3A_335 = arith.constant 8 : i32
        %scan3A_336 = arith.addi %scan3A_334, %scan3A_335 : i32
        %scan3A_337 = arith.constant 1 : i32
        %scan3A_338:3 = scf.for %scan3A_352 = %scan3A_334 to %scan3A_336 step %scan3A_337 iter_args(%scan3A_353 = %iota3A, %scan3A_354 = %broadcast_in_dim3A_333, %scan3A_355 = %broadcast_in_dim3A_333) -> (vector<16xi32>, vector<16xf32>, vector<16xf32>)  : i32 {
          %mul3A_356 = arith.constant 4 : i32
          %mul3A_357 = arith.muli %scan3A_352, %mul3A_356 : i32
          %add3A_358 = arith.constant 0 : i32
          %add3A_359 = arith.addi %mul3A_357, %add3A_358 : i32
          %mul3A_360 = arith.constant 16 : i32
          %mul3A_361 = arith.muli %add3A_359, %mul3A_360 : i32
          %get3A_362 = arith.index_cast %mul3A_361 : i32 to index
          %get3A_363 = tpu.vector_load %arg23[%get3A_362] {strides = array<i32>} : memref<1088xf32, #tpu.memory_space<vmem>>, vector<16xf32>,
          %add3A_364 = arith.constant 512 : i32
          %add3A_365 = arith.addi %mul3A_361, %add3A_364 : i32
          %get3A_366 = arith.index_cast %add3A_365 : i32 to index
          %get3A_367 = tpu.vector_load %arg23[%get3A_366] {strides = array<i32>} : memref<1088xf32, #tpu.memory_space<vmem>>, vector<16xf32>,
          %add3A_368 = arith.constant 32 : i32
          %add3A_369 = vector.broadcast %add3A_368 : i32 to vector<16xi32>
          %add3A_370 = arith.addi %scan3A_353, %add3A_369 : vector<16xi32>
          %gather3A_371 = tpu.vector_load_idx %arg16[%add3A_313, %scan3A_353] : memref<128x64xf32, #tpu.memory_space<vmem>>[vector<16xi32>, vector<16xi32>], vector<16xf32>,
          %gather3A_372 = tpu.vector_load_idx %arg18[%add3A_313, %scan3A_353] : memref<128x64xf32, #tpu.memory_space<vmem>>[vector<16xi32>, vector<16xi32>], vector<16xf32>,
          %add3A_373 = arith.addi %mul3A_331, %scan3A_353 : vector<16xi32>
          %gather3A_374 = tpu.vector_load_idx %arg24[%add3A_373] : memref<2048xf32, #tpu.memory_space<vmem>>[vector<16xi32>], vector<16xf32>,
          %add3A_375 = arith.addf %gather3A_371, %gather3A_372 : vector<16xf32>
          %add3A_376 = arith.addf %add3A_375, %gather3A_374 : vector<16xf32>
          %max3A = arith.constant 0.000000e+00 : f32
          %max3A_377 = vector.broadcast %max3A : f32 to vector<16xf32>
          %max3A_378 = arith.maximumf %add3A_376, %max3A_377 : vector<16xf32>
          %mul3A_379 = arith.mulf %max3A_378, %get3A_363 : vector<16xf32>
          %gather3A_380 = tpu.vector_load_idx %arg16[%add3A_313, %add3A_370] : memref<128x64xf32, #tpu.memory_space<vmem>>[vector<16xi32>, vector<16xi32>], vector<16xf32>,
          %gather3A_381 = tpu.vector_load_idx %arg18[%add3A_313, %add3A_370] : memref<128x64xf32, #tpu.memory_space<vmem>>[vector<16xi32>, vector<16xi32>], vector<16xf32>,
          %add3A_382 = arith.addi %shift_left3A_324, %scan3A_353 : vector<16xi32>
          %gather3A_383 = tpu.vector_load_idx %arg20[%add3A_319, %add3A_382] : memref<32x128xf32, #tpu.memory_space<vmem>>[vector<16xi32>, vector<16xi32>], vector<16xf32>,
          %add3A_384 = arith.addf %gather3A_380, %gather3A_381 : vector<16xf32>
          %add3A_385 = arith.addf %add3A_384, %gather3A_383 : vector<16xf32>
          %max3A_386 = arith.constant 0.000000e+00 : f32
          %max3A_387 = vector.broadcast %max3A_386 : f32 to vector<16xf32>
          %max3A_388 = arith.maximumf %add3A_385, %max3A_387 : vector<16xf32>
          %mul3A_389 = arith.mulf %max3A_388, %get3A_367 : vector<16xf32>
          %add3A_390 = arith.addf %scan3A_354, %mul3A_379 : vector<16xf32>
          %add3A_391 = arith.addf %scan3A_355, %mul3A_389 : vector<16xf32>
          %add3A_392 = arith.constant 1 : i32
          %add3A_393 = vector.broadcast %add3A_392 : i32 to vector<16xi32>
          %add3A_394 = arith.addi %scan3A_353, %add3A_393 : vector<16xi32>
          %and3A_395 = arith.constant 31 : i32
          %and3A_396 = vector.broadcast %and3A_395 : i32 to vector<16xi32>
          %and3A_397 = arith.andi %add3A_394, %and3A_396 : vector<16xi32>
          %mul3A_398 = arith.constant 4 : i32
          %mul3A_399 = arith.muli %scan3A_352, %mul3A_398 : i32
          %add3A_400 = arith.constant 1 : i32
          %add3A_401 = arith.addi %mul3A_399, %add3A_400 : i32
          %mul3A_402 = arith.constant 16 : i32
          %mul3A_403 = arith.muli %add3A_401, %mul3A_402 : i32
          %get3A_404 = arith.index_cast %mul3A_403 : i32 to index
          %get3A_405 = tpu.vector_load %arg23[%get3A_404] {strides = array<i32>} : memref<1088xf32, #tpu.memory_space<vmem>>, vector<16xf32>,
          %add3A_406 = arith.constant 512 : i32
          %add3A_407 = arith.addi %mul3A_403, %add3A_406 : i32
          %get3A_408 = arith.index_cast %add3A_407 : i32 to index
          %get3A_409 = tpu.vector_load %arg23[%get3A_408] {strides = array<i32>} : memref<1088xf32, #tpu.memory_space<vmem>>, vector<16xf32>,
          %add3A_410 = arith.constant 32 : i32
          %add3A_411 = vector.broadcast %add3A_410 : i32 to vector<16xi32>
          %add3A_412 = arith.addi %and3A_397, %add3A_411 : vector<16xi32>
          %gather3A_413 = tpu.vector_load_idx %arg16[%add3A_313, %and3A_397] : memref<128x64xf32, #tpu.memory_space<vmem>>[vector<16xi32>, vector<16xi32>], vector<16xf32>,
          %gather3A_414 = tpu.vector_load_idx %arg18[%add3A_313, %and3A_397] : memref<128x64xf32, #tpu.memory_space<vmem>>[vector<16xi32>, vector<16xi32>], vector<16xf32>,
          %add3A_415 = arith.addi %mul3A_331, %and3A_397 : vector<16xi32>
          %gather3A_416 = tpu.vector_load_idx %arg24[%add3A_415] : memref<2048xf32, #tpu.memory_space<vmem>>[vector<16xi32>], vector<16xf32>,
          %add3A_417 = arith.addf %gather3A_413, %gather3A_414 : vector<16xf32>
          %add3A_418 = arith.addf %add3A_417, %gather3A_416 : vector<16xf32>
          %max3A_419 = arith.constant 0.000000e+00 : f32
          %max3A_420 = vector.broadcast %max3A_419 : f32 to vector<16xf32>
          %max3A_421 = arith.maximumf %add3A_418, %max3A_420 : vector<16xf32>
          %mul3A_422 = arith.mulf %max3A_421, %get3A_405 : vector<16xf32>
          %gather3A_423 = tpu.vector_load_idx %arg16[%add3A_313, %add3A_412] : memref<128x64xf32, #tpu.memory_space<vmem>>[vector<16xi32>, vector<16xi32>], vector<16xf32>,
          %gather3A_424 = tpu.vector_load_idx %arg18[%add3A_313, %add3A_412] : memref<128x64xf32, #tpu.memory_space<vmem>>[vector<16xi32>, vector<16xi32>], vector<16xf32>,
          %add3A_425 = arith.addi %shift_left3A_324, %and3A_397 : vector<16xi32>
          %gather3A_426 = tpu.vector_load_idx %arg20[%add3A_319, %add3A_425] : memref<32x128xf32, #tpu.memory_space<vmem>>[vector<16xi32>, vector<16xi32>], vector<16xf32>,
          %add3A_427 = arith.addf %gather3A_423, %gather3A_424 : vector<16xf32>
          %add3A_428 = arith.addf %add3A_427, %gather3A_426 : vector<16xf32>
          %max3A_429 = arith.constant 0.000000e+00 : f32
          %max3A_430 = vector.broadcast %max3A_429 : f32 to vector<16xf32>
          %max3A_431 = arith.maximumf %add3A_428, %max3A_430 : vector<16xf32>
          %mul3A_432 = arith.mulf %max3A_431, %get3A_409 : vector<16xf32>
          %add3A_433 = arith.addf %add3A_390, %mul3A_422 : vector<16xf32>
          %add3A_434 = arith.addf %add3A_391, %mul3A_432 : vector<16xf32>
          %add3A_435 = arith.constant 1 : i32
          %add3A_436 = vector.broadcast %add3A_435 : i32 to vector<16xi32>
          %add3A_437 = arith.addi %and3A_397, %add3A_436 : vector<16xi32>
          %and3A_438 = arith.constant 31 : i32
          %and3A_439 = vector.broadcast %and3A_438 : i32 to vector<16xi32>
          %and3A_440 = arith.andi %add3A_437, %and3A_439 : vector<16xi32>
          %mul3A_441 = arith.constant 4 : i32
          %mul3A_442 = arith.muli %scan3A_352, %mul3A_441 : i32
          %add3A_443 = arith.constant 2 : i32
          %add3A_444 = arith.addi %mul3A_442, %add3A_443 : i32
          %mul3A_445 = arith.constant 16 : i32
          %mul3A_446 = arith.muli %add3A_444, %mul3A_445 : i32
          %get3A_447 = arith.index_cast %mul3A_446 : i32 to index
          %get3A_448 = tpu.vector_load %arg23[%get3A_447] {strides = array<i32>} : memref<1088xf32, #tpu.memory_space<vmem>>, vector<16xf32>,
          %add3A_449 = arith.constant 512 : i32
          %add3A_450 = arith.addi %mul3A_446, %add3A_449 : i32
          %get3A_451 = arith.index_cast %add3A_450 : i32 to index
          %get3A_452 = tpu.vector_load %arg23[%get3A_451] {strides = array<i32>} : memref<1088xf32, #tpu.memory_space<vmem>>, vector<16xf32>,
          %add3A_453 = arith.constant 32 : i32
          %add3A_454 = vector.broadcast %add3A_453 : i32 to vector<16xi32>
          %add3A_455 = arith.addi %and3A_440, %add3A_454 : vector<16xi32>
          %gather3A_456 = tpu.vector_load_idx %arg16[%add3A_313, %and3A_440] : memref<128x64xf32, #tpu.memory_space<vmem>>[vector<16xi32>, vector<16xi32>], vector<16xf32>,
          %gather3A_457 = tpu.vector_load_idx %arg18[%add3A_313, %and3A_440] : memref<128x64xf32, #tpu.memory_space<vmem>>[vector<16xi32>, vector<16xi32>], vector<16xf32>,
          %add3A_458 = arith.addi %mul3A_331, %and3A_440 : vector<16xi32>
          %gather3A_459 = tpu.vector_load_idx %arg24[%add3A_458] : memref<2048xf32, #tpu.memory_space<vmem>>[vector<16xi32>], vector<16xf32>,
          %add3A_460 = arith.addf %gather3A_456, %gather3A_457 : vector<16xf32>
          %add3A_461 = arith.addf %add3A_460, %gather3A_459 : vector<16xf32>
          %max3A_462 = arith.constant 0.000000e+00 : f32
          %max3A_463 = vector.broadcast %max3A_462 : f32 to vector<16xf32>
          %max3A_464 = arith.maximumf %add3A_461, %max3A_463 : vector<16xf32>
          %mul3A_465 = arith.mulf %max3A_464, %get3A_448 : vector<16xf32>
          %gather3A_466 = tpu.vector_load_idx %arg16[%add3A_313, %add3A_455] : memref<128x64xf32, #tpu.memory_space<vmem>>[vector<16xi32>, vector<16xi32>], vector<16xf32>,
          %gather3A_467 = tpu.vector_load_idx %arg18[%add3A_313, %add3A_455] : memref<128x64xf32, #tpu.memory_space<vmem>>[vector<16xi32>, vector<16xi32>], vector<16xf32>,
          %add3A_468 = arith.addi %shift_left3A_324, %and3A_440 : vector<16xi32>
          %gather3A_469 = tpu.vector_load_idx %arg20[%add3A_319, %add3A_468] : memref<32x128xf32, #tpu.memory_space<vmem>>[vector<16xi32>, vector<16xi32>], vector<16xf32>,
          %add3A_470 = arith.addf %gather3A_466, %gather3A_467 : vector<16xf32>
          %add3A_471 = arith.addf %add3A_470, %gather3A_469 : vector<16xf32>
          %max3A_472 = arith.constant 0.000000e+00 : f32
          %max3A_473 = vector.broadcast %max3A_472 : f32 to vector<16xf32>
          %max3A_474 = arith.maximumf %add3A_471, %max3A_473 : vector<16xf32>
          %mul3A_475 = arith.mulf %max3A_474, %get3A_452 : vector<16xf32>
          %add3A_476 = arith.addf %add3A_433, %mul3A_465 : vector<16xf32>
          %add3A_477 = arith.addf %add3A_434, %mul3A_475 : vector<16xf32>
          %add3A_478 = arith.constant 1 : i32
          %add3A_479 = vector.broadcast %add3A_478 : i32 to vector<16xi32>
          %add3A_480 = arith.addi %and3A_440, %add3A_479 : vector<16xi32>
          %and3A_481 = arith.constant 31 : i32
          %and3A_482 = vector.broadcast %and3A_481 : i32 to vector<16xi32>
          %and3A_483 = arith.andi %add3A_480, %and3A_482 : vector<16xi32>
          %mul3A_484 = arith.constant 4 : i32
          %mul3A_485 = arith.muli %scan3A_352, %mul3A_484 : i32
          %add3A_486 = arith.constant 3 : i32
          %add3A_487 = arith.addi %mul3A_485, %add3A_486 : i32
          %mul3A_488 = arith.constant 16 : i32
          %mul3A_489 = arith.muli %add3A_487, %mul3A_488 : i32
          %get3A_490 = arith.index_cast %mul3A_489 : i32 to index
          %get3A_491 = tpu.vector_load %arg23[%get3A_490] {strides = array<i32>} : memref<1088xf32, #tpu.memory_space<vmem>>, vector<16xf32>,
          %add3A_492 = arith.constant 512 : i32
          %add3A_493 = arith.addi %mul3A_489, %add3A_492 : i32
          %get3A_494 = arith.index_cast %add3A_493 : i32 to index
          %get3A_495 = tpu.vector_load %arg23[%get3A_494] {strides = array<i32>} : memref<1088xf32, #tpu.memory_space<vmem>>, vector<16xf32>,
          %add3A_496 = arith.constant 32 : i32
          %add3A_497 = vector.broadcast %add3A_496 : i32 to vector<16xi32>
          %add3A_498 = arith.addi %and3A_483, %add3A_497 : vector<16xi32>
          %gather3A_499 = tpu.vector_load_idx %arg16[%add3A_313, %and3A_483] : memref<128x64xf32, #tpu.memory_space<vmem>>[vector<16xi32>, vector<16xi32>], vector<16xf32>,
          %gather3A_500 = tpu.vector_load_idx %arg18[%add3A_313, %and3A_483] : memref<128x64xf32, #tpu.memory_space<vmem>>[vector<16xi32>, vector<16xi32>], vector<16xf32>,
          %add3A_501 = arith.addi %mul3A_331, %and3A_483 : vector<16xi32>
          %gather3A_502 = tpu.vector_load_idx %arg24[%add3A_501] : memref<2048xf32, #tpu.memory_space<vmem>>[vector<16xi32>], vector<16xf32>,
          %add3A_503 = arith.addf %gather3A_499, %gather3A_500 : vector<16xf32>
          %add3A_504 = arith.addf %add3A_503, %gather3A_502 : vector<16xf32>
          %max3A_505 = arith.constant 0.000000e+00 : f32
          %max3A_506 = vector.broadcast %max3A_505 : f32 to vector<16xf32>
          %max3A_507 = arith.maximumf %add3A_504, %max3A_506 : vector<16xf32>
          %mul3A_508 = arith.mulf %max3A_507, %get3A_491 : vector<16xf32>
          %gather3A_509 = tpu.vector_load_idx %arg16[%add3A_313, %add3A_498] : memref<128x64xf32, #tpu.memory_space<vmem>>[vector<16xi32>, vector<16xi32>], vector<16xf32>,
          %gather3A_510 = tpu.vector_load_idx %arg18[%add3A_313, %add3A_498] : memref<128x64xf32, #tpu.memory_space<vmem>>[vector<16xi32>, vector<16xi32>], vector<16xf32>,
          %add3A_511 = arith.addi %shift_left3A_324, %and3A_483 : vector<16xi32>
          %gather3A_512 = tpu.vector_load_idx %arg20[%add3A_319, %add3A_511] : memref<32x128xf32, #tpu.memory_space<vmem>>[vector<16xi32>, vector<16xi32>], vector<16xf32>,
          %add3A_513 = arith.addf %gather3A_509, %gather3A_510 : vector<16xf32>
          %add3A_514 = arith.addf %add3A_513, %gather3A_512 : vector<16xf32>
          %max3A_515 = arith.constant 0.000000e+00 : f32
          %max3A_516 = vector.broadcast %max3A_515 : f32 to vector<16xf32>
          %max3A_517 = arith.maximumf %add3A_514, %max3A_516 : vector<16xf32>
          %mul3A_518 = arith.mulf %max3A_517, %get3A_495 : vector<16xf32>
          %add3A_519 = arith.addf %add3A_476, %mul3A_508 : vector<16xf32>
          %add3A_520 = arith.addf %add3A_477, %mul3A_518 : vector<16xf32>
          %add3A_521 = arith.constant 1 : i32
          %add3A_522 = vector.broadcast %add3A_521 : i32 to vector<16xi32>
          %add3A_523 = arith.addi %and3A_483, %add3A_522 : vector<16xi32>
          %and3A_524 = arith.constant 31 : i32
          %and3A_525 = vector.broadcast %and3A_524 : i32 to vector<16xi32>
          %and3A_526 = arith.andi %add3A_523, %and3A_525 : vector<16xi32>
          scf.yield %and3A_526, %add3A_519, %add3A_520 : vector<16xi32>, vector<16xf32>, vector<16xf32>
        }
        %scan3A_339 = arith.constant 8 : i32
        %add3A_340 = arith.addf %scan3A_338#1, %get3A_22 : vector<16xf32>
        %neg3A = arith.constant 0.000000e+00 : f32
        %neg3A_341 = vector.broadcast %neg3A : f32 to vector<16xf32>
        %neg3A_342 = arith.subf %neg3A_341, %add3A_340 : vector<16xf32>
        %exp3A = math.exp %neg3A_342 : vector<16xf32>
        %add3A_343 = arith.constant 1.000000e+00 : f32
        %add3A_344 = vector.broadcast %add3A_343 : f32 to vector<16xf32>
        %add3A_345 = arith.addf %add3A_344, %exp3A : vector<16xf32>
        %div3A_346 = arith.constant 1.000000e+00 : f32
        %div3A_347 = vector.broadcast %div3A_346 : f32 to vector<16xf32>
        %div3A_348 = arith.divf %div3A_347, %add3A_345 : vector<16xf32>
        %add3A_349 = arith.addf %scan3A_338#2, %get3A_24 : vector<16xf32>
        %mul3A_350 = arith.mulf %div3A_348, %add3A_349 : vector<16xf32>
        %exp3A_351 = math.exp %mul3A_350 : vector<16xf32>
        tpu.vector_store_idx %arg22[%add3A_313], %exp3A_351 : memref<128xf32, #tpu.memory_space<vmem>>[vector<16xi32>], vector<16xf32>,
      }
      %scan3A_298 = arith.constant 8 : i32
      %mul3A_299 = arith.constant 128 : i32
      %mul3A_300 = arith.muli %add3A_127, %mul3A_299 : i32
      %add3A_301 = arith.addi %mul3A_13, %mul3A_300 : i32
      %dma_start3A_302 = tpu.memref_slice %arg10[%add3A_301] : memref<327680xf32, #tpu.memory_space<hbm>> -> memref<128xf32, #tpu.memory_space<hbm>>
      %dma_start3A_303 = tpu.memref_slice %arg10[%add3A_301] : memref<327680xf32, #tpu.memory_space<hbm>> -> memref<128xf32, #tpu.memory_space<hbm>>
      tpu.enqueue_dma source(%arg22 : memref<128xf32, #tpu.memory_space<vmem>>) target(%dma_start3A_303 : memref<128xf32, #tpu.memory_space<hbm>>) target_semaphore(%arg32 : memref<!tpu.dma_semaphore, #tpu.memory_space<semaphore_mem>>)
      %dma_start3A_304 = arith.constant 0 : i32
      %dma_start3A_305 = tpu.memref_slice %arg13[%add3A_127, %dma_start3A_304] : memref<104x128xi32, #tpu.memory_space<vmem>> -> memref<1x128xi32, #tpu.memory_space<vmem>>
      %dma_start3A_306 = tpu.memref_squeeze %dma_start3A_305 : memref<1x128xi32, #tpu.memory_space<vmem>> -> memref<128xi32, #tpu.memory_space<vmem>>
      %dma_start3A_307 = arith.constant 0 : i32
      %dma_start3A_308 = tpu.memref_slice %arg26[%dma_start3A_307] : memref<10240xf32, #tpu.memory_space<vmem_shared>> -> memref<10240xf32, #tpu.memory_space<vmem_shared>>
      tpu.enqueue_indirect_dma source(%arg22 : memref<128xf32, #tpu.memory_space<vmem>>) target(%dma_start3A_308 : memref<10240xf32, #tpu.memory_space<vmem_shared>>) offsets(%dma_start3A_306 : memref<128xi32, #tpu.memory_space<vmem>>) semaphore(%arg34 : memref<!tpu.dma_semaphore, #tpu.memory_space<semaphore_mem>>) {add = true}
    }
    %while3A_95 = arith.constant 1 : i32
    scf.for %while3A_123 = %while3A_93 to %while3A_89 step %while3A_95  : i32 {
      %mul3A_124 = arith.constant 2 : i32
      %mul3A_125 = arith.muli %while3A_123, %mul3A_124 : i32
      %add3A_126 = arith.constant 1 : i32
      %add3A_127 = arith.addi %mul3A_125, %add3A_126 : i32
      %mul3A_128 = arith.constant 128 : i32
      %mul3A_129 = arith.muli %add3A_127, %mul3A_128 : i32
      %add3A_130 = arith.addi %mul3A_13, %mul3A_129 : i32
      %min3A_131 = arith.constant 319872 : i32
      %min3A_132 = arith.minsi %add3A_130, %min3A_131 : i32
      %jit3A_133 = arith.constant 4 : i32
      %div3A_134 = arith.divsi %min3A_132, %jit3A_133 : i32
      %sign3A_135 = arith.constant 0 : i32
      %sign3A_136 = arith.cmpi sgt, %min3A_132, %sign3A_135 : i32
      %sign3A_137 = arith.extui %sign3A_136 : i1 to i32
      %sign3A_138 = arith.constant 0 : i32
      %sign3A_139 = arith.cmpi slt, %min3A_132, %sign3A_138 : i32
      %sign3A_140 = arith.extui %sign3A_139 : i1 to i32
      %sign3A_141 = arith.subi %sign3A_137, %sign3A_140 : i32
      %sign3A_142 = arith.constant 0 : i32
      %sign3A_143 = arith.cmpi sgt, %jit3A_133, %sign3A_142 : i32
      %sign3A_144 = arith.extui %sign3A_143 : i1 to i32
      %sign3A_145 = arith.constant 0 : i32
      %sign3A_146 = arith.cmpi slt, %jit3A_133, %sign3A_145 : i32
      %sign3A_147 = arith.extui %sign3A_146 : i1 to i32
      %sign3A_148 = arith.subi %sign3A_144, %sign3A_147 : i32
      %ne3A_149 = arith.cmpi ne, %sign3A_141, %sign3A_148 : i32
      %rem3A_150 = arith.remsi %min3A_132, %jit3A_133 : i32
      %ne3A_151 = arith.constant 0 : i32
      %ne3A_152 = arith.cmpi ne, %rem3A_150, %ne3A_151 : i32
      %and3A_153 = arith.andi %ne3A_149, %ne3A_152 : i1
      %sub3A_154 = arith.constant 1 : i32
      %sub3A_155 = arith.subi %div3A_134, %sub3A_154 : i32
      %select_n3A_156 = arith.select %and3A_153, %sub3A_155, %div3A_134 : i32
      %dma_start3A_157 = arith.constant 0 : i32
      %dma_start3A_158 = tpu.memref_slice %arg12[%add3A_127, %dma_start3A_157] : memref<104x128xi32, #tpu.memory_space<vmem>> -> memref<1x128xi32, #tpu.memory_space<vmem>>
      %dma_start3A_159 = tpu.memref_squeeze %dma_start3A_158 : memref<1x128xi32, #tpu.memory_space<vmem>> -> memref<128xi32, #tpu.memory_space<vmem>>
      %dma_start3A_160 = arith.constant 0 : i32
      %dma_start3A_161 = arith.constant 0 : i32
      %dma_start3A_162 = tpu.memref_slice %arg5[%dma_start3A_160, %dma_start3A_161] : memref<10000x64xf32, #tpu.memory_space<hbm>> -> memref<10000x64xf32, #tpu.memory_space<hbm>>
      tpu.enqueue_indirect_dma source(%dma_start3A_162 : memref<10000x64xf32, #tpu.memory_space<hbm>>) target(%arg16 : memref<128x64xf32, #tpu.memory_space<vmem>>) offsets(%dma_start3A_159 : memref<128xi32, #tpu.memory_space<vmem>>) semaphore(%arg28 : memref<!tpu.dma_semaphore, #tpu.memory_space<semaphore_mem>>)
      %dma_start3A_163 = arith.constant 0 : i32
      %dma_start3A_164 = tpu.memref_slice %arg13[%add3A_127, %dma_start3A_163] : memref<104x128xi32, #tpu.memory_space<vmem>> -> memref<1x128xi32, #tpu.memory_space<vmem>>
      %dma_start3A_165 = tpu.memref_squeeze %dma_start3A_164 : memref<1x128xi32, #tpu.memory_space<vmem>> -> memref<128xi32, #tpu.memory_space<vmem>>
      %dma_start3A_166 = arith.constant 0 : i32
      %dma_start3A_167 = arith.constant 0 : i32
      %dma_start3A_168 = tpu.memref_slice %arg6[%dma_start3A_166, %dma_start3A_167] : memref<10000x64xf32, #tpu.memory_space<hbm>> -> memref<10000x64xf32, #tpu.memory_space<hbm>>
      tpu.enqueue_indirect_dma source(%dma_start3A_168 : memref<10000x64xf32, #tpu.memory_space<hbm>>) target(%arg18 : memref<128x64xf32, #tpu.memory_space<vmem>>) offsets(%dma_start3A_165 : memref<128xi32, #tpu.memory_space<vmem>>) semaphore(%arg28 : memref<!tpu.dma_semaphore, #tpu.memory_space<semaphore_mem>>)
      %dma_start3A_169 = arith.constant 0 : i32
      %dma_start3A_170 = tpu.memref_slice %arg7[%select_n3A_156, %dma_start3A_169] : memref<80000x128xf32, #tpu.memory_space<hbm>> -> memref<32x128xf32, #tpu.memory_space<hbm>>
      %dma_start3A_171 = arith.constant 0 : i32
      %dma_start3A_172 = tpu.memref_slice %arg7[%select_n3A_156, %dma_start3A_171] : memref<80000x128xf32, #tpu.memory_space<hbm>> -> memref<32x128xf32, #tpu.memory_space<hbm>>
      tpu.enqueue_dma source(%dma_start3A_172 : memref<32x128xf32, #tpu.memory_space<hbm>>) target(%arg20 : memref<32x128xf32, #tpu.memory_space<vmem>>) target_semaphore(%arg30 : memref<!tpu.dma_semaphore, #tpu.memory_space<semaphore_mem>>)
      %mul3A_173 = arith.constant 128 : i32
      %mul3A_174 = arith.muli %mul3A_125, %mul3A_173 : i32
      %add3A_175 = arith.addi %mul3A_13, %mul3A_174 : i32
      %min3A_176 = arith.constant 319872 : i32
      %min3A_177 = arith.minsi %add3A_175, %min3A_176 : i32
      %jit3A_178 = arith.constant 4 : i32
      %div3A_179 = arith.divsi %min3A_177, %jit3A_178 : i32
      %sign3A_180 = arith.constant 0 : i32
      %sign3A_181 = arith.cmpi sgt, %min3A_177, %sign3A_180 : i32
      %sign3A_182 = arith.extui %sign3A_181 : i1 to i32
      %sign3A_183 = arith.constant 0 : i32
      %sign3A_184 = arith.cmpi slt, %min3A_177, %sign3A_183 : i32
      %sign3A_185 = arith.extui %sign3A_184 : i1 to i32
      %sign3A_186 = arith.subi %sign3A_182, %sign3A_185 : i32
      %sign3A_187 = arith.constant 0 : i32
      %sign3A_188 = arith.cmpi sgt, %jit3A_178, %sign3A_187 : i32
      %sign3A_189 = arith.extui %sign3A_188 : i1 to i32
      %sign3A_190 = arith.constant 0 : i32
      %sign3A_191 = arith.cmpi slt, %jit3A_178, %sign3A_190 : i32
      %sign3A_192 = arith.extui %sign3A_191 : i1 to i32
      %sign3A_193 = arith.subi %sign3A_189, %sign3A_192 : i32
      %ne3A_194 = arith.cmpi ne, %sign3A_186, %sign3A_193 : i32
      %rem3A_195 = arith.remsi %min3A_177, %jit3A_178 : i32
      %ne3A_196 = arith.constant 0 : i32
      %ne3A_197 = arith.cmpi ne, %rem3A_195, %ne3A_196 : i32
      %and3A_198 = arith.andi %ne3A_194, %ne3A_197 : i1
      %sub3A_199 = arith.constant 1 : i32
      %sub3A_200 = arith.subi %div3A_179, %sub3A_199 : i32
      %select_n3A_201 = arith.select %and3A_198, %sub3A_200, %div3A_179 : i32
      %dma_wait3A_202 = arith.constant 0 : i32
      %dma_wait3A_203 = tpu.memref_slice %arg12[%mul3A_125, %dma_wait3A_202] : memref<104x128xi32, #tpu.memory_space<vmem>> -> memref<1x128xi32, #tpu.memory_space<vmem>>
      %dma_wait3A_204 = tpu.memref_squeeze %dma_wait3A_203 : memref<1x128xi32, #tpu.memory_space<vmem>> -> memref<128xi32, #tpu.memory_space<vmem>>
      %dma_wait3A_205 = arith.constant 0 : i32
      %dma_wait3A_206 = arith.constant 0 : i32
      %dma_wait3A_207 = tpu.memref_slice %arg5[%dma_wait3A_205, %dma_wait3A_206] : memref<10000x64xf32, #tpu.memory_space<hbm>> -> memref<10000x64xf32, #tpu.memory_space<hbm>>
      tpu.wait_indirect_dma semaphore(%arg27 : memref<!tpu.dma_semaphore, #tpu.memory_space<semaphore_mem>>) src(%dma_wait3A_207 : memref<10000x64xf32, #tpu.memory_space<hbm>>) dst(%arg15 : memref<128x64xf32, #tpu.memory_space<vmem>>)
      %dma_wait3A_208 = arith.constant 0 : i32
      %dma_wait3A_209 = tpu.memref_slice %arg13[%mul3A_125, %dma_wait3A_208] : memref<104x128xi32, #tpu.memory_space<vmem>> -> memref<1x128xi32, #tpu.memory_space<vmem>>
      %dma_wait3A_210 = tpu.memref_squeeze %dma_wait3A_209 : memref<1x128xi32, #tpu.memory_space<vmem>> -> memref<128xi32, #tpu.memory_space<vmem>>
      %dma_wait3A_211 = arith.constant 0 : i32
      %dma_wait3A_212 = arith.constant 0 : i32
      %dma_wait3A_213 = tpu.memref_slice %arg6[%dma_wait3A_211, %dma_wait3A_212] : memref<10000x64xf32, #tpu.memory_space<hbm>> -> memref<10000x64xf32, #tpu.memory_space<hbm>>
      tpu.wait_indirect_dma semaphore(%arg27 : memref<!tpu.dma_semaphore, #tpu.memory_space<semaphore_mem>>) src(%dma_wait3A_213 : memref<10000x64xf32, #tpu.memory_space<hbm>>) dst(%arg17 : memref<128x64xf32, #tpu.memory_space<vmem>>)
      %dma_wait3A_214 = arith.constant 0 : i32
      %dma_wait3A_215 = tpu.memref_slice %arg7[%select_n3A_201, %dma_wait3A_214] : memref<80000x128xf32, #tpu.memory_space<hbm>> -> memref<32x128xf32, #tpu.memory_space<hbm>>
      %dma_wait3A_216 = arith.constant 0 : i32
      %dma_wait3A_217 = tpu.memref_slice %arg7[%select_n3A_201, %dma_wait3A_216] : memref<80000x128xf32, #tpu.memory_space<hbm>> -> memref<32x128xf32, #tpu.memory_space<hbm>>
      tpu.wait_dma2 semaphore(%arg29 : memref<!tpu.dma_semaphore, #tpu.memory_space<semaphore_mem>>) src(%dma_wait3A_217 : memref<32x128xf32, #tpu.memory_space<hbm>>) dst(%arg19 : memref<32x128xf32, #tpu.memory_space<vmem>>)
      %ge3A = arith.constant 2 : i32
      %ge3A_218 = arith.cmpi sge, %mul3A_125, %ge3A : i32
      %convert_element_type3A_219 = arith.extui %ge3A_218 : i1 to i32
      %cond3A_220 = arith.constant 0 : i32
      %cond3A_221 = arith.cmpi ne, %convert_element_type3A_219, %cond3A_220 : i32
      scf.if %cond3A_221 {
        %sub3A_309 = arith.constant 2 : i32
        %sub3A_310 = arith.subi %mul3A_125, %sub3A_309 : i32
        %mul3A_311 = arith.constant 128 : i32
        %mul3A_312 = arith.muli %sub3A_310, %mul3A_311 : i32
        %add3A_313 = arith.addi %mul3A_13, %mul3A_312 : i32
        %dma_wait3A_314 = tpu.memref_slice %arg10[%add3A_313] : memref<327680xf32, #tpu.memory_space<hbm>> -> memref<128xf32, #tpu.memory_space<hbm>>
        %dma_wait3A_315 = tpu.memref_slice %arg10[%add3A_313] : memref<327680xf32, #tpu.memory_space<hbm>> -> memref<128xf32, #tpu.memory_space<hbm>>
        tpu.wait_dma2 semaphore(%arg31 : memref<!tpu.dma_semaphore, #tpu.memory_space<semaphore_mem>>) src(%arg21 : memref<128xf32, #tpu.memory_space<vmem>>) dst(%dma_wait3A_315 : memref<128xf32, #tpu.memory_space<hbm>>)
        %dma_wait3A_316 = arith.constant 0 : i32
        %dma_wait3A_317 = tpu.memref_slice %arg13[%sub3A_310, %dma_wait3A_316] : memref<104x128xi32, #tpu.memory_space<vmem>> -> memref<1x128xi32, #tpu.memory_space<vmem>>
        %dma_wait3A_318 = tpu.memref_squeeze %dma_wait3A_317 : memref<1x128xi32, #tpu.memory_space<vmem>> -> memref<128xi32, #tpu.memory_space<vmem>>
        %dma_wait3A_319 = arith.constant 0 : i32
        %dma_wait3A_320 = tpu.memref_slice %arg26[%dma_wait3A_319] : memref<10240xf32, #tpu.memory_space<vmem_shared>> -> memref<10240xf32, #tpu.memory_space<vmem_shared>>
        tpu.wait_indirect_dma semaphore(%arg33 : memref<!tpu.dma_semaphore, #tpu.memory_space<semaphore_mem>>) src(%arg21 : memref<128xf32, #tpu.memory_space<vmem>>) dst(%dma_wait3A_320 : memref<10240xf32, #tpu.memory_space<vmem_shared>>)
      } else {
      }
      %scan3A_222 = arith.constant 0 : i32
      %scan3A_223 = arith.constant 0 : i32
      %scan3A_224 = arith.constant 8 : i32
      %scan3A_225 = arith.addi %scan3A_223, %scan3A_224 : i32
      %scan3A_226 = arith.constant 1 : i32
      scf.for %scan3A_309 = %scan3A_223 to %scan3A_225 step %scan3A_226  : i32 {
        %mul3A_310 = arith.constant 16 : i32
        %mul3A_311 = arith.muli %scan3A_309, %mul3A_310 : i32
        %add3A_312 = vector.broadcast %mul3A_311 : i32 to vector<16xi32>
        %add3A_313 = arith.addi %iota3A, %add3A_312 : vector<16xi32>
        %shift_right_logical3A = arith.constant 2 : i32
        %shift_right_logical3A_314 = vector.broadcast %shift_right_logical3A : i32 to vector<16xi32>
        %shift_right_logical3A_315 = arith.shrui %iota3A, %shift_right_logical3A_314 : vector<16xi32>
        %mul3A_316 = arith.constant 4 : i32
        %mul3A_317 = arith.muli %scan3A_309, %mul3A_316 : i32
        %add3A_318 = vector.broadcast %mul3A_317 : i32 to vector<16xi32>
        %add3A_319 = arith.addi %shift_right_logical3A_315, %add3A_318 : vector<16xi32>
        %and3A_320 = arith.constant 3 : i32
        %and3A_321 = vector.broadcast %and3A_320 : i32 to vector<16xi32>
        %and3A_322 = arith.andi %iota3A, %and3A_321 : vector<16xi32>
        %shift_left3A = arith.constant 5 : i32
        %shift_left3A_323 = vector.broadcast %shift_left3A : i32 to vector<16xi32>
        %shift_left3A_324 = arith.shli %and3A_322, %shift_left3A_323 : vector<16xi32>
        %mul3A_325 = arith.constant 128 : i32
        %mul3A_326 = arith.muli %mul3A_125, %mul3A_325 : i32
        %add3A_327 = vector.broadcast %mul3A_326 : i32 to vector<16xi32>
        %add3A_328 = arith.addi %add3A_327, %add3A_313 : vector<16xi32>
        %gather3A = tpu.vector_load_idx %arg14[%add3A_328] : memref<13312xi32, #tpu.memory_space<vmem>>[vector<16xi32>], vector<16xi32>,
        %mul3A_329 = arith.constant 32 : i32
        %mul3A_330 = vector.broadcast %mul3A_329 : i32 to vector<16xi32>
        %mul3A_331 = arith.muli %gather3A, %mul3A_330 : vector<16xi32>
        %broadcast_in_dim3A_332 = arith.constant 0.000000e+00 : f32
        %broadcast_in_dim3A_333 = vector.broadcast %broadcast_in_dim3A_332 : f32 to vector<16xf32>
        %scan3A_334 = arith.constant 0 : i32
        %scan3A_335 = arith.constant 8 : i32
        %scan3A_336 = arith.addi %scan3A_334, %scan3A_335 : i32
        %scan3A_337 = arith.constant 1 : i32
        %scan3A_338:3 = scf.for %scan3A_352 = %scan3A_334 to %scan3A_336 step %scan3A_337 iter_args(%scan3A_353 = %iota3A, %scan3A_354 = %broadcast_in_dim3A_333, %scan3A_355 = %broadcast_in_dim3A_333) -> (vector<16xi32>, vector<16xf32>, vector<16xf32>)  : i32 {
          %mul3A_356 = arith.constant 4 : i32
          %mul3A_357 = arith.muli %scan3A_352, %mul3A_356 : i32
          %add3A_358 = arith.constant 0 : i32
          %add3A_359 = arith.addi %mul3A_357, %add3A_358 : i32
          %mul3A_360 = arith.constant 16 : i32
          %mul3A_361 = arith.muli %add3A_359, %mul3A_360 : i32
          %get3A_362 = arith.index_cast %mul3A_361 : i32 to index
          %get3A_363 = tpu.vector_load %arg23[%get3A_362] {strides = array<i32>} : memref<1088xf32, #tpu.memory_space<vmem>>, vector<16xf32>,
          %add3A_364 = arith.constant 512 : i32
          %add3A_365 = arith.addi %mul3A_361, %add3A_364 : i32
          %get3A_366 = arith.index_cast %add3A_365 : i32 to index
          %get3A_367 = tpu.vector_load %arg23[%get3A_366] {strides = array<i32>} : memref<1088xf32, #tpu.memory_space<vmem>>, vector<16xf32>,
          %add3A_368 = arith.constant 32 : i32
          %add3A_369 = vector.broadcast %add3A_368 : i32 to vector<16xi32>
          %add3A_370 = arith.addi %scan3A_353, %add3A_369 : vector<16xi32>
          %gather3A_371 = tpu.vector_load_idx %arg15[%add3A_313, %scan3A_353] : memref<128x64xf32, #tpu.memory_space<vmem>>[vector<16xi32>, vector<16xi32>], vector<16xf32>,
          %gather3A_372 = tpu.vector_load_idx %arg17[%add3A_313, %scan3A_353] : memref<128x64xf32, #tpu.memory_space<vmem>>[vector<16xi32>, vector<16xi32>], vector<16xf32>,
          %add3A_373 = arith.addi %mul3A_331, %scan3A_353 : vector<16xi32>
          %gather3A_374 = tpu.vector_load_idx %arg24[%add3A_373] : memref<2048xf32, #tpu.memory_space<vmem>>[vector<16xi32>], vector<16xf32>,
          %add3A_375 = arith.addf %gather3A_371, %gather3A_372 : vector<16xf32>
          %add3A_376 = arith.addf %add3A_375, %gather3A_374 : vector<16xf32>
          %max3A = arith.constant 0.000000e+00 : f32
          %max3A_377 = vector.broadcast %max3A : f32 to vector<16xf32>
          %max3A_378 = arith.maximumf %add3A_376, %max3A_377 : vector<16xf32>
          %mul3A_379 = arith.mulf %max3A_378, %get3A_363 : vector<16xf32>
          %gather3A_380 = tpu.vector_load_idx %arg15[%add3A_313, %add3A_370] : memref<128x64xf32, #tpu.memory_space<vmem>>[vector<16xi32>, vector<16xi32>], vector<16xf32>,
          %gather3A_381 = tpu.vector_load_idx %arg17[%add3A_313, %add3A_370] : memref<128x64xf32, #tpu.memory_space<vmem>>[vector<16xi32>, vector<16xi32>], vector<16xf32>,
          %add3A_382 = arith.addi %shift_left3A_324, %scan3A_353 : vector<16xi32>
          %gather3A_383 = tpu.vector_load_idx %arg19[%add3A_319, %add3A_382] : memref<32x128xf32, #tpu.memory_space<vmem>>[vector<16xi32>, vector<16xi32>], vector<16xf32>,
          %add3A_384 = arith.addf %gather3A_380, %gather3A_381 : vector<16xf32>
          %add3A_385 = arith.addf %add3A_384, %gather3A_383 : vector<16xf32>
          %max3A_386 = arith.constant 0.000000e+00 : f32
          %max3A_387 = vector.broadcast %max3A_386 : f32 to vector<16xf32>
          %max3A_388 = arith.maximumf %add3A_385, %max3A_387 : vector<16xf32>
          %mul3A_389 = arith.mulf %max3A_388, %get3A_367 : vector<16xf32>
          %add3A_390 = arith.addf %scan3A_354, %mul3A_379 : vector<16xf32>
          %add3A_391 = arith.addf %scan3A_355, %mul3A_389 : vector<16xf32>
          %add3A_392 = arith.constant 1 : i32
          %add3A_393 = vector.broadcast %add3A_392 : i32 to vector<16xi32>
          %add3A_394 = arith.addi %scan3A_353, %add3A_393 : vector<16xi32>
          %and3A_395 = arith.constant 31 : i32
          %and3A_396 = vector.broadcast %and3A_395 : i32 to vector<16xi32>
          %and3A_397 = arith.andi %add3A_394, %and3A_396 : vector<16xi32>
          %mul3A_398 = arith.constant 4 : i32
          %mul3A_399 = arith.muli %scan3A_352, %mul3A_398 : i32
          %add3A_400 = arith.constant 1 : i32
          %add3A_401 = arith.addi %mul3A_399, %add3A_400 : i32
          %mul3A_402 = arith.constant 16 : i32
          %mul3A_403 = arith.muli %add3A_401, %mul3A_402 : i32
          %get3A_404 = arith.index_cast %mul3A_403 : i32 to index
          %get3A_405 = tpu.vector_load %arg23[%get3A_404] {strides = array<i32>} : memref<1088xf32, #tpu.memory_space<vmem>>, vector<16xf32>,
          %add3A_406 = arith.constant 512 : i32
          %add3A_407 = arith.addi %mul3A_403, %add3A_406 : i32
          %get3A_408 = arith.index_cast %add3A_407 : i32 to index
          %get3A_409 = tpu.vector_load %arg23[%get3A_408] {strides = array<i32>} : memref<1088xf32, #tpu.memory_space<vmem>>, vector<16xf32>,
          %add3A_410 = arith.constant 32 : i32
          %add3A_411 = vector.broadcast %add3A_410 : i32 to vector<16xi32>
          %add3A_412 = arith.addi %and3A_397, %add3A_411 : vector<16xi32>
          %gather3A_413 = tpu.vector_load_idx %arg15[%add3A_313, %and3A_397] : memref<128x64xf32, #tpu.memory_space<vmem>>[vector<16xi32>, vector<16xi32>], vector<16xf32>,
          %gather3A_414 = tpu.vector_load_idx %arg17[%add3A_313, %and3A_397] : memref<128x64xf32, #tpu.memory_space<vmem>>[vector<16xi32>, vector<16xi32>], vector<16xf32>,
          %add3A_415 = arith.addi %mul3A_331, %and3A_397 : vector<16xi32>
          %gather3A_416 = tpu.vector_load_idx %arg24[%add3A_415] : memref<2048xf32, #tpu.memory_space<vmem>>[vector<16xi32>], vector<16xf32>,
          %add3A_417 = arith.addf %gather3A_413, %gather3A_414 : vector<16xf32>
          %add3A_418 = arith.addf %add3A_417, %gather3A_416 : vector<16xf32>
          %max3A_419 = arith.constant 0.000000e+00 : f32
          %max3A_420 = vector.broadcast %max3A_419 : f32 to vector<16xf32>
          %max3A_421 = arith.maximumf %add3A_418, %max3A_420 : vector<16xf32>
          %mul3A_422 = arith.mulf %max3A_421, %get3A_405 : vector<16xf32>
          %gather3A_423 = tpu.vector_load_idx %arg15[%add3A_313, %add3A_412] : memref<128x64xf32, #tpu.memory_space<vmem>>[vector<16xi32>, vector<16xi32>], vector<16xf32>,
          %gather3A_424 = tpu.vector_load_idx %arg17[%add3A_313, %add3A_412] : memref<128x64xf32, #tpu.memory_space<vmem>>[vector<16xi32>, vector<16xi32>], vector<16xf32>,
          %add3A_425 = arith.addi %shift_left3A_324, %and3A_397 : vector<16xi32>
          %gather3A_426 = tpu.vector_load_idx %arg19[%add3A_319, %add3A_425] : memref<32x128xf32, #tpu.memory_space<vmem>>[vector<16xi32>, vector<16xi32>], vector<16xf32>,
          %add3A_427 = arith.addf %gather3A_423, %gather3A_424 : vector<16xf32>
          %add3A_428 = arith.addf %add3A_427, %gather3A_426 : vector<16xf32>
          %max3A_429 = arith.constant 0.000000e+00 : f32
          %max3A_430 = vector.broadcast %max3A_429 : f32 to vector<16xf32>
          %max3A_431 = arith.maximumf %add3A_428, %max3A_430 : vector<16xf32>
          %mul3A_432 = arith.mulf %max3A_431, %get3A_409 : vector<16xf32>
          %add3A_433 = arith.addf %add3A_390, %mul3A_422 : vector<16xf32>
          %add3A_434 = arith.addf %add3A_391, %mul3A_432 : vector<16xf32>
          %add3A_435 = arith.constant 1 : i32
          %add3A_436 = vector.broadcast %add3A_435 : i32 to vector<16xi32>
          %add3A_437 = arith.addi %and3A_397, %add3A_436 : vector<16xi32>
          %and3A_438 = arith.constant 31 : i32
          %and3A_439 = vector.broadcast %and3A_438 : i32 to vector<16xi32>
          %and3A_440 = arith.andi %add3A_437, %and3A_439 : vector<16xi32>
          %mul3A_441 = arith.constant 4 : i32
          %mul3A_442 = arith.muli %scan3A_352, %mul3A_441 : i32
          %add3A_443 = arith.constant 2 : i32
          %add3A_444 = arith.addi %mul3A_442, %add3A_443 : i32
          %mul3A_445 = arith.constant 16 : i32
          %mul3A_446 = arith.muli %add3A_444, %mul3A_445 : i32
          %get3A_447 = arith.index_cast %mul3A_446 : i32 to index
          %get3A_448 = tpu.vector_load %arg23[%get3A_447] {strides = array<i32>} : memref<1088xf32, #tpu.memory_space<vmem>>, vector<16xf32>,
          %add3A_449 = arith.constant 512 : i32
          %add3A_450 = arith.addi %mul3A_446, %add3A_449 : i32
          %get3A_451 = arith.index_cast %add3A_450 : i32 to index
          %get3A_452 = tpu.vector_load %arg23[%get3A_451] {strides = array<i32>} : memref<1088xf32, #tpu.memory_space<vmem>>, vector<16xf32>,
          %add3A_453 = arith.constant 32 : i32
          %add3A_454 = vector.broadcast %add3A_453 : i32 to vector<16xi32>
          %add3A_455 = arith.addi %and3A_440, %add3A_454 : vector<16xi32>
          %gather3A_456 = tpu.vector_load_idx %arg15[%add3A_313, %and3A_440] : memref<128x64xf32, #tpu.memory_space<vmem>>[vector<16xi32>, vector<16xi32>], vector<16xf32>,
          %gather3A_457 = tpu.vector_load_idx %arg17[%add3A_313, %and3A_440] : memref<128x64xf32, #tpu.memory_space<vmem>>[vector<16xi32>, vector<16xi32>], vector<16xf32>,
          %add3A_458 = arith.addi %mul3A_331, %and3A_440 : vector<16xi32>
          %gather3A_459 = tpu.vector_load_idx %arg24[%add3A_458] : memref<2048xf32, #tpu.memory_space<vmem>>[vector<16xi32>], vector<16xf32>,
          %add3A_460 = arith.addf %gather3A_456, %gather3A_457 : vector<16xf32>
          %add3A_461 = arith.addf %add3A_460, %gather3A_459 : vector<16xf32>
          %max3A_462 = arith.constant 0.000000e+00 : f32
          %max3A_463 = vector.broadcast %max3A_462 : f32 to vector<16xf32>
          %max3A_464 = arith.maximumf %add3A_461, %max3A_463 : vector<16xf32>
          %mul3A_465 = arith.mulf %max3A_464, %get3A_448 : vector<16xf32>
          %gather3A_466 = tpu.vector_load_idx %arg15[%add3A_313, %add3A_455] : memref<128x64xf32, #tpu.memory_space<vmem>>[vector<16xi32>, vector<16xi32>], vector<16xf32>,
          %gather3A_467 = tpu.vector_load_idx %arg17[%add3A_313, %add3A_455] : memref<128x64xf32, #tpu.memory_space<vmem>>[vector<16xi32>, vector<16xi32>], vector<16xf32>,
          %add3A_468 = arith.addi %shift_left3A_324, %and3A_440 : vector<16xi32>
          %gather3A_469 = tpu.vector_load_idx %arg19[%add3A_319, %add3A_468] : memref<32x128xf32, #tpu.memory_space<vmem>>[vector<16xi32>, vector<16xi32>], vector<16xf32>,
          %add3A_470 = arith.addf %gather3A_466, %gather3A_467 : vector<16xf32>
          %add3A_471 = arith.addf %add3A_470, %gather3A_469 : vector<16xf32>
          %max3A_472 = arith.constant 0.000000e+00 : f32
          %max3A_473 = vector.broadcast %max3A_472 : f32 to vector<16xf32>
          %max3A_474 = arith.maximumf %add3A_471, %max3A_473 : vector<16xf32>
          %mul3A_475 = arith.mulf %max3A_474, %get3A_452 : vector<16xf32>
          %add3A_476 = arith.addf %add3A_433, %mul3A_465 : vector<16xf32>
          %add3A_477 = arith.addf %add3A_434, %mul3A_475 : vector<16xf32>
          %add3A_478 = arith.constant 1 : i32
          %add3A_479 = vector.broadcast %add3A_478 : i32 to vector<16xi32>
          %add3A_480 = arith.addi %and3A_440, %add3A_479 : vector<16xi32>
          %and3A_481 = arith.constant 31 : i32
          %and3A_482 = vector.broadcast %and3A_481 : i32 to vector<16xi32>
          %and3A_483 = arith.andi %add3A_480, %and3A_482 : vector<16xi32>
          %mul3A_484 = arith.constant 4 : i32
          %mul3A_485 = arith.muli %scan3A_352, %mul3A_484 : i32
          %add3A_486 = arith.constant 3 : i32
          %add3A_487 = arith.addi %mul3A_485, %add3A_486 : i32
          %mul3A_488 = arith.constant 16 : i32
          %mul3A_489 = arith.muli %add3A_487, %mul3A_488 : i32
          %get3A_490 = arith.index_cast %mul3A_489 : i32 to index
          %get3A_491 = tpu.vector_load %arg23[%get3A_490] {strides = array<i32>} : memref<1088xf32, #tpu.memory_space<vmem>>, vector<16xf32>,
          %add3A_492 = arith.constant 512 : i32
          %add3A_493 = arith.addi %mul3A_489, %add3A_492 : i32
          %get3A_494 = arith.index_cast %add3A_493 : i32 to index
          %get3A_495 = tpu.vector_load %arg23[%get3A_494] {strides = array<i32>} : memref<1088xf32, #tpu.memory_space<vmem>>, vector<16xf32>,
          %add3A_496 = arith.constant 32 : i32
          %add3A_497 = vector.broadcast %add3A_496 : i32 to vector<16xi32>
          %add3A_498 = arith.addi %and3A_483, %add3A_497 : vector<16xi32>
          %gather3A_499 = tpu.vector_load_idx %arg15[%add3A_313, %and3A_483] : memref<128x64xf32, #tpu.memory_space<vmem>>[vector<16xi32>, vector<16xi32>], vector<16xf32>,
          %gather3A_500 = tpu.vector_load_idx %arg17[%add3A_313, %and3A_483] : memref<128x64xf32, #tpu.memory_space<vmem>>[vector<16xi32>, vector<16xi32>], vector<16xf32>,
          %add3A_501 = arith.addi %mul3A_331, %and3A_483 : vector<16xi32>
          %gather3A_502 = tpu.vector_load_idx %arg24[%add3A_501] : memref<2048xf32, #tpu.memory_space<vmem>>[vector<16xi32>], vector<16xf32>,
          %add3A_503 = arith.addf %gather3A_499, %gather3A_500 : vector<16xf32>
          %add3A_504 = arith.addf %add3A_503, %gather3A_502 : vector<16xf32>
          %max3A_505 = arith.constant 0.000000e+00 : f32
          %max3A_506 = vector.broadcast %max3A_505 : f32 to vector<16xf32>
          %max3A_507 = arith.maximumf %add3A_504, %max3A_506 : vector<16xf32>
          %mul3A_508 = arith.mulf %max3A_507, %get3A_491 : vector<16xf32>
          %gather3A_509 = tpu.vector_load_idx %arg15[%add3A_313, %add3A_498] : memref<128x64xf32, #tpu.memory_space<vmem>>[vector<16xi32>, vector<16xi32>], vector<16xf32>,
          %gather3A_510 = tpu.vector_load_idx %arg17[%add3A_313, %add3A_498] : memref<128x64xf32, #tpu.memory_space<vmem>>[vector<16xi32>, vector<16xi32>], vector<16xf32>,
          %add3A_511 = arith.addi %shift_left3A_324, %and3A_483 : vector<16xi32>
          %gather3A_512 = tpu.vector_load_idx %arg19[%add3A_319, %add3A_511] : memref<32x128xf32, #tpu.memory_space<vmem>>[vector<16xi32>, vector<16xi32>], vector<16xf32>,
          %add3A_513 = arith.addf %gather3A_509, %gather3A_510 : vector<16xf32>
          %add3A_514 = arith.addf %add3A_513, %gather3A_512 : vector<16xf32>
          %max3A_515 = arith.constant 0.000000e+00 : f32
          %max3A_516 = vector.broadcast %max3A_515 : f32 to vector<16xf32>
          %max3A_517 = arith.maximumf %add3A_514, %max3A_516 : vector<16xf32>
          %mul3A_518 = arith.mulf %max3A_517, %get3A_495 : vector<16xf32>
          %add3A_519 = arith.addf %add3A_476, %mul3A_508 : vector<16xf32>
          %add3A_520 = arith.addf %add3A_477, %mul3A_518 : vector<16xf32>
          %add3A_521 = arith.constant 1 : i32
          %add3A_522 = vector.broadcast %add3A_521 : i32 to vector<16xi32>
          %add3A_523 = arith.addi %and3A_483, %add3A_522 : vector<16xi32>
          %and3A_524 = arith.constant 31 : i32
          %and3A_525 = vector.broadcast %and3A_524 : i32 to vector<16xi32>
          %and3A_526 = arith.andi %add3A_523, %and3A_525 : vector<16xi32>
          scf.yield %and3A_526, %add3A_519, %add3A_520 : vector<16xi32>, vector<16xf32>, vector<16xf32>
        }
        %scan3A_339 = arith.constant 8 : i32
        %add3A_340 = arith.addf %scan3A_338#1, %get3A_22 : vector<16xf32>
        %neg3A = arith.constant 0.000000e+00 : f32
        %neg3A_341 = vector.broadcast %neg3A : f32 to vector<16xf32>
        %neg3A_342 = arith.subf %neg3A_341, %add3A_340 : vector<16xf32>
        %exp3A = math.exp %neg3A_342 : vector<16xf32>
        %add3A_343 = arith.constant 1.000000e+00 : f32
        %add3A_344 = vector.broadcast %add3A_343 : f32 to vector<16xf32>
        %add3A_345 = arith.addf %add3A_344, %exp3A : vector<16xf32>
        %div3A_346 = arith.constant 1.000000e+00 : f32
        %div3A_347 = vector.broadcast %div3A_346 : f32 to vector<16xf32>
        %div3A_348 = arith.divf %div3A_347, %add3A_345 : vector<16xf32>
        %add3A_349 = arith.addf %scan3A_338#2, %get3A_24 : vector<16xf32>
        %mul3A_350 = arith.mulf %div3A_348, %add3A_349 : vector<16xf32>
        %exp3A_351 = math.exp %mul3A_350 : vector<16xf32>
        tpu.vector_store_idx %arg21[%add3A_313], %exp3A_351 : memref<128xf32, #tpu.memory_space<vmem>>[vector<16xi32>], vector<16xf32>,
      }
      %scan3A_227 = arith.constant 8 : i32
      %mul3A_228 = arith.constant 128 : i32
      %mul3A_229 = arith.muli %mul3A_125, %mul3A_228 : i32
      %add3A_230 = arith.addi %mul3A_13, %mul3A_229 : i32
      %dma_start3A_231 = tpu.memref_slice %arg10[%add3A_230] : memref<327680xf32, #tpu.memory_space<hbm>> -> memref<128xf32, #tpu.memory_space<hbm>>
      %dma_start3A_232 = tpu.memref_slice %arg10[%add3A_230] : memref<327680xf32, #tpu.memory_space<hbm>> -> memref<128xf32, #tpu.memory_space<hbm>>
      tpu.enqueue_dma source(%arg21 : memref<128xf32, #tpu.memory_space<vmem>>) target(%dma_start3A_232 : memref<128xf32, #tpu.memory_space<hbm>>) target_semaphore(%arg31 : memref<!tpu.dma_semaphore, #tpu.memory_space<semaphore_mem>>)
      %dma_start3A_233 = arith.constant 0 : i32
      %dma_start3A_234 = tpu.memref_slice %arg13[%mul3A_125, %dma_start3A_233] : memref<104x128xi32, #tpu.memory_space<vmem>> -> memref<1x128xi32, #tpu.memory_space<vmem>>
      %dma_start3A_235 = tpu.memref_squeeze %dma_start3A_234 : memref<1x128xi32, #tpu.memory_space<vmem>> -> memref<128xi32, #tpu.memory_space<vmem>>
      %dma_start3A_236 = arith.constant 0 : i32
      %dma_start3A_237 = tpu.memref_slice %arg26[%dma_start3A_236] : memref<10240xf32, #tpu.memory_space<vmem_shared>> -> memref<10240xf32, #tpu.memory_space<vmem_shared>>
      tpu.enqueue_indirect_dma source(%arg21 : memref<128xf32, #tpu.memory_space<vmem>>) target(%dma_start3A_237 : memref<10240xf32, #tpu.memory_space<vmem_shared>>) offsets(%dma_start3A_235 : memref<128xi32, #tpu.memory_space<vmem>>) semaphore(%arg33 : memref<!tpu.dma_semaphore, #tpu.memory_space<semaphore_mem>>) {add = true}
      %add3A_238 = arith.constant 1 : i32
      %add3A_239 = arith.addi %add3A_127, %add3A_238 : i32
      %lt3A = arith.cmpi slt, %add3A_239, %select_n3A : i32
      %convert_element_type3A_240 = arith.extui %lt3A : i1 to i32
      %cond3A_241 = arith.constant 0 : i32
      %cond3A_242 = arith.cmpi ne, %convert_element_type3A_240, %cond3A_241 : i32
      scf.if %cond3A_242 {
        %add3A_309 = arith.constant 1 : i32
        %add3A_310 = arith.addi %add3A_127, %add3A_309 : i32
        %mul3A_311 = arith.constant 128 : i32
        %mul3A_312 = arith.muli %add3A_310, %mul3A_311 : i32
        %add3A_313 = arith.addi %mul3A_13, %mul3A_312 : i32
        %min3A_314 = arith.constant 319872 : i32
        %min3A_315 = arith.minsi %add3A_313, %min3A_314 : i32
        %jit3A_316 = arith.constant 4 : i32
        %div3A_317 = arith.divsi %min3A_315, %jit3A_316 : i32
        %sign3A_318 = arith.constant 0 : i32
        %sign3A_319 = arith.cmpi sgt, %min3A_315, %sign3A_318 : i32
        %sign3A_320 = arith.extui %sign3A_319 : i1 to i32
        %sign3A_321 = arith.constant 0 : i32
        %sign3A_322 = arith.cmpi slt, %min3A_315, %sign3A_321 : i32
        %sign3A_323 = arith.extui %sign3A_322 : i1 to i32
        %sign3A_324 = arith.subi %sign3A_320, %sign3A_323 : i32
        %sign3A_325 = arith.constant 0 : i32
        %sign3A_326 = arith.cmpi sgt, %jit3A_316, %sign3A_325 : i32
        %sign3A_327 = arith.extui %sign3A_326 : i1 to i32
        %sign3A_328 = arith.constant 0 : i32
        %sign3A_329 = arith.cmpi slt, %jit3A_316, %sign3A_328 : i32
        %sign3A_330 = arith.extui %sign3A_329 : i1 to i32
        %sign3A_331 = arith.subi %sign3A_327, %sign3A_330 : i32
        %ne3A_332 = arith.cmpi ne, %sign3A_324, %sign3A_331 : i32
        %rem3A_333 = arith.remsi %min3A_315, %jit3A_316 : i32
        %ne3A_334 = arith.constant 0 : i32
        %ne3A_335 = arith.cmpi ne, %rem3A_333, %ne3A_334 : i32
        %and3A_336 = arith.andi %ne3A_332, %ne3A_335 : i1
        %sub3A_337 = arith.constant 1 : i32
        %sub3A_338 = arith.subi %div3A_317, %sub3A_337 : i32
        %select_n3A_339 = arith.select %and3A_336, %sub3A_338, %div3A_317 : i32
        %dma_start3A_340 = arith.constant 0 : i32
        %dma_start3A_341 = tpu.memref_slice %arg12[%add3A_310, %dma_start3A_340] : memref<104x128xi32, #tpu.memory_space<vmem>> -> memref<1x128xi32, #tpu.memory_space<vmem>>
        %dma_start3A_342 = tpu.memref_squeeze %dma_start3A_341 : memref<1x128xi32, #tpu.memory_space<vmem>> -> memref<128xi32, #tpu.memory_space<vmem>>
        %dma_start3A_343 = arith.constant 0 : i32
        %dma_start3A_344 = arith.constant 0 : i32
        %dma_start3A_345 = tpu.memref_slice %arg5[%dma_start3A_343, %dma_start3A_344] : memref<10000x64xf32, #tpu.memory_space<hbm>> -> memref<10000x64xf32, #tpu.memory_space<hbm>>
        tpu.enqueue_indirect_dma source(%dma_start3A_345 : memref<10000x64xf32, #tpu.memory_space<hbm>>) target(%arg15 : memref<128x64xf32, #tpu.memory_space<vmem>>) offsets(%dma_start3A_342 : memref<128xi32, #tpu.memory_space<vmem>>) semaphore(%arg27 : memref<!tpu.dma_semaphore, #tpu.memory_space<semaphore_mem>>)
        %dma_start3A_346 = arith.constant 0 : i32
        %dma_start3A_347 = tpu.memref_slice %arg13[%add3A_310, %dma_start3A_346] : memref<104x128xi32, #tpu.memory_space<vmem>> -> memref<1x128xi32, #tpu.memory_space<vmem>>
        %dma_start3A_348 = tpu.memref_squeeze %dma_start3A_347 : memref<1x128xi32, #tpu.memory_space<vmem>> -> memref<128xi32, #tpu.memory_space<vmem>>
        %dma_start3A_349 = arith.constant 0 : i32
        %dma_start3A_350 = arith.constant 0 : i32
        %dma_start3A_351 = tpu.memref_slice %arg6[%dma_start3A_349, %dma_start3A_350] : memref<10000x64xf32, #tpu.memory_space<hbm>> -> memref<10000x64xf32, #tpu.memory_space<hbm>>
        tpu.enqueue_indirect_dma source(%dma_start3A_351 : memref<10000x64xf32, #tpu.memory_space<hbm>>) target(%arg17 : memref<128x64xf32, #tpu.memory_space<vmem>>) offsets(%dma_start3A_348 : memref<128xi32, #tpu.memory_space<vmem>>) semaphore(%arg27 : memref<!tpu.dma_semaphore, #tpu.memory_space<semaphore_mem>>)
        %dma_start3A_352 = arith.constant 0 : i32
        %dma_start3A_353 = tpu.memref_slice %arg7[%select_n3A_339, %dma_start3A_352] : memref<80000x128xf32, #tpu.memory_space<hbm>> -> memref<32x128xf32, #tpu.memory_space<hbm>>
        %dma_start3A_354 = arith.constant 0 : i32
        %dma_start3A_355 = tpu.memref_slice %arg7[%select_n3A_339, %dma_start3A_354] : memref<80000x128xf32, #tpu.memory_space<hbm>> -> memref<32x128xf32, #tpu.memory_space<hbm>>
        tpu.enqueue_dma source(%dma_start3A_355 : memref<32x128xf32, #tpu.memory_space<hbm>>) target(%arg19 : memref<32x128xf32, #tpu.memory_space<vmem>>) target_semaphore(%arg29 : memref<!tpu.dma_semaphore, #tpu.memory_space<semaphore_mem>>)
      } else {
      }
      %mul3A_243 = arith.constant 128 : i32
      %mul3A_244 = arith.muli %add3A_127, %mul3A_243 : i32
      %add3A_245 = arith.addi %mul3A_13, %mul3A_244 : i32
      %min3A_246 = arith.constant 319872 : i32
      %min3A_247 = arith.minsi %add3A_245, %min3A_246 : i32
      %jit3A_248 = arith.constant 4 : i32
      %div3A_249 = arith.divsi %min3A_247, %jit3A_248 : i32
      %sign3A_250 = arith.constant 0 : i32
      %sign3A_251 = arith.cmpi sgt, %min3A_247, %sign3A_250 : i32
      %sign3A_252 = arith.extui %sign3A_251 : i1 to i32
      %sign3A_253 = arith.constant 0 : i32
      %sign3A_254 = arith.cmpi slt, %min3A_247, %sign3A_253 : i32
      %sign3A_255 = arith.extui %sign3A_254 : i1 to i32
      %sign3A_256 = arith.subi %sign3A_252, %sign3A_255 : i32
      %sign3A_257 = arith.constant 0 : i32
      %sign3A_258 = arith.cmpi sgt, %jit3A_248, %sign3A_257 : i32
      %sign3A_259 = arith.extui %sign3A_258 : i1 to i32
      %sign3A_260 = arith.constant 0 : i32
      %sign3A_261 = arith.cmpi slt, %jit3A_248, %sign3A_260 : i32
      %sign3A_262 = arith.extui %sign3A_261 : i1 to i32
      %sign3A_263 = arith.subi %sign3A_259, %sign3A_262 : i32
      %ne3A_264 = arith.cmpi ne, %sign3A_256, %sign3A_263 : i32
      %rem3A_265 = arith.remsi %min3A_247, %jit3A_248 : i32
      %ne3A_266 = arith.constant 0 : i32
      %ne3A_267 = arith.cmpi ne, %rem3A_265, %ne3A_266 : i32
      %and3A_268 = arith.andi %ne3A_264, %ne3A_267 : i1
      %sub3A_269 = arith.constant 1 : i32
      %sub3A_270 = arith.subi %div3A_249, %sub3A_269 : i32
      %select_n3A_271 = arith.select %and3A_268, %sub3A_270, %div3A_249 : i32
      %dma_wait3A_272 = arith.constant 0 : i32
      %dma_wait3A_273 = tpu.memref_slice %arg12[%add3A_127, %dma_wait3A_272] : memref<104x128xi32, #tpu.memory_space<vmem>> -> memref<1x128xi32, #tpu.memory_space<vmem>>
      %dma_wait3A_274 = tpu.memref_squeeze %dma_wait3A_273 : memref<1x128xi32, #tpu.memory_space<vmem>> -> memref<128xi32, #tpu.memory_space<vmem>>
      %dma_wait3A_275 = arith.constant 0 : i32
      %dma_wait3A_276 = arith.constant 0 : i32
      %dma_wait3A_277 = tpu.memref_slice %arg5[%dma_wait3A_275, %dma_wait3A_276] : memref<10000x64xf32, #tpu.memory_space<hbm>> -> memref<10000x64xf32, #tpu.memory_space<hbm>>
      tpu.wait_indirect_dma semaphore(%arg28 : memref<!tpu.dma_semaphore, #tpu.memory_space<semaphore_mem>>) src(%dma_wait3A_277 : memref<10000x64xf32, #tpu.memory_space<hbm>>) dst(%arg16 : memref<128x64xf32, #tpu.memory_space<vmem>>)
      %dma_wait3A_278 = arith.constant 0 : i32
      %dma_wait3A_279 = tpu.memref_slice %arg13[%add3A_127, %dma_wait3A_278] : memref<104x128xi32, #tpu.memory_space<vmem>> -> memref<1x128xi32, #tpu.memory_space<vmem>>
      %dma_wait3A_280 = tpu.memref_squeeze %dma_wait3A_279 : memref<1x128xi32, #tpu.memory_space<vmem>> -> memref<128xi32, #tpu.memory_space<vmem>>
      %dma_wait3A_281 = arith.constant 0 : i32
      %dma_wait3A_282 = arith.constant 0 : i32
      %dma_wait3A_283 = tpu.memref_slice %arg6[%dma_wait3A_281, %dma_wait3A_282] : memref<10000x64xf32, #tpu.memory_space<hbm>> -> memref<10000x64xf32, #tpu.memory_space<hbm>>
      tpu.wait_indirect_dma semaphore(%arg28 : memref<!tpu.dma_semaphore, #tpu.memory_space<semaphore_mem>>) src(%dma_wait3A_283 : memref<10000x64xf32, #tpu.memory_space<hbm>>) dst(%arg18 : memref<128x64xf32, #tpu.memory_space<vmem>>)
      %dma_wait3A_284 = arith.constant 0 : i32
      %dma_wait3A_285 = tpu.memref_slice %arg7[%select_n3A_271, %dma_wait3A_284] : memref<80000x128xf32, #tpu.memory_space<hbm>> -> memref<32x128xf32, #tpu.memory_space<hbm>>
      %dma_wait3A_286 = arith.constant 0 : i32
      %dma_wait3A_287 = tpu.memref_slice %arg7[%select_n3A_271, %dma_wait3A_286] : memref<80000x128xf32, #tpu.memory_space<hbm>> -> memref<32x128xf32, #tpu.memory_space<hbm>>
      tpu.wait_dma2 semaphore(%arg30 : memref<!tpu.dma_semaphore, #tpu.memory_space<semaphore_mem>>) src(%dma_wait3A_287 : memref<32x128xf32, #tpu.memory_space<hbm>>) dst(%arg20 : memref<32x128xf32, #tpu.memory_space<vmem>>)
      %ge3A_288 = arith.constant 2 : i32
      %ge3A_289 = arith.cmpi sge, %add3A_127, %ge3A_288 : i32
      %convert_element_type3A_290 = arith.extui %ge3A_289 : i1 to i32
      %cond3A_291 = arith.constant 0 : i32
      %cond3A_292 = arith.cmpi ne, %convert_element_type3A_290, %cond3A_291 : i32
      scf.if %cond3A_292 {
        %sub3A_309 = arith.constant 2 : i32
        %sub3A_310 = arith.subi %add3A_127, %sub3A_309 : i32
        %mul3A_311 = arith.constant 128 : i32
        %mul3A_312 = arith.muli %sub3A_310, %mul3A_311 : i32
        %add3A_313 = arith.addi %mul3A_13, %mul3A_312 : i32
        %dma_wait3A_314 = tpu.memref_slice %arg10[%add3A_313] : memref<327680xf32, #tpu.memory_space<hbm>> -> memref<128xf32, #tpu.memory_space<hbm>>
        %dma_wait3A_315 = tpu.memref_slice %arg10[%add3A_313] : memref<327680xf32, #tpu.memory_space<hbm>> -> memref<128xf32, #tpu.memory_space<hbm>>
        tpu.wait_dma2 semaphore(%arg32 : memref<!tpu.dma_semaphore, #tpu.memory_space<semaphore_mem>>) src(%arg22 : memref<128xf32, #tpu.memory_space<vmem>>) dst(%dma_wait3A_315 : memref<128xf32, #tpu.memory_space<hbm>>)
        %dma_wait3A_316 = arith.constant 0 : i32
        %dma_wait3A_317 = tpu.memref_slice %arg13[%sub3A_310, %dma_wait3A_316] : memref<104x128xi32, #tpu.memory_space<vmem>> -> memref<1x128xi32, #tpu.memory_space<vmem>>
        %dma_wait3A_318 = tpu.memref_squeeze %dma_wait3A_317 : memref<1x128xi32, #tpu.memory_space<vmem>> -> memref<128xi32, #tpu.memory_space<vmem>>
        %dma_wait3A_319 = arith.constant 0 : i32
        %dma_wait3A_320 = tpu.memref_slice %arg26[%dma_wait3A_319] : memref<10240xf32, #tpu.memory_space<vmem_shared>> -> memref<10240xf32, #tpu.memory_space<vmem_shared>>
        tpu.wait_indirect_dma semaphore(%arg34 : memref<!tpu.dma_semaphore, #tpu.memory_space<semaphore_mem>>) src(%arg22 : memref<128xf32, #tpu.memory_space<vmem>>) dst(%dma_wait3A_320 : memref<10240xf32, #tpu.memory_space<vmem_shared>>)
      } else {
      }
      %scan3A_293 = arith.constant 0 : i32
      %scan3A_294 = arith.constant 0 : i32
      %scan3A_295 = arith.constant 8 : i32
      %scan3A_296 = arith.addi %scan3A_294, %scan3A_295 : i32
      %scan3A_297 = arith.constant 1 : i32
      scf.for %scan3A_309 = %scan3A_294 to %scan3A_296 step %scan3A_297  : i32 {
        %mul3A_310 = arith.constant 16 : i32
        %mul3A_311 = arith.muli %scan3A_309, %mul3A_310 : i32
        %add3A_312 = vector.broadcast %mul3A_311 : i32 to vector<16xi32>
        %add3A_313 = arith.addi %iota3A, %add3A_312 : vector<16xi32>
        %shift_right_logical3A = arith.constant 2 : i32
        %shift_right_logical3A_314 = vector.broadcast %shift_right_logical3A : i32 to vector<16xi32>
        %shift_right_logical3A_315 = arith.shrui %iota3A, %shift_right_logical3A_314 : vector<16xi32>
        %mul3A_316 = arith.constant 4 : i32
        %mul3A_317 = arith.muli %scan3A_309, %mul3A_316 : i32
        %add3A_318 = vector.broadcast %mul3A_317 : i32 to vector<16xi32>
        %add3A_319 = arith.addi %shift_right_logical3A_315, %add3A_318 : vector<16xi32>
        %and3A_320 = arith.constant 3 : i32
        %and3A_321 = vector.broadcast %and3A_320 : i32 to vector<16xi32>
        %and3A_322 = arith.andi %iota3A, %and3A_321 : vector<16xi32>
        %shift_left3A = arith.constant 5 : i32
        %shift_left3A_323 = vector.broadcast %shift_left3A : i32 to vector<16xi32>
        %shift_left3A_324 = arith.shli %and3A_322, %shift_left3A_323 : vector<16xi32>
        %mul3A_325 = arith.constant 128 : i32
        %mul3A_326 = arith.muli %add3A_127, %mul3A_325 : i32
        %add3A_327 = vector.broadcast %mul3A_326 : i32 to vector<16xi32>
        %add3A_328 = arith.addi %add3A_327, %add3A_313 : vector<16xi32>
        %gather3A = tpu.vector_load_idx %arg14[%add3A_328] : memref<13312xi32, #tpu.memory_space<vmem>>[vector<16xi32>], vector<16xi32>,
        %mul3A_329 = arith.constant 32 : i32
        %mul3A_330 = vector.broadcast %mul3A_329 : i32 to vector<16xi32>
        %mul3A_331 = arith.muli %gather3A, %mul3A_330 : vector<16xi32>
        %broadcast_in_dim3A_332 = arith.constant 0.000000e+00 : f32
        %broadcast_in_dim3A_333 = vector.broadcast %broadcast_in_dim3A_332 : f32 to vector<16xf32>
        %scan3A_334 = arith.constant 0 : i32
        %scan3A_335 = arith.constant 8 : i32
        %scan3A_336 = arith.addi %scan3A_334, %scan3A_335 : i32
        %scan3A_337 = arith.constant 1 : i32
        %scan3A_338:3 = scf.for %scan3A_352 = %scan3A_334 to %scan3A_336 step %scan3A_337 iter_args(%scan3A_353 = %iota3A, %scan3A_354 = %broadcast_in_dim3A_333, %scan3A_355 = %broadcast_in_dim3A_333) -> (vector<16xi32>, vector<16xf32>, vector<16xf32>)  : i32 {
          %mul3A_356 = arith.constant 4 : i32
          %mul3A_357 = arith.muli %scan3A_352, %mul3A_356 : i32
          %add3A_358 = arith.constant 0 : i32
          %add3A_359 = arith.addi %mul3A_357, %add3A_358 : i32
          %mul3A_360 = arith.constant 16 : i32
          %mul3A_361 = arith.muli %add3A_359, %mul3A_360 : i32
          %get3A_362 = arith.index_cast %mul3A_361 : i32 to index
          %get3A_363 = tpu.vector_load %arg23[%get3A_362] {strides = array<i32>} : memref<1088xf32, #tpu.memory_space<vmem>>, vector<16xf32>,
          %add3A_364 = arith.constant 512 : i32
          %add3A_365 = arith.addi %mul3A_361, %add3A_364 : i32
          %get3A_366 = arith.index_cast %add3A_365 : i32 to index
          %get3A_367 = tpu.vector_load %arg23[%get3A_366] {strides = array<i32>} : memref<1088xf32, #tpu.memory_space<vmem>>, vector<16xf32>,
          %add3A_368 = arith.constant 32 : i32
          %add3A_369 = vector.broadcast %add3A_368 : i32 to vector<16xi32>
          %add3A_370 = arith.addi %scan3A_353, %add3A_369 : vector<16xi32>
          %gather3A_371 = tpu.vector_load_idx %arg16[%add3A_313, %scan3A_353] : memref<128x64xf32, #tpu.memory_space<vmem>>[vector<16xi32>, vector<16xi32>], vector<16xf32>,
          %gather3A_372 = tpu.vector_load_idx %arg18[%add3A_313, %scan3A_353] : memref<128x64xf32, #tpu.memory_space<vmem>>[vector<16xi32>, vector<16xi32>], vector<16xf32>,
          %add3A_373 = arith.addi %mul3A_331, %scan3A_353 : vector<16xi32>
          %gather3A_374 = tpu.vector_load_idx %arg24[%add3A_373] : memref<2048xf32, #tpu.memory_space<vmem>>[vector<16xi32>], vector<16xf32>,
          %add3A_375 = arith.addf %gather3A_371, %gather3A_372 : vector<16xf32>
          %add3A_376 = arith.addf %add3A_375, %gather3A_374 : vector<16xf32>
          %max3A = arith.constant 0.000000e+00 : f32
          %max3A_377 = vector.broadcast %max3A : f32 to vector<16xf32>
          %max3A_378 = arith.maximumf %add3A_376, %max3A_377 : vector<16xf32>
          %mul3A_379 = arith.mulf %max3A_378, %get3A_363 : vector<16xf32>
          %gather3A_380 = tpu.vector_load_idx %arg16[%add3A_313, %add3A_370] : memref<128x64xf32, #tpu.memory_space<vmem>>[vector<16xi32>, vector<16xi32>], vector<16xf32>,
          %gather3A_381 = tpu.vector_load_idx %arg18[%add3A_313, %add3A_370] : memref<128x64xf32, #tpu.memory_space<vmem>>[vector<16xi32>, vector<16xi32>], vector<16xf32>,
          %add3A_382 = arith.addi %shift_left3A_324, %scan3A_353 : vector<16xi32>
          %gather3A_383 = tpu.vector_load_idx %arg20[%add3A_319, %add3A_382] : memref<32x128xf32, #tpu.memory_space<vmem>>[vector<16xi32>, vector<16xi32>], vector<16xf32>,
          %add3A_384 = arith.addf %gather3A_380, %gather3A_381 : vector<16xf32>
          %add3A_385 = arith.addf %add3A_384, %gather3A_383 : vector<16xf32>
          %max3A_386 = arith.constant 0.000000e+00 : f32
          %max3A_387 = vector.broadcast %max3A_386 : f32 to vector<16xf32>
          %max3A_388 = arith.maximumf %add3A_385, %max3A_387 : vector<16xf32>
          %mul3A_389 = arith.mulf %max3A_388, %get3A_367 : vector<16xf32>
          %add3A_390 = arith.addf %scan3A_354, %mul3A_379 : vector<16xf32>
          %add3A_391 = arith.addf %scan3A_355, %mul3A_389 : vector<16xf32>
          %add3A_392 = arith.constant 1 : i32
          %add3A_393 = vector.broadcast %add3A_392 : i32 to vector<16xi32>
          %add3A_394 = arith.addi %scan3A_353, %add3A_393 : vector<16xi32>
          %and3A_395 = arith.constant 31 : i32
          %and3A_396 = vector.broadcast %and3A_395 : i32 to vector<16xi32>
          %and3A_397 = arith.andi %add3A_394, %and3A_396 : vector<16xi32>
          %mul3A_398 = arith.constant 4 : i32
          %mul3A_399 = arith.muli %scan3A_352, %mul3A_398 : i32
          %add3A_400 = arith.constant 1 : i32
          %add3A_401 = arith.addi %mul3A_399, %add3A_400 : i32
          %mul3A_402 = arith.constant 16 : i32
          %mul3A_403 = arith.muli %add3A_401, %mul3A_402 : i32
          %get3A_404 = arith.index_cast %mul3A_403 : i32 to index
          %get3A_405 = tpu.vector_load %arg23[%get3A_404] {strides = array<i32>} : memref<1088xf32, #tpu.memory_space<vmem>>, vector<16xf32>,
          %add3A_406 = arith.constant 512 : i32
          %add3A_407 = arith.addi %mul3A_403, %add3A_406 : i32
          %get3A_408 = arith.index_cast %add3A_407 : i32 to index
          %get3A_409 = tpu.vector_load %arg23[%get3A_408] {strides = array<i32>} : memref<1088xf32, #tpu.memory_space<vmem>>, vector<16xf32>,
          %add3A_410 = arith.constant 32 : i32
          %add3A_411 = vector.broadcast %add3A_410 : i32 to vector<16xi32>
          %add3A_412 = arith.addi %and3A_397, %add3A_411 : vector<16xi32>
          %gather3A_413 = tpu.vector_load_idx %arg16[%add3A_313, %and3A_397] : memref<128x64xf32, #tpu.memory_space<vmem>>[vector<16xi32>, vector<16xi32>], vector<16xf32>,
          %gather3A_414 = tpu.vector_load_idx %arg18[%add3A_313, %and3A_397] : memref<128x64xf32, #tpu.memory_space<vmem>>[vector<16xi32>, vector<16xi32>], vector<16xf32>,
          %add3A_415 = arith.addi %mul3A_331, %and3A_397 : vector<16xi32>
          %gather3A_416 = tpu.vector_load_idx %arg24[%add3A_415] : memref<2048xf32, #tpu.memory_space<vmem>>[vector<16xi32>], vector<16xf32>,
          %add3A_417 = arith.addf %gather3A_413, %gather3A_414 : vector<16xf32>
          %add3A_418 = arith.addf %add3A_417, %gather3A_416 : vector<16xf32>
          %max3A_419 = arith.constant 0.000000e+00 : f32
          %max3A_420 = vector.broadcast %max3A_419 : f32 to vector<16xf32>
          %max3A_421 = arith.maximumf %add3A_418, %max3A_420 : vector<16xf32>
          %mul3A_422 = arith.mulf %max3A_421, %get3A_405 : vector<16xf32>
          %gather3A_423 = tpu.vector_load_idx %arg16[%add3A_313, %add3A_412] : memref<128x64xf32, #tpu.memory_space<vmem>>[vector<16xi32>, vector<16xi32>], vector<16xf32>,
          %gather3A_424 = tpu.vector_load_idx %arg18[%add3A_313, %add3A_412] : memref<128x64xf32, #tpu.memory_space<vmem>>[vector<16xi32>, vector<16xi32>], vector<16xf32>,
          %add3A_425 = arith.addi %shift_left3A_324, %and3A_397 : vector<16xi32>
          %gather3A_426 = tpu.vector_load_idx %arg20[%add3A_319, %add3A_425] : memref<32x128xf32, #tpu.memory_space<vmem>>[vector<16xi32>, vector<16xi32>], vector<16xf32>,
          %add3A_427 = arith.addf %gather3A_423, %gather3A_424 : vector<16xf32>
          %add3A_428 = arith.addf %add3A_427, %gather3A_426 : vector<16xf32>
          %max3A_429 = arith.constant 0.000000e+00 : f32
          %max3A_430 = vector.broadcast %max3A_429 : f32 to vector<16xf32>
          %max3A_431 = arith.maximumf %add3A_428, %max3A_430 : vector<16xf32>
          %mul3A_432 = arith.mulf %max3A_431, %get3A_409 : vector<16xf32>
          %add3A_433 = arith.addf %add3A_390, %mul3A_422 : vector<16xf32>
          %add3A_434 = arith.addf %add3A_391, %mul3A_432 : vector<16xf32>
          %add3A_435 = arith.constant 1 : i32
          %add3A_436 = vector.broadcast %add3A_435 : i32 to vector<16xi32>
          %add3A_437 = arith.addi %and3A_397, %add3A_436 : vector<16xi32>
          %and3A_438 = arith.constant 31 : i32
          %and3A_439 = vector.broadcast %and3A_438 : i32 to vector<16xi32>
          %and3A_440 = arith.andi %add3A_437, %and3A_439 : vector<16xi32>
          %mul3A_441 = arith.constant 4 : i32
          %mul3A_442 = arith.muli %scan3A_352, %mul3A_441 : i32
          %add3A_443 = arith.constant 2 : i32
          %add3A_444 = arith.addi %mul3A_442, %add3A_443 : i32
          %mul3A_445 = arith.constant 16 : i32
          %mul3A_446 = arith.muli %add3A_444, %mul3A_445 : i32
          %get3A_447 = arith.index_cast %mul3A_446 : i32 to index
          %get3A_448 = tpu.vector_load %arg23[%get3A_447] {strides = array<i32>} : memref<1088xf32, #tpu.memory_space<vmem>>, vector<16xf32>,
          %add3A_449 = arith.constant 512 : i32
          %add3A_450 = arith.addi %mul3A_446, %add3A_449 : i32
          %get3A_451 = arith.index_cast %add3A_450 : i32 to index
          %get3A_452 = tpu.vector_load %arg23[%get3A_451] {strides = array<i32>} : memref<1088xf32, #tpu.memory_space<vmem>>, vector<16xf32>,
          %add3A_453 = arith.constant 32 : i32
          %add3A_454 = vector.broadcast %add3A_453 : i32 to vector<16xi32>
          %add3A_455 = arith.addi %and3A_440, %add3A_454 : vector<16xi32>
          %gather3A_456 = tpu.vector_load_idx %arg16[%add3A_313, %and3A_440] : memref<128x64xf32, #tpu.memory_space<vmem>>[vector<16xi32>, vector<16xi32>], vector<16xf32>,
          %gather3A_457 = tpu.vector_load_idx %arg18[%add3A_313, %and3A_440] : memref<128x64xf32, #tpu.memory_space<vmem>>[vector<16xi32>, vector<16xi32>], vector<16xf32>,
          %add3A_458 = arith.addi %mul3A_331, %and3A_440 : vector<16xi32>
          %gather3A_459 = tpu.vector_load_idx %arg24[%add3A_458] : memref<2048xf32, #tpu.memory_space<vmem>>[vector<16xi32>], vector<16xf32>,
          %add3A_460 = arith.addf %gather3A_456, %gather3A_457 : vector<16xf32>
          %add3A_461 = arith.addf %add3A_460, %gather3A_459 : vector<16xf32>
          %max3A_462 = arith.constant 0.000000e+00 : f32
          %max3A_463 = vector.broadcast %max3A_462 : f32 to vector<16xf32>
          %max3A_464 = arith.maximumf %add3A_461, %max3A_463 : vector<16xf32>
          %mul3A_465 = arith.mulf %max3A_464, %get3A_448 : vector<16xf32>
          %gather3A_466 = tpu.vector_load_idx %arg16[%add3A_313, %add3A_455] : memref<128x64xf32, #tpu.memory_space<vmem>>[vector<16xi32>, vector<16xi32>], vector<16xf32>,
          %gather3A_467 = tpu.vector_load_idx %arg18[%add3A_313, %add3A_455] : memref<128x64xf32, #tpu.memory_space<vmem>>[vector<16xi32>, vector<16xi32>], vector<16xf32>,
          %add3A_468 = arith.addi %shift_left3A_324, %and3A_440 : vector<16xi32>
          %gather3A_469 = tpu.vector_load_idx %arg20[%add3A_319, %add3A_468] : memref<32x128xf32, #tpu.memory_space<vmem>>[vector<16xi32>, vector<16xi32>], vector<16xf32>,
          %add3A_470 = arith.addf %gather3A_466, %gather3A_467 : vector<16xf32>
          %add3A_471 = arith.addf %add3A_470, %gather3A_469 : vector<16xf32>
          %max3A_472 = arith.constant 0.000000e+00 : f32
          %max3A_473 = vector.broadcast %max3A_472 : f32 to vector<16xf32>
          %max3A_474 = arith.maximumf %add3A_471, %max3A_473 : vector<16xf32>
          %mul3A_475 = arith.mulf %max3A_474, %get3A_452 : vector<16xf32>
          %add3A_476 = arith.addf %add3A_433, %mul3A_465 : vector<16xf32>
          %add3A_477 = arith.addf %add3A_434, %mul3A_475 : vector<16xf32>
          %add3A_478 = arith.constant 1 : i32
          %add3A_479 = vector.broadcast %add3A_478 : i32 to vector<16xi32>
          %add3A_480 = arith.addi %and3A_440, %add3A_479 : vector<16xi32>
          %and3A_481 = arith.constant 31 : i32
          %and3A_482 = vector.broadcast %and3A_481 : i32 to vector<16xi32>
          %and3A_483 = arith.andi %add3A_480, %and3A_482 : vector<16xi32>
          %mul3A_484 = arith.constant 4 : i32
          %mul3A_485 = arith.muli %scan3A_352, %mul3A_484 : i32
          %add3A_486 = arith.constant 3 : i32
          %add3A_487 = arith.addi %mul3A_485, %add3A_486 : i32
          %mul3A_488 = arith.constant 16 : i32
          %mul3A_489 = arith.muli %add3A_487, %mul3A_488 : i32
          %get3A_490 = arith.index_cast %mul3A_489 : i32 to index
          %get3A_491 = tpu.vector_load %arg23[%get3A_490] {strides = array<i32>} : memref<1088xf32, #tpu.memory_space<vmem>>, vector<16xf32>,
          %add3A_492 = arith.constant 512 : i32
          %add3A_493 = arith.addi %mul3A_489, %add3A_492 : i32
          %get3A_494 = arith.index_cast %add3A_493 : i32 to index
          %get3A_495 = tpu.vector_load %arg23[%get3A_494] {strides = array<i32>} : memref<1088xf32, #tpu.memory_space<vmem>>, vector<16xf32>,
          %add3A_496 = arith.constant 32 : i32
          %add3A_497 = vector.broadcast %add3A_496 : i32 to vector<16xi32>
          %add3A_498 = arith.addi %and3A_483, %add3A_497 : vector<16xi32>
          %gather3A_499 = tpu.vector_load_idx %arg16[%add3A_313, %and3A_483] : memref<128x64xf32, #tpu.memory_space<vmem>>[vector<16xi32>, vector<16xi32>], vector<16xf32>,
          %gather3A_500 = tpu.vector_load_idx %arg18[%add3A_313, %and3A_483] : memref<128x64xf32, #tpu.memory_space<vmem>>[vector<16xi32>, vector<16xi32>], vector<16xf32>,
          %add3A_501 = arith.addi %mul3A_331, %and3A_483 : vector<16xi32>
          %gather3A_502 = tpu.vector_load_idx %arg24[%add3A_501] : memref<2048xf32, #tpu.memory_space<vmem>>[vector<16xi32>], vector<16xf32>,
          %add3A_503 = arith.addf %gather3A_499, %gather3A_500 : vector<16xf32>
          %add3A_504 = arith.addf %add3A_503, %gather3A_502 : vector<16xf32>
          %max3A_505 = arith.constant 0.000000e+00 : f32
          %max3A_506 = vector.broadcast %max3A_505 : f32 to vector<16xf32>
          %max3A_507 = arith.maximumf %add3A_504, %max3A_506 : vector<16xf32>
          %mul3A_508 = arith.mulf %max3A_507, %get3A_491 : vector<16xf32>
          %gather3A_509 = tpu.vector_load_idx %arg16[%add3A_313, %add3A_498] : memref<128x64xf32, #tpu.memory_space<vmem>>[vector<16xi32>, vector<16xi32>], vector<16xf32>,
          %gather3A_510 = tpu.vector_load_idx %arg18[%add3A_313, %add3A_498] : memref<128x64xf32, #tpu.memory_space<vmem>>[vector<16xi32>, vector<16xi32>], vector<16xf32>,
          %add3A_511 = arith.addi %shift_left3A_324, %and3A_483 : vector<16xi32>
          %gather3A_512 = tpu.vector_load_idx %arg20[%add3A_319, %add3A_511] : memref<32x128xf32, #tpu.memory_space<vmem>>[vector<16xi32>, vector<16xi32>], vector<16xf32>,
          %add3A_513 = arith.addf %gather3A_509, %gather3A_510 : vector<16xf32>
          %add3A_514 = arith.addf %add3A_513, %gather3A_512 : vector<16xf32>
          %max3A_515 = arith.constant 0.000000e+00 : f32
          %max3A_516 = vector.broadcast %max3A_515 : f32 to vector<16xf32>
          %max3A_517 = arith.maximumf %add3A_514, %max3A_516 : vector<16xf32>
          %mul3A_518 = arith.mulf %max3A_517, %get3A_495 : vector<16xf32>
          %add3A_519 = arith.addf %add3A_476, %mul3A_508 : vector<16xf32>
          %add3A_520 = arith.addf %add3A_477, %mul3A_518 : vector<16xf32>
          %add3A_521 = arith.constant 1 : i32
          %add3A_522 = vector.broadcast %add3A_521 : i32 to vector<16xi32>
          %add3A_523 = arith.addi %and3A_483, %add3A_522 : vector<16xi32>
          %and3A_524 = arith.constant 31 : i32
          %and3A_525 = vector.broadcast %and3A_524 : i32 to vector<16xi32>
          %and3A_526 = arith.andi %add3A_523, %and3A_525 : vector<16xi32>
          scf.yield %and3A_526, %add3A_519, %add3A_520 : vector<16xi32>, vector<16xf32>, vector<16xf32>
        }
        %scan3A_339 = arith.constant 8 : i32
        %add3A_340 = arith.addf %scan3A_338#1, %get3A_22 : vector<16xf32>
        %neg3A = arith.constant 0.000000e+00 : f32
        %neg3A_341 = vector.broadcast %neg3A : f32 to vector<16xf32>
        %neg3A_342 = arith.subf %neg3A_341, %add3A_340 : vector<16xf32>
        %exp3A = math.exp %neg3A_342 : vector<16xf32>
        %add3A_343 = arith.constant 1.000000e+00 : f32
        %add3A_344 = vector.broadcast %add3A_343 : f32 to vector<16xf32>
        %add3A_345 = arith.addf %add3A_344, %exp3A : vector<16xf32>
        %div3A_346 = arith.constant 1.000000e+00 : f32
        %div3A_347 = vector.broadcast %div3A_346 : f32 to vector<16xf32>
        %div3A_348 = arith.divf %div3A_347, %add3A_345 : vector<16xf32>
        %add3A_349 = arith.addf %scan3A_338#2, %get3A_24 : vector<16xf32>
        %mul3A_350 = arith.mulf %div3A_348, %add3A_349 : vector<16xf32>
        %exp3A_351 = math.exp %mul3A_350 : vector<16xf32>
        tpu.vector_store_idx %arg22[%add3A_313], %exp3A_351 : memref<128xf32, #tpu.memory_space<vmem>>[vector<16xi32>], vector<16xf32>,
      }
      %scan3A_298 = arith.constant 8 : i32
      %mul3A_299 = arith.constant 128 : i32
      %mul3A_300 = arith.muli %add3A_127, %mul3A_299 : i32
      %add3A_301 = arith.addi %mul3A_13, %mul3A_300 : i32
      %dma_start3A_302 = tpu.memref_slice %arg10[%add3A_301] : memref<327680xf32, #tpu.memory_space<hbm>> -> memref<128xf32, #tpu.memory_space<hbm>>
      %dma_start3A_303 = tpu.memref_slice %arg10[%add3A_301] : memref<327680xf32, #tpu.memory_space<hbm>> -> memref<128xf32, #tpu.memory_space<hbm>>
      tpu.enqueue_dma source(%arg22 : memref<128xf32, #tpu.memory_space<vmem>>) target(%dma_start3A_303 : memref<128xf32, #tpu.memory_space<hbm>>) target_semaphore(%arg32 : memref<!tpu.dma_semaphore, #tpu.memory_space<semaphore_mem>>)
      %dma_start3A_304 = arith.constant 0 : i32
      %dma_start3A_305 = tpu.memref_slice %arg13[%add3A_127, %dma_start3A_304] : memref<104x128xi32, #tpu.memory_space<vmem>> -> memref<1x128xi32, #tpu.memory_space<vmem>>
      %dma_start3A_306 = tpu.memref_squeeze %dma_start3A_305 : memref<1x128xi32, #tpu.memory_space<vmem>> -> memref<128xi32, #tpu.memory_space<vmem>>
      %dma_start3A_307 = arith.constant 0 : i32
      %dma_start3A_308 = tpu.memref_slice %arg26[%dma_start3A_307] : memref<10240xf32, #tpu.memory_space<vmem_shared>> -> memref<10240xf32, #tpu.memory_space<vmem_shared>>
      tpu.enqueue_indirect_dma source(%arg22 : memref<128xf32, #tpu.memory_space<vmem>>) target(%dma_start3A_308 : memref<10240xf32, #tpu.memory_space<vmem_shared>>) offsets(%dma_start3A_306 : memref<128xi32, #tpu.memory_space<vmem>>) semaphore(%arg34 : memref<!tpu.dma_semaphore, #tpu.memory_space<semaphore_mem>>) {add = true}
    }
    %sub3A_96 = arith.constant 2 : i32
    %sub3A_97 = arith.subi %select_n3A, %sub3A_96 : i32
    %mul3A_98 = arith.constant 128 : i32
    %mul3A_99 = arith.muli %sub3A_97, %mul3A_98 : i32
    %add3A_100 = arith.addi %mul3A_13, %mul3A_99 : i32
    %dma_wait3A = tpu.memref_slice %arg10[%add3A_100] : memref<327680xf32, #tpu.memory_space<hbm>> -> memref<128xf32, #tpu.memory_space<hbm>>
    %dma_wait3A_101 = tpu.memref_slice %arg10[%add3A_100] : memref<327680xf32, #tpu.memory_space<hbm>> -> memref<128xf32, #tpu.memory_space<hbm>>
    tpu.wait_dma2 semaphore(%arg31 : memref<!tpu.dma_semaphore, #tpu.memory_space<semaphore_mem>>) src(%arg21 : memref<128xf32, #tpu.memory_space<vmem>>) dst(%dma_wait3A_101 : memref<128xf32, #tpu.memory_space<hbm>>)
    %dma_wait3A_102 = arith.constant 0 : i32
    %dma_wait3A_103 = tpu.memref_slice %arg13[%sub3A_97, %dma_wait3A_102] : memref<104x128xi32, #tpu.memory_space<vmem>> -> memref<1x128xi32, #tpu.memory_space<vmem>>
    %dma_wait3A_104 = tpu.memref_squeeze %dma_wait3A_103 : memref<1x128xi32, #tpu.memory_space<vmem>> -> memref<128xi32, #tpu.memory_space<vmem>>
    %dma_wait3A_105 = arith.constant 0 : i32
    %dma_wait3A_106 = tpu.memref_slice %arg26[%dma_wait3A_105] : memref<10240xf32, #tpu.memory_space<vmem_shared>> -> memref<10240xf32, #tpu.memory_space<vmem_shared>>
    tpu.wait_indirect_dma semaphore(%arg33 : memref<!tpu.dma_semaphore, #tpu.memory_space<semaphore_mem>>) src(%arg21 : memref<128xf32, #tpu.memory_space<vmem>>) dst(%dma_wait3A_106 : memref<10240xf32, #tpu.memory_space<vmem_shared>>)
    %sub3A_107 = arith.constant 1 : i32
    %sub3A_108 = arith.subi %select_n3A, %sub3A_107 : i32
    %mul3A_109 = arith.constant 128 : i32
    %mul3A_110 = arith.muli %sub3A_108, %mul3A_109 : i32
    %add3A_111 = arith.addi %mul3A_13, %mul3A_110 : i32
    %dma_wait3A_112 = tpu.memref_slice %arg10[%add3A_111] : memref<327680xf32, #tpu.memory_space<hbm>> -> memref<128xf32, #tpu.memory_space<hbm>>
    %dma_wait3A_113 = tpu.memref_slice %arg10[%add3A_111] : memref<327680xf32, #tpu.memory_space<hbm>> -> memref<128xf32, #tpu.memory_space<hbm>>
    tpu.wait_dma2 semaphore(%arg32 : memref<!tpu.dma_semaphore, #tpu.memory_space<semaphore_mem>>) src(%arg22 : memref<128xf32, #tpu.memory_space<vmem>>) dst(%dma_wait3A_113 : memref<128xf32, #tpu.memory_space<hbm>>)
    %dma_wait3A_114 = arith.constant 0 : i32
    %dma_wait3A_115 = tpu.memref_slice %arg13[%sub3A_108, %dma_wait3A_114] : memref<104x128xi32, #tpu.memory_space<vmem>> -> memref<1x128xi32, #tpu.memory_space<vmem>>
    %dma_wait3A_116 = tpu.memref_squeeze %dma_wait3A_115 : memref<1x128xi32, #tpu.memory_space<vmem>> -> memref<128xi32, #tpu.memory_space<vmem>>
    %dma_wait3A_117 = arith.constant 0 : i32
    %dma_wait3A_118 = tpu.memref_slice %arg26[%dma_wait3A_117] : memref<10240xf32, #tpu.memory_space<vmem_shared>> -> memref<10240xf32, #tpu.memory_space<vmem_shared>>
    tpu.wait_indirect_dma semaphore(%arg34 : memref<!tpu.dma_semaphore, #tpu.memory_space<semaphore_mem>>) src(%arg22 : memref<128xf32, #tpu.memory_space<vmem>>) dst(%dma_wait3A_118 : memref<10240xf32, #tpu.memory_space<vmem_shared>>)
    %barrier3A_119 = arith.constant 0 : index
    tpu.barrier barrier_id(%barrier3A_119)
    %eq3A_120 = arith.constant 0 : i32
    %eq3A_121 = arith.cmpi eq, %arg1, %eq3A_120 : i32
    %convert_element_type3A = arith.extui %eq3A_121 : i1 to i32
    %cond3A = arith.constant 0 : i32
    %cond3A_122 = arith.cmpi ne, %convert_element_type3A, %cond3A : i32
    scf.if %cond3A_122 {
      "tpu.region"() ({
        %run_scoped3A = tpu.sem_alloc : memref<!tpu.dma_semaphore, #tpu.memory_space<semaphore_mem>>
        %dma_start3A_123 = arith.constant 0 : i32
        %dma_start3A_124 = tpu.memref_slice %arg11[%arg0, %dma_start3A_123] : memref<2x10240xf32, #tpu.memory_space<hbm>> -> memref<1x10240xf32, #tpu.memory_space<hbm>>
        %dma_start3A_125 = tpu.memref_squeeze %dma_start3A_124 : memref<1x10240xf32, #tpu.memory_space<hbm>> -> memref<10240xf32, #tpu.memory_space<hbm>>
        tpu.enqueue_dma source(%arg26 : memref<10240xf32, #tpu.memory_space<vmem_shared>>) target(%dma_start3A_125 : memref<10240xf32, #tpu.memory_space<hbm>>) target_semaphore(%run_scoped3A : memref<!tpu.dma_semaphore, #tpu.memory_space<semaphore_mem>>)
        %dma_wait3A_126 = arith.constant 0 : i32
        %dma_wait3A_127 = tpu.memref_slice %arg11[%arg0, %dma_wait3A_126] : memref<2x10240xf32, #tpu.memory_space<hbm>> -> memref<1x10240xf32, #tpu.memory_space<hbm>>
        %dma_wait3A_128 = tpu.memref_squeeze %dma_wait3A_127 : memref<1x10240xf32, #tpu.memory_space<hbm>> -> memref<10240xf32, #tpu.memory_space<hbm>>
        tpu.wait_dma2 semaphore(%run_scoped3A : memref<!tpu.dma_semaphore, #tpu.memory_space<semaphore_mem>>) src(%arg26 : memref<10240xf32, #tpu.memory_space<vmem_shared>>) dst(%dma_wait3A_128 : memref<10240xf32, #tpu.memory_space<hbm>>)
        tpu.yield
      }) : () -> ()
    } else {
    }
    return
  }
}

#map = affine_map<(d0, d1) -> (0, 0)>
#map1 = affine_map<(d0, d1) -> (0)>
module attributes {stable_mosaic.version = 14 : i64} {
  func.func @_norm_kernel(%arg0: i32, %arg1: i32, %arg2: memref<2x10240xf32, #tpu.memory_space<hbm>>, %arg3: memref<327680xf32, #tpu.memory_space<hbm>>, %arg4: memref<320000xi32, #tpu.memory_space<hbm>>, %arg5: memref<320000xf32, #tpu.memory_space<hbm>>, %arg6: memref<10240xf32, #tpu.memory_space<vmem>>, %arg7: memref<10240xf32, #tpu.memory_space<vmem>>, %arg8: memref<400xi32, #tpu.memory_space<vmem>>, %arg9: memref<400xf32, #tpu.memory_space<vmem>>, %arg10: memref<400xf32, #tpu.memory_space<vmem>>, %arg11: memref<!tpu.dma_semaphore, #tpu.memory_space<semaphore_mem>>) attributes {dimension_semantics = [#tpu.dimension_semantics<core_parallel>, #tpu.dimension_semantics<subcore_parallel>], iteration_bounds = array<i64: 2, 16>, scalar_prefetch = 0 : i64, scratch_operands = 6 : i64, tpu.core_type = #tpu.core_type<sc_vector_subcore>, window_params = [{transform_indices = #map}, {transform_indices = #map1}, {transform_indices = #map1}, {transform_indices = #map1}]} {
    %mul3A = arith.constant 16 : i32
    %mul3A_0 = arith.muli %arg0, %mul3A : i32
    %add3A = arith.addi %mul3A_0, %arg1 : i32
    %dma_start3A = arith.constant 0 : i32
    %dma_start3A_1 = arith.constant 0 : i32
    %dma_start3A_2 = tpu.memref_slice %arg2[%dma_start3A, %dma_start3A_1] : memref<2x10240xf32, #tpu.memory_space<hbm>> -> memref<1x10240xf32, #tpu.memory_space<hbm>>
    %dma_start3A_3 = tpu.memref_squeeze %dma_start3A_2 : memref<1x10240xf32, #tpu.memory_space<hbm>> -> memref<10240xf32, #tpu.memory_space<hbm>>
    %dma_start3A_4 = arith.constant 0 : i32
    %dma_start3A_5 = tpu.memref_slice %arg2[%dma_start3A, %dma_start3A_4] : memref<2x10240xf32, #tpu.memory_space<hbm>> -> memref<1x10240xf32, #tpu.memory_space<hbm>>
    %dma_start3A_6 = tpu.memref_squeeze %dma_start3A_5 : memref<1x10240xf32, #tpu.memory_space<hbm>> -> memref<10240xf32, #tpu.memory_space<hbm>>
    tpu.enqueue_dma source(%dma_start3A_6 : memref<10240xf32, #tpu.memory_space<hbm>>) target(%arg6 : memref<10240xf32, #tpu.memory_space<vmem>>) target_semaphore(%arg11 : memref<!tpu.dma_semaphore, #tpu.memory_space<semaphore_mem>>)
    %dma_start3A_7 = arith.constant 1 : i32
    %dma_start3A_8 = arith.constant 0 : i32
    %dma_start3A_9 = tpu.memref_slice %arg2[%dma_start3A_7, %dma_start3A_8] : memref<2x10240xf32, #tpu.memory_space<hbm>> -> memref<1x10240xf32, #tpu.memory_space<hbm>>
    %dma_start3A_10 = tpu.memref_squeeze %dma_start3A_9 : memref<1x10240xf32, #tpu.memory_space<hbm>> -> memref<10240xf32, #tpu.memory_space<hbm>>
    %dma_start3A_11 = arith.constant 0 : i32
    %dma_start3A_12 = tpu.memref_slice %arg2[%dma_start3A_7, %dma_start3A_11] : memref<2x10240xf32, #tpu.memory_space<hbm>> -> memref<1x10240xf32, #tpu.memory_space<hbm>>
    %dma_start3A_13 = tpu.memref_squeeze %dma_start3A_12 : memref<1x10240xf32, #tpu.memory_space<hbm>> -> memref<10240xf32, #tpu.memory_space<hbm>>
    tpu.enqueue_dma source(%dma_start3A_13 : memref<10240xf32, #tpu.memory_space<hbm>>) target(%arg7 : memref<10240xf32, #tpu.memory_space<vmem>>) target_semaphore(%arg11 : memref<!tpu.dma_semaphore, #tpu.memory_space<semaphore_mem>>)
    %dma_wait3A = arith.constant 0 : i32
    %dma_wait3A_14 = arith.constant 0 : i32
    %dma_wait3A_15 = tpu.memref_slice %arg2[%dma_wait3A, %dma_wait3A_14] : memref<2x10240xf32, #tpu.memory_space<hbm>> -> memref<1x10240xf32, #tpu.memory_space<hbm>>
    %dma_wait3A_16 = tpu.memref_squeeze %dma_wait3A_15 : memref<1x10240xf32, #tpu.memory_space<hbm>> -> memref<10240xf32, #tpu.memory_space<hbm>>
    %dma_wait3A_17 = arith.constant 0 : i32
    %dma_wait3A_18 = tpu.memref_slice %arg2[%dma_wait3A, %dma_wait3A_17] : memref<2x10240xf32, #tpu.memory_space<hbm>> -> memref<1x10240xf32, #tpu.memory_space<hbm>>
    %dma_wait3A_19 = tpu.memref_squeeze %dma_wait3A_18 : memref<1x10240xf32, #tpu.memory_space<hbm>> -> memref<10240xf32, #tpu.memory_space<hbm>>
    tpu.wait_dma2 semaphore(%arg11 : memref<!tpu.dma_semaphore, #tpu.memory_space<semaphore_mem>>) src(%dma_wait3A_19 : memref<10240xf32, #tpu.memory_space<hbm>>) dst(%arg6 : memref<10240xf32, #tpu.memory_space<vmem>>)
    %dma_wait3A_20 = arith.constant 1 : i32
    %dma_wait3A_21 = arith.constant 0 : i32
    %dma_wait3A_22 = tpu.memref_slice %arg2[%dma_wait3A_20, %dma_wait3A_21] : memref<2x10240xf32, #tpu.memory_space<hbm>> -> memref<1x10240xf32, #tpu.memory_space<hbm>>
    %dma_wait3A_23 = tpu.memref_squeeze %dma_wait3A_22 : memref<1x10240xf32, #tpu.memory_space<hbm>> -> memref<10240xf32, #tpu.memory_space<hbm>>
    %dma_wait3A_24 = arith.constant 0 : i32
    %dma_wait3A_25 = tpu.memref_slice %arg2[%dma_wait3A_20, %dma_wait3A_24] : memref<2x10240xf32, #tpu.memory_space<hbm>> -> memref<1x10240xf32, #tpu.memory_space<hbm>>
    %dma_wait3A_26 = tpu.memref_squeeze %dma_wait3A_25 : memref<1x10240xf32, #tpu.memory_space<hbm>> -> memref<10240xf32, #tpu.memory_space<hbm>>
    tpu.wait_dma2 semaphore(%arg11 : memref<!tpu.dma_semaphore, #tpu.memory_space<semaphore_mem>>) src(%dma_wait3A_26 : memref<10240xf32, #tpu.memory_space<hbm>>) dst(%arg7 : memref<10240xf32, #tpu.memory_space<vmem>>)
    %scan3A = arith.constant 0 : i32
    %scan3A_27 = arith.constant 0 : i32
    %scan3A_28 = arith.constant 25 : i32
    %scan3A_29 = arith.addi %scan3A_27, %scan3A_28 : i32
    %scan3A_30 = arith.constant 1 : i32
    scf.for %scan3A_32 = %scan3A_27 to %scan3A_29 step %scan3A_30  : i32 {
      %mul3A_33 = arith.constant 10000 : i32
      %mul3A_34 = arith.muli %add3A, %mul3A_33 : i32
      %mul3A_35 = arith.constant 400 : i32
      %mul3A_36 = arith.muli %scan3A_32, %mul3A_35 : i32
      %add3A_37 = arith.addi %mul3A_34, %mul3A_36 : i32
      %dma_start3A_38 = tpu.memref_slice %arg4[%add3A_37] : memref<320000xi32, #tpu.memory_space<hbm>> -> memref<400xi32, #tpu.memory_space<hbm>>
      %dma_start3A_39 = tpu.memref_slice %arg4[%add3A_37] : memref<320000xi32, #tpu.memory_space<hbm>> -> memref<400xi32, #tpu.memory_space<hbm>>
      tpu.enqueue_dma source(%dma_start3A_39 : memref<400xi32, #tpu.memory_space<hbm>>) target(%arg8 : memref<400xi32, #tpu.memory_space<vmem>>) target_semaphore(%arg11 : memref<!tpu.dma_semaphore, #tpu.memory_space<semaphore_mem>>)
      %dma_start3A_40 = tpu.memref_slice %arg3[%add3A_37] : memref<327680xf32, #tpu.memory_space<hbm>> -> memref<400xf32, #tpu.memory_space<hbm>>
      %dma_start3A_41 = tpu.memref_slice %arg3[%add3A_37] : memref<327680xf32, #tpu.memory_space<hbm>> -> memref<400xf32, #tpu.memory_space<hbm>>
      tpu.enqueue_dma source(%dma_start3A_41 : memref<400xf32, #tpu.memory_space<hbm>>) target(%arg9 : memref<400xf32, #tpu.memory_space<vmem>>) target_semaphore(%arg11 : memref<!tpu.dma_semaphore, #tpu.memory_space<semaphore_mem>>)
      %dma_wait3A_42 = tpu.memref_slice %arg4[%add3A_37] : memref<320000xi32, #tpu.memory_space<hbm>> -> memref<400xi32, #tpu.memory_space<hbm>>
      %dma_wait3A_43 = tpu.memref_slice %arg4[%add3A_37] : memref<320000xi32, #tpu.memory_space<hbm>> -> memref<400xi32, #tpu.memory_space<hbm>>
      tpu.wait_dma2 semaphore(%arg11 : memref<!tpu.dma_semaphore, #tpu.memory_space<semaphore_mem>>) src(%dma_wait3A_43 : memref<400xi32, #tpu.memory_space<hbm>>) dst(%arg8 : memref<400xi32, #tpu.memory_space<vmem>>)
      %dma_wait3A_44 = tpu.memref_slice %arg3[%add3A_37] : memref<327680xf32, #tpu.memory_space<hbm>> -> memref<400xf32, #tpu.memory_space<hbm>>
      %dma_wait3A_45 = tpu.memref_slice %arg3[%add3A_37] : memref<327680xf32, #tpu.memory_space<hbm>> -> memref<400xf32, #tpu.memory_space<hbm>>
      tpu.wait_dma2 semaphore(%arg11 : memref<!tpu.dma_semaphore, #tpu.memory_space<semaphore_mem>>) src(%dma_wait3A_45 : memref<400xf32, #tpu.memory_space<hbm>>) dst(%arg9 : memref<400xf32, #tpu.memory_space<vmem>>)
      %get3A = arith.constant 0 : index
      %get3A_46 = tpu.vector_load %arg8[%get3A] {strides = array<i32>} : memref<400xi32, #tpu.memory_space<vmem>>, vector<16xi32>,
      %get3A_47 = arith.constant 0 : index
      %get3A_48 = tpu.vector_load %arg9[%get3A_47] {strides = array<i32>} : memref<400xf32, #tpu.memory_space<vmem>>, vector<16xf32>,
      %gather3A = tpu.vector_load_idx %arg6[%get3A_46] : memref<10240xf32, #tpu.memory_space<vmem>>[vector<16xi32>], vector<16xf32>,
      %gather3A_49 = tpu.vector_load_idx %arg7[%get3A_46] : memref<10240xf32, #tpu.memory_space<vmem>>[vector<16xi32>], vector<16xf32>,
      %add3A_50 = arith.addf %gather3A, %gather3A_49 : vector<16xf32>
      %max3A = arith.constant 9.99999971E-10 : f32
      %max3A_51 = vector.broadcast %max3A : f32 to vector<16xf32>
      %max3A_52 = arith.maximumf %add3A_50, %max3A_51 : vector<16xf32>
      %div3A = arith.divf %get3A_48, %max3A_52 : vector<16xf32>
      %swap3A = arith.constant 0 : index
      %swap3A_53 = tpu.vector_load %arg10[%swap3A] {strides = array<i32>} : memref<400xf32, #tpu.memory_space<vmem>>, vector<16xf32>,
      tpu.vector_store %arg10[%swap3A], %div3A {strides = array<i32>} : memref<400xf32, #tpu.memory_space<vmem>>, vector<16xf32>,
      %get3A_54 = arith.constant 16 : index
      %get3A_55 = tpu.vector_load %arg8[%get3A_54] {strides = array<i32>} : memref<400xi32, #tpu.memory_space<vmem>>, vector<16xi32>,
      %get3A_56 = arith.constant 16 : index
      %get3A_57 = tpu.vector_load %arg9[%get3A_56] {strides = array<i32>} : memref<400xf32, #tpu.memory_space<vmem>>, vector<16xf32>,
      %gather3A_58 = tpu.vector_load_idx %arg6[%get3A_55] : memref<10240xf32, #tpu.memory_space<vmem>>[vector<16xi32>], vector<16xf32>,
      %gather3A_59 = tpu.vector_load_idx %arg7[%get3A_55] : memref<10240xf32, #tpu.memory_space<vmem>>[vector<16xi32>], vector<16xf32>,
      %add3A_60 = arith.addf %gather3A_58, %gather3A_59 : vector<16xf32>
      %max3A_61 = arith.constant 9.99999971E-10 : f32
      %max3A_62 = vector.broadcast %max3A_61 : f32 to vector<16xf32>
      %max3A_63 = arith.maximumf %add3A_60, %max3A_62 : vector<16xf32>
      %div3A_64 = arith.divf %get3A_57, %max3A_63 : vector<16xf32>
      %swap3A_65 = arith.constant 16 : index
      %swap3A_66 = tpu.vector_load %arg10[%swap3A_65] {strides = array<i32>} : memref<400xf32, #tpu.memory_space<vmem>>, vector<16xf32>,
      tpu.vector_store %arg10[%swap3A_65], %div3A_64 {strides = array<i32>} : memref<400xf32, #tpu.memory_space<vmem>>, vector<16xf32>,
      %get3A_67 = arith.constant 32 : index
      %get3A_68 = tpu.vector_load %arg8[%get3A_67] {strides = array<i32>} : memref<400xi32, #tpu.memory_space<vmem>>, vector<16xi32>,
      %get3A_69 = arith.constant 32 : index
      %get3A_70 = tpu.vector_load %arg9[%get3A_69] {strides = array<i32>} : memref<400xf32, #tpu.memory_space<vmem>>, vector<16xf32>,
      %gather3A_71 = tpu.vector_load_idx %arg6[%get3A_68] : memref<10240xf32, #tpu.memory_space<vmem>>[vector<16xi32>], vector<16xf32>,
      %gather3A_72 = tpu.vector_load_idx %arg7[%get3A_68] : memref<10240xf32, #tpu.memory_space<vmem>>[vector<16xi32>], vector<16xf32>,
      %add3A_73 = arith.addf %gather3A_71, %gather3A_72 : vector<16xf32>
      %max3A_74 = arith.constant 9.99999971E-10 : f32
      %max3A_75 = vector.broadcast %max3A_74 : f32 to vector<16xf32>
      %max3A_76 = arith.maximumf %add3A_73, %max3A_75 : vector<16xf32>
      %div3A_77 = arith.divf %get3A_70, %max3A_76 : vector<16xf32>
      %swap3A_78 = arith.constant 32 : index
      %swap3A_79 = tpu.vector_load %arg10[%swap3A_78] {strides = array<i32>} : memref<400xf32, #tpu.memory_space<vmem>>, vector<16xf32>,
      tpu.vector_store %arg10[%swap3A_78], %div3A_77 {strides = array<i32>} : memref<400xf32, #tpu.memory_space<vmem>>, vector<16xf32>,
      %get3A_80 = arith.constant 48 : index
      %get3A_81 = tpu.vector_load %arg8[%get3A_80] {strides = array<i32>} : memref<400xi32, #tpu.memory_space<vmem>>, vector<16xi32>,
      %get3A_82 = arith.constant 48 : index
      %get3A_83 = tpu.vector_load %arg9[%get3A_82] {strides = array<i32>} : memref<400xf32, #tpu.memory_space<vmem>>, vector<16xf32>,
      %gather3A_84 = tpu.vector_load_idx %arg6[%get3A_81] : memref<10240xf32, #tpu.memory_space<vmem>>[vector<16xi32>], vector<16xf32>,
      %gather3A_85 = tpu.vector_load_idx %arg7[%get3A_81] : memref<10240xf32, #tpu.memory_space<vmem>>[vector<16xi32>], vector<16xf32>,
      %add3A_86 = arith.addf %gather3A_84, %gather3A_85 : vector<16xf32>
      %max3A_87 = arith.constant 9.99999971E-10 : f32
      %max3A_88 = vector.broadcast %max3A_87 : f32 to vector<16xf32>
      %max3A_89 = arith.maximumf %add3A_86, %max3A_88 : vector<16xf32>
      %div3A_90 = arith.divf %get3A_83, %max3A_89 : vector<16xf32>
      %swap3A_91 = arith.constant 48 : index
      %swap3A_92 = tpu.vector_load %arg10[%swap3A_91] {strides = array<i32>} : memref<400xf32, #tpu.memory_space<vmem>>, vector<16xf32>,
      tpu.vector_store %arg10[%swap3A_91], %div3A_90 {strides = array<i32>} : memref<400xf32, #tpu.memory_space<vmem>>, vector<16xf32>,
      %get3A_93 = arith.constant 64 : index
      %get3A_94 = tpu.vector_load %arg8[%get3A_93] {strides = array<i32>} : memref<400xi32, #tpu.memory_space<vmem>>, vector<16xi32>,
      %get3A_95 = arith.constant 64 : index
      %get3A_96 = tpu.vector_load %arg9[%get3A_95] {strides = array<i32>} : memref<400xf32, #tpu.memory_space<vmem>>, vector<16xf32>,
      %gather3A_97 = tpu.vector_load_idx %arg6[%get3A_94] : memref<10240xf32, #tpu.memory_space<vmem>>[vector<16xi32>], vector<16xf32>,
      %gather3A_98 = tpu.vector_load_idx %arg7[%get3A_94] : memref<10240xf32, #tpu.memory_space<vmem>>[vector<16xi32>], vector<16xf32>,
      %add3A_99 = arith.addf %gather3A_97, %gather3A_98 : vector<16xf32>
      %max3A_100 = arith.constant 9.99999971E-10 : f32
      %max3A_101 = vector.broadcast %max3A_100 : f32 to vector<16xf32>
      %max3A_102 = arith.maximumf %add3A_99, %max3A_101 : vector<16xf32>
      %div3A_103 = arith.divf %get3A_96, %max3A_102 : vector<16xf32>
      %swap3A_104 = arith.constant 64 : index
      %swap3A_105 = tpu.vector_load %arg10[%swap3A_104] {strides = array<i32>} : memref<400xf32, #tpu.memory_space<vmem>>, vector<16xf32>,
      tpu.vector_store %arg10[%swap3A_104], %div3A_103 {strides = array<i32>} : memref<400xf32, #tpu.memory_space<vmem>>, vector<16xf32>,
      %get3A_106 = arith.constant 80 : index
      %get3A_107 = tpu.vector_load %arg8[%get3A_106] {strides = array<i32>} : memref<400xi32, #tpu.memory_space<vmem>>, vector<16xi32>,
      %get3A_108 = arith.constant 80 : index
      %get3A_109 = tpu.vector_load %arg9[%get3A_108] {strides = array<i32>} : memref<400xf32, #tpu.memory_space<vmem>>, vector<16xf32>,
      %gather3A_110 = tpu.vector_load_idx %arg6[%get3A_107] : memref<10240xf32, #tpu.memory_space<vmem>>[vector<16xi32>], vector<16xf32>,
      %gather3A_111 = tpu.vector_load_idx %arg7[%get3A_107] : memref<10240xf32, #tpu.memory_space<vmem>>[vector<16xi32>], vector<16xf32>,
      %add3A_112 = arith.addf %gather3A_110, %gather3A_111 : vector<16xf32>
      %max3A_113 = arith.constant 9.99999971E-10 : f32
      %max3A_114 = vector.broadcast %max3A_113 : f32 to vector<16xf32>
      %max3A_115 = arith.maximumf %add3A_112, %max3A_114 : vector<16xf32>
      %div3A_116 = arith.divf %get3A_109, %max3A_115 : vector<16xf32>
      %swap3A_117 = arith.constant 80 : index
      %swap3A_118 = tpu.vector_load %arg10[%swap3A_117] {strides = array<i32>} : memref<400xf32, #tpu.memory_space<vmem>>, vector<16xf32>,
      tpu.vector_store %arg10[%swap3A_117], %div3A_116 {strides = array<i32>} : memref<400xf32, #tpu.memory_space<vmem>>, vector<16xf32>,
      %get3A_119 = arith.constant 96 : index
      %get3A_120 = tpu.vector_load %arg8[%get3A_119] {strides = array<i32>} : memref<400xi32, #tpu.memory_space<vmem>>, vector<16xi32>,
      %get3A_121 = arith.constant 96 : index
      %get3A_122 = tpu.vector_load %arg9[%get3A_121] {strides = array<i32>} : memref<400xf32, #tpu.memory_space<vmem>>, vector<16xf32>,
      %gather3A_123 = tpu.vector_load_idx %arg6[%get3A_120] : memref<10240xf32, #tpu.memory_space<vmem>>[vector<16xi32>], vector<16xf32>,
      %gather3A_124 = tpu.vector_load_idx %arg7[%get3A_120] : memref<10240xf32, #tpu.memory_space<vmem>>[vector<16xi32>], vector<16xf32>,
      %add3A_125 = arith.addf %gather3A_123, %gather3A_124 : vector<16xf32>
      %max3A_126 = arith.constant 9.99999971E-10 : f32
      %max3A_127 = vector.broadcast %max3A_126 : f32 to vector<16xf32>
      %max3A_128 = arith.maximumf %add3A_125, %max3A_127 : vector<16xf32>
      %div3A_129 = arith.divf %get3A_122, %max3A_128 : vector<16xf32>
      %swap3A_130 = arith.constant 96 : index
      %swap3A_131 = tpu.vector_load %arg10[%swap3A_130] {strides = array<i32>} : memref<400xf32, #tpu.memory_space<vmem>>, vector<16xf32>,
      tpu.vector_store %arg10[%swap3A_130], %div3A_129 {strides = array<i32>} : memref<400xf32, #tpu.memory_space<vmem>>, vector<16xf32>,
      %get3A_132 = arith.constant 112 : index
      %get3A_133 = tpu.vector_load %arg8[%get3A_132] {strides = array<i32>} : memref<400xi32, #tpu.memory_space<vmem>>, vector<16xi32>,
      %get3A_134 = arith.constant 112 : index
      %get3A_135 = tpu.vector_load %arg9[%get3A_134] {strides = array<i32>} : memref<400xf32, #tpu.memory_space<vmem>>, vector<16xf32>,
      %gather3A_136 = tpu.vector_load_idx %arg6[%get3A_133] : memref<10240xf32, #tpu.memory_space<vmem>>[vector<16xi32>], vector<16xf32>,
      %gather3A_137 = tpu.vector_load_idx %arg7[%get3A_133] : memref<10240xf32, #tpu.memory_space<vmem>>[vector<16xi32>], vector<16xf32>,
      %add3A_138 = arith.addf %gather3A_136, %gather3A_137 : vector<16xf32>
      %max3A_139 = arith.constant 9.99999971E-10 : f32
      %max3A_140 = vector.broadcast %max3A_139 : f32 to vector<16xf32>
      %max3A_141 = arith.maximumf %add3A_138, %max3A_140 : vector<16xf32>
      %div3A_142 = arith.divf %get3A_135, %max3A_141 : vector<16xf32>
      %swap3A_143 = arith.constant 112 : index
      %swap3A_144 = tpu.vector_load %arg10[%swap3A_143] {strides = array<i32>} : memref<400xf32, #tpu.memory_space<vmem>>, vector<16xf32>,
      tpu.vector_store %arg10[%swap3A_143], %div3A_142 {strides = array<i32>} : memref<400xf32, #tpu.memory_space<vmem>>, vector<16xf32>,
      %get3A_145 = arith.constant 128 : index
      %get3A_146 = tpu.vector_load %arg8[%get3A_145] {strides = array<i32>} : memref<400xi32, #tpu.memory_space<vmem>>, vector<16xi32>,
      %get3A_147 = arith.constant 128 : index
      %get3A_148 = tpu.vector_load %arg9[%get3A_147] {strides = array<i32>} : memref<400xf32, #tpu.memory_space<vmem>>, vector<16xf32>,
      %gather3A_149 = tpu.vector_load_idx %arg6[%get3A_146] : memref<10240xf32, #tpu.memory_space<vmem>>[vector<16xi32>], vector<16xf32>,
      %gather3A_150 = tpu.vector_load_idx %arg7[%get3A_146] : memref<10240xf32, #tpu.memory_space<vmem>>[vector<16xi32>], vector<16xf32>,
      %add3A_151 = arith.addf %gather3A_149, %gather3A_150 : vector<16xf32>
      %max3A_152 = arith.constant 9.99999971E-10 : f32
      %max3A_153 = vector.broadcast %max3A_152 : f32 to vector<16xf32>
      %max3A_154 = arith.maximumf %add3A_151, %max3A_153 : vector<16xf32>
      %div3A_155 = arith.divf %get3A_148, %max3A_154 : vector<16xf32>
      %swap3A_156 = arith.constant 128 : index
      %swap3A_157 = tpu.vector_load %arg10[%swap3A_156] {strides = array<i32>} : memref<400xf32, #tpu.memory_space<vmem>>, vector<16xf32>,
      tpu.vector_store %arg10[%swap3A_156], %div3A_155 {strides = array<i32>} : memref<400xf32, #tpu.memory_space<vmem>>, vector<16xf32>,
      %get3A_158 = arith.constant 144 : index
      %get3A_159 = tpu.vector_load %arg8[%get3A_158] {strides = array<i32>} : memref<400xi32, #tpu.memory_space<vmem>>, vector<16xi32>,
      %get3A_160 = arith.constant 144 : index
      %get3A_161 = tpu.vector_load %arg9[%get3A_160] {strides = array<i32>} : memref<400xf32, #tpu.memory_space<vmem>>, vector<16xf32>,
      %gather3A_162 = tpu.vector_load_idx %arg6[%get3A_159] : memref<10240xf32, #tpu.memory_space<vmem>>[vector<16xi32>], vector<16xf32>,
      %gather3A_163 = tpu.vector_load_idx %arg7[%get3A_159] : memref<10240xf32, #tpu.memory_space<vmem>>[vector<16xi32>], vector<16xf32>,
      %add3A_164 = arith.addf %gather3A_162, %gather3A_163 : vector<16xf32>
      %max3A_165 = arith.constant 9.99999971E-10 : f32
      %max3A_166 = vector.broadcast %max3A_165 : f32 to vector<16xf32>
      %max3A_167 = arith.maximumf %add3A_164, %max3A_166 : vector<16xf32>
      %div3A_168 = arith.divf %get3A_161, %max3A_167 : vector<16xf32>
      %swap3A_169 = arith.constant 144 : index
      %swap3A_170 = tpu.vector_load %arg10[%swap3A_169] {strides = array<i32>} : memref<400xf32, #tpu.memory_space<vmem>>, vector<16xf32>,
      tpu.vector_store %arg10[%swap3A_169], %div3A_168 {strides = array<i32>} : memref<400xf32, #tpu.memory_space<vmem>>, vector<16xf32>,
      %get3A_171 = arith.constant 160 : index
      %get3A_172 = tpu.vector_load %arg8[%get3A_171] {strides = array<i32>} : memref<400xi32, #tpu.memory_space<vmem>>, vector<16xi32>,
      %get3A_173 = arith.constant 160 : index
      %get3A_174 = tpu.vector_load %arg9[%get3A_173] {strides = array<i32>} : memref<400xf32, #tpu.memory_space<vmem>>, vector<16xf32>,
      %gather3A_175 = tpu.vector_load_idx %arg6[%get3A_172] : memref<10240xf32, #tpu.memory_space<vmem>>[vector<16xi32>], vector<16xf32>,
      %gather3A_176 = tpu.vector_load_idx %arg7[%get3A_172] : memref<10240xf32, #tpu.memory_space<vmem>>[vector<16xi32>], vector<16xf32>,
      %add3A_177 = arith.addf %gather3A_175, %gather3A_176 : vector<16xf32>
      %max3A_178 = arith.constant 9.99999971E-10 : f32
      %max3A_179 = vector.broadcast %max3A_178 : f32 to vector<16xf32>
      %max3A_180 = arith.maximumf %add3A_177, %max3A_179 : vector<16xf32>
      %div3A_181 = arith.divf %get3A_174, %max3A_180 : vector<16xf32>
      %swap3A_182 = arith.constant 160 : index
      %swap3A_183 = tpu.vector_load %arg10[%swap3A_182] {strides = array<i32>} : memref<400xf32, #tpu.memory_space<vmem>>, vector<16xf32>,
      tpu.vector_store %arg10[%swap3A_182], %div3A_181 {strides = array<i32>} : memref<400xf32, #tpu.memory_space<vmem>>, vector<16xf32>,
      %get3A_184 = arith.constant 176 : index
      %get3A_185 = tpu.vector_load %arg8[%get3A_184] {strides = array<i32>} : memref<400xi32, #tpu.memory_space<vmem>>, vector<16xi32>,
      %get3A_186 = arith.constant 176 : index
      %get3A_187 = tpu.vector_load %arg9[%get3A_186] {strides = array<i32>} : memref<400xf32, #tpu.memory_space<vmem>>, vector<16xf32>,
      %gather3A_188 = tpu.vector_load_idx %arg6[%get3A_185] : memref<10240xf32, #tpu.memory_space<vmem>>[vector<16xi32>], vector<16xf32>,
      %gather3A_189 = tpu.vector_load_idx %arg7[%get3A_185] : memref<10240xf32, #tpu.memory_space<vmem>>[vector<16xi32>], vector<16xf32>,
      %add3A_190 = arith.addf %gather3A_188, %gather3A_189 : vector<16xf32>
      %max3A_191 = arith.constant 9.99999971E-10 : f32
      %max3A_192 = vector.broadcast %max3A_191 : f32 to vector<16xf32>
      %max3A_193 = arith.maximumf %add3A_190, %max3A_192 : vector<16xf32>
      %div3A_194 = arith.divf %get3A_187, %max3A_193 : vector<16xf32>
      %swap3A_195 = arith.constant 176 : index
      %swap3A_196 = tpu.vector_load %arg10[%swap3A_195] {strides = array<i32>} : memref<400xf32, #tpu.memory_space<vmem>>, vector<16xf32>,
      tpu.vector_store %arg10[%swap3A_195], %div3A_194 {strides = array<i32>} : memref<400xf32, #tpu.memory_space<vmem>>, vector<16xf32>,
      %get3A_197 = arith.constant 192 : index
      %get3A_198 = tpu.vector_load %arg8[%get3A_197] {strides = array<i32>} : memref<400xi32, #tpu.memory_space<vmem>>, vector<16xi32>,
      %get3A_199 = arith.constant 192 : index
      %get3A_200 = tpu.vector_load %arg9[%get3A_199] {strides = array<i32>} : memref<400xf32, #tpu.memory_space<vmem>>, vector<16xf32>,
      %gather3A_201 = tpu.vector_load_idx %arg6[%get3A_198] : memref<10240xf32, #tpu.memory_space<vmem>>[vector<16xi32>], vector<16xf32>,
      %gather3A_202 = tpu.vector_load_idx %arg7[%get3A_198] : memref<10240xf32, #tpu.memory_space<vmem>>[vector<16xi32>], vector<16xf32>,
      %add3A_203 = arith.addf %gather3A_201, %gather3A_202 : vector<16xf32>
      %max3A_204 = arith.constant 9.99999971E-10 : f32
      %max3A_205 = vector.broadcast %max3A_204 : f32 to vector<16xf32>
      %max3A_206 = arith.maximumf %add3A_203, %max3A_205 : vector<16xf32>
      %div3A_207 = arith.divf %get3A_200, %max3A_206 : vector<16xf32>
      %swap3A_208 = arith.constant 192 : index
      %swap3A_209 = tpu.vector_load %arg10[%swap3A_208] {strides = array<i32>} : memref<400xf32, #tpu.memory_space<vmem>>, vector<16xf32>,
      tpu.vector_store %arg10[%swap3A_208], %div3A_207 {strides = array<i32>} : memref<400xf32, #tpu.memory_space<vmem>>, vector<16xf32>,
      %get3A_210 = arith.constant 208 : index
      %get3A_211 = tpu.vector_load %arg8[%get3A_210] {strides = array<i32>} : memref<400xi32, #tpu.memory_space<vmem>>, vector<16xi32>,
      %get3A_212 = arith.constant 208 : index
      %get3A_213 = tpu.vector_load %arg9[%get3A_212] {strides = array<i32>} : memref<400xf32, #tpu.memory_space<vmem>>, vector<16xf32>,
      %gather3A_214 = tpu.vector_load_idx %arg6[%get3A_211] : memref<10240xf32, #tpu.memory_space<vmem>>[vector<16xi32>], vector<16xf32>,
      %gather3A_215 = tpu.vector_load_idx %arg7[%get3A_211] : memref<10240xf32, #tpu.memory_space<vmem>>[vector<16xi32>], vector<16xf32>,
      %add3A_216 = arith.addf %gather3A_214, %gather3A_215 : vector<16xf32>
      %max3A_217 = arith.constant 9.99999971E-10 : f32
      %max3A_218 = vector.broadcast %max3A_217 : f32 to vector<16xf32>
      %max3A_219 = arith.maximumf %add3A_216, %max3A_218 : vector<16xf32>
      %div3A_220 = arith.divf %get3A_213, %max3A_219 : vector<16xf32>
      %swap3A_221 = arith.constant 208 : index
      %swap3A_222 = tpu.vector_load %arg10[%swap3A_221] {strides = array<i32>} : memref<400xf32, #tpu.memory_space<vmem>>, vector<16xf32>,
      tpu.vector_store %arg10[%swap3A_221], %div3A_220 {strides = array<i32>} : memref<400xf32, #tpu.memory_space<vmem>>, vector<16xf32>,
      %get3A_223 = arith.constant 224 : index
      %get3A_224 = tpu.vector_load %arg8[%get3A_223] {strides = array<i32>} : memref<400xi32, #tpu.memory_space<vmem>>, vector<16xi32>,
      %get3A_225 = arith.constant 224 : index
      %get3A_226 = tpu.vector_load %arg9[%get3A_225] {strides = array<i32>} : memref<400xf32, #tpu.memory_space<vmem>>, vector<16xf32>,
      %gather3A_227 = tpu.vector_load_idx %arg6[%get3A_224] : memref<10240xf32, #tpu.memory_space<vmem>>[vector<16xi32>], vector<16xf32>,
      %gather3A_228 = tpu.vector_load_idx %arg7[%get3A_224] : memref<10240xf32, #tpu.memory_space<vmem>>[vector<16xi32>], vector<16xf32>,
      %add3A_229 = arith.addf %gather3A_227, %gather3A_228 : vector<16xf32>
      %max3A_230 = arith.constant 9.99999971E-10 : f32
      %max3A_231 = vector.broadcast %max3A_230 : f32 to vector<16xf32>
      %max3A_232 = arith.maximumf %add3A_229, %max3A_231 : vector<16xf32>
      %div3A_233 = arith.divf %get3A_226, %max3A_232 : vector<16xf32>
      %swap3A_234 = arith.constant 224 : index
      %swap3A_235 = tpu.vector_load %arg10[%swap3A_234] {strides = array<i32>} : memref<400xf32, #tpu.memory_space<vmem>>, vector<16xf32>,
      tpu.vector_store %arg10[%swap3A_234], %div3A_233 {strides = array<i32>} : memref<400xf32, #tpu.memory_space<vmem>>, vector<16xf32>,
      %get3A_236 = arith.constant 240 : index
      %get3A_237 = tpu.vector_load %arg8[%get3A_236] {strides = array<i32>} : memref<400xi32, #tpu.memory_space<vmem>>, vector<16xi32>,
      %get3A_238 = arith.constant 240 : index
      %get3A_239 = tpu.vector_load %arg9[%get3A_238] {strides = array<i32>} : memref<400xf32, #tpu.memory_space<vmem>>, vector<16xf32>,
      %gather3A_240 = tpu.vector_load_idx %arg6[%get3A_237] : memref<10240xf32, #tpu.memory_space<vmem>>[vector<16xi32>], vector<16xf32>,
      %gather3A_241 = tpu.vector_load_idx %arg7[%get3A_237] : memref<10240xf32, #tpu.memory_space<vmem>>[vector<16xi32>], vector<16xf32>,
      %add3A_242 = arith.addf %gather3A_240, %gather3A_241 : vector<16xf32>
      %max3A_243 = arith.constant 9.99999971E-10 : f32
      %max3A_244 = vector.broadcast %max3A_243 : f32 to vector<16xf32>
      %max3A_245 = arith.maximumf %add3A_242, %max3A_244 : vector<16xf32>
      %div3A_246 = arith.divf %get3A_239, %max3A_245 : vector<16xf32>
      %swap3A_247 = arith.constant 240 : index
      %swap3A_248 = tpu.vector_load %arg10[%swap3A_247] {strides = array<i32>} : memref<400xf32, #tpu.memory_space<vmem>>, vector<16xf32>,
      tpu.vector_store %arg10[%swap3A_247], %div3A_246 {strides = array<i32>} : memref<400xf32, #tpu.memory_space<vmem>>, vector<16xf32>,
      %get3A_249 = arith.constant 256 : index
      %get3A_250 = tpu.vector_load %arg8[%get3A_249] {strides = array<i32>} : memref<400xi32, #tpu.memory_space<vmem>>, vector<16xi32>,
      %get3A_251 = arith.constant 256 : index
      %get3A_252 = tpu.vector_load %arg9[%get3A_251] {strides = array<i32>} : memref<400xf32, #tpu.memory_space<vmem>>, vector<16xf32>,
      %gather3A_253 = tpu.vector_load_idx %arg6[%get3A_250] : memref<10240xf32, #tpu.memory_space<vmem>>[vector<16xi32>], vector<16xf32>,
      %gather3A_254 = tpu.vector_load_idx %arg7[%get3A_250] : memref<10240xf32, #tpu.memory_space<vmem>>[vector<16xi32>], vector<16xf32>,
      %add3A_255 = arith.addf %gather3A_253, %gather3A_254 : vector<16xf32>
      %max3A_256 = arith.constant 9.99999971E-10 : f32
      %max3A_257 = vector.broadcast %max3A_256 : f32 to vector<16xf32>
      %max3A_258 = arith.maximumf %add3A_255, %max3A_257 : vector<16xf32>
      %div3A_259 = arith.divf %get3A_252, %max3A_258 : vector<16xf32>
      %swap3A_260 = arith.constant 256 : index
      %swap3A_261 = tpu.vector_load %arg10[%swap3A_260] {strides = array<i32>} : memref<400xf32, #tpu.memory_space<vmem>>, vector<16xf32>,
      tpu.vector_store %arg10[%swap3A_260], %div3A_259 {strides = array<i32>} : memref<400xf32, #tpu.memory_space<vmem>>, vector<16xf32>,
      %get3A_262 = arith.constant 272 : index
      %get3A_263 = tpu.vector_load %arg8[%get3A_262] {strides = array<i32>} : memref<400xi32, #tpu.memory_space<vmem>>, vector<16xi32>,
      %get3A_264 = arith.constant 272 : index
      %get3A_265 = tpu.vector_load %arg9[%get3A_264] {strides = array<i32>} : memref<400xf32, #tpu.memory_space<vmem>>, vector<16xf32>,
      %gather3A_266 = tpu.vector_load_idx %arg6[%get3A_263] : memref<10240xf32, #tpu.memory_space<vmem>>[vector<16xi32>], vector<16xf32>,
      %gather3A_267 = tpu.vector_load_idx %arg7[%get3A_263] : memref<10240xf32, #tpu.memory_space<vmem>>[vector<16xi32>], vector<16xf32>,
      %add3A_268 = arith.addf %gather3A_266, %gather3A_267 : vector<16xf32>
      %max3A_269 = arith.constant 9.99999971E-10 : f32
      %max3A_270 = vector.broadcast %max3A_269 : f32 to vector<16xf32>
      %max3A_271 = arith.maximumf %add3A_268, %max3A_270 : vector<16xf32>
      %div3A_272 = arith.divf %get3A_265, %max3A_271 : vector<16xf32>
      %swap3A_273 = arith.constant 272 : index
      %swap3A_274 = tpu.vector_load %arg10[%swap3A_273] {strides = array<i32>} : memref<400xf32, #tpu.memory_space<vmem>>, vector<16xf32>,
      tpu.vector_store %arg10[%swap3A_273], %div3A_272 {strides = array<i32>} : memref<400xf32, #tpu.memory_space<vmem>>, vector<16xf32>,
      %get3A_275 = arith.constant 288 : index
      %get3A_276 = tpu.vector_load %arg8[%get3A_275] {strides = array<i32>} : memref<400xi32, #tpu.memory_space<vmem>>, vector<16xi32>,
      %get3A_277 = arith.constant 288 : index
      %get3A_278 = tpu.vector_load %arg9[%get3A_277] {strides = array<i32>} : memref<400xf32, #tpu.memory_space<vmem>>, vector<16xf32>,
      %gather3A_279 = tpu.vector_load_idx %arg6[%get3A_276] : memref<10240xf32, #tpu.memory_space<vmem>>[vector<16xi32>], vector<16xf32>,
      %gather3A_280 = tpu.vector_load_idx %arg7[%get3A_276] : memref<10240xf32, #tpu.memory_space<vmem>>[vector<16xi32>], vector<16xf32>,
      %add3A_281 = arith.addf %gather3A_279, %gather3A_280 : vector<16xf32>
      %max3A_282 = arith.constant 9.99999971E-10 : f32
      %max3A_283 = vector.broadcast %max3A_282 : f32 to vector<16xf32>
      %max3A_284 = arith.maximumf %add3A_281, %max3A_283 : vector<16xf32>
      %div3A_285 = arith.divf %get3A_278, %max3A_284 : vector<16xf32>
      %swap3A_286 = arith.constant 288 : index
      %swap3A_287 = tpu.vector_load %arg10[%swap3A_286] {strides = array<i32>} : memref<400xf32, #tpu.memory_space<vmem>>, vector<16xf32>,
      tpu.vector_store %arg10[%swap3A_286], %div3A_285 {strides = array<i32>} : memref<400xf32, #tpu.memory_space<vmem>>, vector<16xf32>,
      %get3A_288 = arith.constant 304 : index
      %get3A_289 = tpu.vector_load %arg8[%get3A_288] {strides = array<i32>} : memref<400xi32, #tpu.memory_space<vmem>>, vector<16xi32>,
      %get3A_290 = arith.constant 304 : index
      %get3A_291 = tpu.vector_load %arg9[%get3A_290] {strides = array<i32>} : memref<400xf32, #tpu.memory_space<vmem>>, vector<16xf32>,
      %gather3A_292 = tpu.vector_load_idx %arg6[%get3A_289] : memref<10240xf32, #tpu.memory_space<vmem>>[vector<16xi32>], vector<16xf32>,
      %gather3A_293 = tpu.vector_load_idx %arg7[%get3A_289] : memref<10240xf32, #tpu.memory_space<vmem>>[vector<16xi32>], vector<16xf32>,
      %add3A_294 = arith.addf %gather3A_292, %gather3A_293 : vector<16xf32>
      %max3A_295 = arith.constant 9.99999971E-10 : f32
      %max3A_296 = vector.broadcast %max3A_295 : f32 to vector<16xf32>
      %max3A_297 = arith.maximumf %add3A_294, %max3A_296 : vector<16xf32>
      %div3A_298 = arith.divf %get3A_291, %max3A_297 : vector<16xf32>
      %swap3A_299 = arith.constant 304 : index
      %swap3A_300 = tpu.vector_load %arg10[%swap3A_299] {strides = array<i32>} : memref<400xf32, #tpu.memory_space<vmem>>, vector<16xf32>,
      tpu.vector_store %arg10[%swap3A_299], %div3A_298 {strides = array<i32>} : memref<400xf32, #tpu.memory_space<vmem>>, vector<16xf32>,
      %get3A_301 = arith.constant 320 : index
      %get3A_302 = tpu.vector_load %arg8[%get3A_301] {strides = array<i32>} : memref<400xi32, #tpu.memory_space<vmem>>, vector<16xi32>,
      %get3A_303 = arith.constant 320 : index
      %get3A_304 = tpu.vector_load %arg9[%get3A_303] {strides = array<i32>} : memref<400xf32, #tpu.memory_space<vmem>>, vector<16xf32>,
      %gather3A_305 = tpu.vector_load_idx %arg6[%get3A_302] : memref<10240xf32, #tpu.memory_space<vmem>>[vector<16xi32>], vector<16xf32>,
      %gather3A_306 = tpu.vector_load_idx %arg7[%get3A_302] : memref<10240xf32, #tpu.memory_space<vmem>>[vector<16xi32>], vector<16xf32>,
      %add3A_307 = arith.addf %gather3A_305, %gather3A_306 : vector<16xf32>
      %max3A_308 = arith.constant 9.99999971E-10 : f32
      %max3A_309 = vector.broadcast %max3A_308 : f32 to vector<16xf32>
      %max3A_310 = arith.maximumf %add3A_307, %max3A_309 : vector<16xf32>
      %div3A_311 = arith.divf %get3A_304, %max3A_310 : vector<16xf32>
      %swap3A_312 = arith.constant 320 : index
      %swap3A_313 = tpu.vector_load %arg10[%swap3A_312] {strides = array<i32>} : memref<400xf32, #tpu.memory_space<vmem>>, vector<16xf32>,
      tpu.vector_store %arg10[%swap3A_312], %div3A_311 {strides = array<i32>} : memref<400xf32, #tpu.memory_space<vmem>>, vector<16xf32>,
      %get3A_314 = arith.constant 336 : index
      %get3A_315 = tpu.vector_load %arg8[%get3A_314] {strides = array<i32>} : memref<400xi32, #tpu.memory_space<vmem>>, vector<16xi32>,
      %get3A_316 = arith.constant 336 : index
      %get3A_317 = tpu.vector_load %arg9[%get3A_316] {strides = array<i32>} : memref<400xf32, #tpu.memory_space<vmem>>, vector<16xf32>,
      %gather3A_318 = tpu.vector_load_idx %arg6[%get3A_315] : memref<10240xf32, #tpu.memory_space<vmem>>[vector<16xi32>], vector<16xf32>,
      %gather3A_319 = tpu.vector_load_idx %arg7[%get3A_315] : memref<10240xf32, #tpu.memory_space<vmem>>[vector<16xi32>], vector<16xf32>,
      %add3A_320 = arith.addf %gather3A_318, %gather3A_319 : vector<16xf32>
      %max3A_321 = arith.constant 9.99999971E-10 : f32
      %max3A_322 = vector.broadcast %max3A_321 : f32 to vector<16xf32>
      %max3A_323 = arith.maximumf %add3A_320, %max3A_322 : vector<16xf32>
      %div3A_324 = arith.divf %get3A_317, %max3A_323 : vector<16xf32>
      %swap3A_325 = arith.constant 336 : index
      %swap3A_326 = tpu.vector_load %arg10[%swap3A_325] {strides = array<i32>} : memref<400xf32, #tpu.memory_space<vmem>>, vector<16xf32>,
      tpu.vector_store %arg10[%swap3A_325], %div3A_324 {strides = array<i32>} : memref<400xf32, #tpu.memory_space<vmem>>, vector<16xf32>,
      %get3A_327 = arith.constant 352 : index
      %get3A_328 = tpu.vector_load %arg8[%get3A_327] {strides = array<i32>} : memref<400xi32, #tpu.memory_space<vmem>>, vector<16xi32>,
      %get3A_329 = arith.constant 352 : index
      %get3A_330 = tpu.vector_load %arg9[%get3A_329] {strides = array<i32>} : memref<400xf32, #tpu.memory_space<vmem>>, vector<16xf32>,
      %gather3A_331 = tpu.vector_load_idx %arg6[%get3A_328] : memref<10240xf32, #tpu.memory_space<vmem>>[vector<16xi32>], vector<16xf32>,
      %gather3A_332 = tpu.vector_load_idx %arg7[%get3A_328] : memref<10240xf32, #tpu.memory_space<vmem>>[vector<16xi32>], vector<16xf32>,
      %add3A_333 = arith.addf %gather3A_331, %gather3A_332 : vector<16xf32>
      %max3A_334 = arith.constant 9.99999971E-10 : f32
      %max3A_335 = vector.broadcast %max3A_334 : f32 to vector<16xf32>
      %max3A_336 = arith.maximumf %add3A_333, %max3A_335 : vector<16xf32>
      %div3A_337 = arith.divf %get3A_330, %max3A_336 : vector<16xf32>
      %swap3A_338 = arith.constant 352 : index
      %swap3A_339 = tpu.vector_load %arg10[%swap3A_338] {strides = array<i32>} : memref<400xf32, #tpu.memory_space<vmem>>, vector<16xf32>,
      tpu.vector_store %arg10[%swap3A_338], %div3A_337 {strides = array<i32>} : memref<400xf32, #tpu.memory_space<vmem>>, vector<16xf32>,
      %get3A_340 = arith.constant 368 : index
      %get3A_341 = tpu.vector_load %arg8[%get3A_340] {strides = array<i32>} : memref<400xi32, #tpu.memory_space<vmem>>, vector<16xi32>,
      %get3A_342 = arith.constant 368 : index
      %get3A_343 = tpu.vector_load %arg9[%get3A_342] {strides = array<i32>} : memref<400xf32, #tpu.memory_space<vmem>>, vector<16xf32>,
      %gather3A_344 = tpu.vector_load_idx %arg6[%get3A_341] : memref<10240xf32, #tpu.memory_space<vmem>>[vector<16xi32>], vector<16xf32>,
      %gather3A_345 = tpu.vector_load_idx %arg7[%get3A_341] : memref<10240xf32, #tpu.memory_space<vmem>>[vector<16xi32>], vector<16xf32>,
      %add3A_346 = arith.addf %gather3A_344, %gather3A_345 : vector<16xf32>
      %max3A_347 = arith.constant 9.99999971E-10 : f32
      %max3A_348 = vector.broadcast %max3A_347 : f32 to vector<16xf32>
      %max3A_349 = arith.maximumf %add3A_346, %max3A_348 : vector<16xf32>
      %div3A_350 = arith.divf %get3A_343, %max3A_349 : vector<16xf32>
      %swap3A_351 = arith.constant 368 : index
      %swap3A_352 = tpu.vector_load %arg10[%swap3A_351] {strides = array<i32>} : memref<400xf32, #tpu.memory_space<vmem>>, vector<16xf32>,
      tpu.vector_store %arg10[%swap3A_351], %div3A_350 {strides = array<i32>} : memref<400xf32, #tpu.memory_space<vmem>>, vector<16xf32>,
      %get3A_353 = arith.constant 384 : index
      %get3A_354 = tpu.vector_load %arg8[%get3A_353] {strides = array<i32>} : memref<400xi32, #tpu.memory_space<vmem>>, vector<16xi32>,
      %get3A_355 = arith.constant 384 : index
      %get3A_356 = tpu.vector_load %arg9[%get3A_355] {strides = array<i32>} : memref<400xf32, #tpu.memory_space<vmem>>, vector<16xf32>,
      %gather3A_357 = tpu.vector_load_idx %arg6[%get3A_354] : memref<10240xf32, #tpu.memory_space<vmem>>[vector<16xi32>], vector<16xf32>,
      %gather3A_358 = tpu.vector_load_idx %arg7[%get3A_354] : memref<10240xf32, #tpu.memory_space<vmem>>[vector<16xi32>], vector<16xf32>,
      %add3A_359 = arith.addf %gather3A_357, %gather3A_358 : vector<16xf32>
      %max3A_360 = arith.constant 9.99999971E-10 : f32
      %max3A_361 = vector.broadcast %max3A_360 : f32 to vector<16xf32>
      %max3A_362 = arith.maximumf %add3A_359, %max3A_361 : vector<16xf32>
      %div3A_363 = arith.divf %get3A_356, %max3A_362 : vector<16xf32>
      %swap3A_364 = arith.constant 384 : index
      %swap3A_365 = tpu.vector_load %arg10[%swap3A_364] {strides = array<i32>} : memref<400xf32, #tpu.memory_space<vmem>>, vector<16xf32>,
      tpu.vector_store %arg10[%swap3A_364], %div3A_363 {strides = array<i32>} : memref<400xf32, #tpu.memory_space<vmem>>, vector<16xf32>,
      "tpu.region"() ({
        %run_scoped3A = tpu.sem_alloc : memref<!tpu.dma_semaphore, #tpu.memory_space<semaphore_mem>>
        %dma_start3A_366 = tpu.memref_slice %arg5[%add3A_37] : memref<320000xf32, #tpu.memory_space<hbm>> -> memref<400xf32, #tpu.memory_space<hbm>>
        %dma_start3A_367 = tpu.memref_slice %arg5[%add3A_37] : memref<320000xf32, #tpu.memory_space<hbm>> -> memref<400xf32, #tpu.memory_space<hbm>>
        tpu.enqueue_dma source(%arg10 : memref<400xf32, #tpu.memory_space<vmem>>) target(%dma_start3A_367 : memref<400xf32, #tpu.memory_space<hbm>>) target_semaphore(%run_scoped3A : memref<!tpu.dma_semaphore, #tpu.memory_space<semaphore_mem>>)
        %dma_wait3A_368 = tpu.memref_slice %arg5[%add3A_37] : memref<320000xf32, #tpu.memory_space<hbm>> -> memref<400xf32, #tpu.memory_space<hbm>>
        %dma_wait3A_369 = tpu.memref_slice %arg5[%add3A_37] : memref<320000xf32, #tpu.memory_space<hbm>> -> memref<400xf32, #tpu.memory_space<hbm>>
        tpu.wait_dma2 semaphore(%run_scoped3A : memref<!tpu.dma_semaphore, #tpu.memory_space<semaphore_mem>>) src(%arg10 : memref<400xf32, #tpu.memory_space<vmem>>) dst(%dma_wait3A_369 : memref<400xf32, #tpu.memory_space<hbm>>)
        tpu.yield
      }) : () -> ()
    }
    %scan3A_31 = arith.constant 25 : i32
    return
  }
}

module attributes {stable_mosaic.version = 14 : i64} {
  func.func @_tables_body(%arg0: i32, %arg1: memref<2000x128xf32, #tpu.memory_space<vmem>>, %arg2: memref<128x64xf32, #tpu.memory_space<vmem>>, %arg3: memref<128x64xf32, #tpu.memory_space<vmem>>, %arg4: memref<64x128xf32, #tpu.memory_space<vmem>>, %arg5: memref<128x32xf32, #tpu.memory_space<vmem>>, %arg6: memref<1x32xf32, #tpu.memory_space<vmem>>, %arg7: memref<2000x64xf32, #tpu.memory_space<vmem>>, %arg8: memref<2000x64xf32, #tpu.memory_space<vmem>>, %arg9: memref<64x32xf32, #tpu.memory_space<vmem>>) attributes {dimension_semantics = [#tpu.dimension_semantics<arbitrary>], iteration_bounds = array<i64: 5>, scalar_prefetch = 0 : i64, scratch_operands = 0 : i64, tpu.core_type = #tpu.core_type<tc>, window_params = [{transform_indices = @transform_0, window_bounds = array<i64: 2000, 128>}, {pipeline_mode = #tpu.pipeline_mode<synchronous>, transform_indices = @transform_1, window_bounds = array<i64: 128, 64>}, {pipeline_mode = #tpu.pipeline_mode<synchronous>, transform_indices = @transform_2, window_bounds = array<i64: 128, 64>}, {pipeline_mode = #tpu.pipeline_mode<synchronous>, transform_indices = @transform_3, window_bounds = array<i64: 64, 128>}, {pipeline_mode = #tpu.pipeline_mode<synchronous>, transform_indices = @transform_4, window_bounds = array<i64: 128, 32>}, {pipeline_mode = #tpu.pipeline_mode<synchronous>, transform_indices = @transform_5, window_bounds = array<i64: 1, 32>}, {transform_indices = @transform_6, window_bounds = array<i64: 2000, 64>}, {transform_indices = @transform_7, window_bounds = array<i64: 2000, 64>}, {pipeline_mode = #tpu.pipeline_mode<synchronous>, transform_indices = @transform_8, window_bounds = array<i64: 64, 32>}]} {
    %get3A = arith.constant 0 : index
    %get3A_0 = arith.constant 0 : index
    %get3A_1 = vector.load %arg1[%get3A, %get3A_0] : memref<2000x128xf32, #tpu.memory_space<vmem>>, vector<2000x128xf32>
    %get3A_2 = arith.constant 0 : index
    %get3A_3 = arith.constant 0 : index
    %get3A_4 = vector.load %arg2[%get3A_2, %get3A_3] : memref<128x64xf32, #tpu.memory_space<vmem>>, vector<128x64xf32>
    %dot_general3A = arith.constant dense<0.000000e+00> : vector<2000x64xf32>
    %dot_general3A_5 = tpu.matmul %get3A_1, %get3A_4, %dot_general3A {dimension_numbers = #tpu.dot_dimension_numbers<[1], [0], [0], [1], [0, 0, 1, 1], [], []>, transpose_lhs_hint = false} : vector<2000x128xf32>, vector<128x64xf32>, vector<2000x64xf32> -> vector<2000x64xf32>
    %swap3A = arith.constant 0 : index
    %swap3A_6 = arith.constant 0 : index
    %swap3A_7 = vector.load %arg7[%swap3A, %swap3A_6] : memref<2000x64xf32, #tpu.memory_space<vmem>>, vector<2000x64xf32>
    tpu.vector_store %arg7[%swap3A, %swap3A_6], %dot_general3A_5 {strides = array<i32>} : memref<2000x64xf32, #tpu.memory_space<vmem>>, vector<2000x64xf32>,
    %get3A_8 = arith.constant 0 : index
    %get3A_9 = arith.constant 0 : index
    %get3A_10 = vector.load %arg3[%get3A_8, %get3A_9] : memref<128x64xf32, #tpu.memory_space<vmem>>, vector<128x64xf32>
    %dot_general3A_11 = arith.constant dense<0.000000e+00> : vector<2000x64xf32>
    %dot_general3A_12 = tpu.matmul %get3A_1, %get3A_10, %dot_general3A_11 {dimension_numbers = #tpu.dot_dimension_numbers<[1], [0], [0], [1], [0, 0, 1, 1], [], []>, transpose_lhs_hint = false} : vector<2000x128xf32>, vector<128x64xf32>, vector<2000x64xf32> -> vector<2000x64xf32>
    %swap3A_13 = arith.constant 0 : index
    %swap3A_14 = arith.constant 0 : index
    %swap3A_15 = vector.load %arg8[%swap3A_13, %swap3A_14] : memref<2000x64xf32, #tpu.memory_space<vmem>>, vector<2000x64xf32>
    tpu.vector_store %arg8[%swap3A_13, %swap3A_14], %dot_general3A_12 {strides = array<i32>} : memref<2000x64xf32, #tpu.memory_space<vmem>>, vector<2000x64xf32>,
    %eq3A = arith.constant 0 : i32
    %eq3A_16 = arith.cmpi eq, %arg0, %eq3A : i32
    %convert_element_type3A = arith.extui %eq3A_16 : i1 to i32
    %cond3A = arith.constant 0 : i32
    %cond3A_17 = arith.cmpi ne, %convert_element_type3A, %cond3A : i32
    scf.if %cond3A_17 {
      %get3A_18 = arith.constant 0 : index
      %get3A_19 = arith.constant 0 : index
      %get3A_20 = vector.load %arg4[%get3A_18, %get3A_19] : memref<64x128xf32, #tpu.memory_space<vmem>>, vector<64x128xf32>
      %get3A_21 = arith.constant 0 : index
      %get3A_22 = arith.constant 0 : index
      %get3A_23 = vector.load %arg5[%get3A_21, %get3A_22] : memref<128x32xf32, #tpu.memory_space<vmem>>, vector<128x32xf32>
      %dot_general3A_24 = arith.constant dense<0.000000e+00> : vector<64x32xf32>
      %dot_general3A_25 = tpu.matmul %get3A_20, %get3A_23, %dot_general3A_24 {dimension_numbers = #tpu.dot_dimension_numbers<[1], [0], [0], [1], [0, 0, 1, 1], [], []>, transpose_lhs_hint = false} : vector<64x128xf32>, vector<128x32xf32>, vector<64x32xf32> -> vector<64x32xf32>
      %get3A_26 = arith.constant 0 : index
      %get3A_27 = arith.constant 0 : index
      %get3A_28 = vector.load %arg6[%get3A_26, %get3A_27] : memref<1x32xf32, #tpu.memory_space<vmem>>, vector<1x32xf32>
      %add3A = vector.broadcast %get3A_28 : vector<1x32xf32> to vector<64x32xf32>
      %add3A_29 = arith.addf %dot_general3A_25, %add3A : vector<64x32xf32>
      %swap3A_30 = arith.constant 0 : index
      %swap3A_31 = arith.constant 0 : index
      %swap3A_32 = vector.load %arg9[%swap3A_30, %swap3A_31] : memref<64x32xf32, #tpu.memory_space<vmem>>, vector<64x32xf32>
      tpu.vector_store %arg9[%swap3A_30, %swap3A_31], %add3A_29 {strides = array<i32>} : memref<64x32xf32, #tpu.memory_space<vmem>>, vector<64x32xf32>,
    } else {
    }
    return
  }
  func.func @transform_0(%arg0: i32) -> (i32, i32) {
    %c0_i32 = arith.constant 0 : i32
    %c0_i32_0 = arith.constant 0 : i32
    return %arg0, %c0_i32 : i32, i32
  }
  func.func @transform_1(%arg0: i32) -> (i32, i32) {
    %c0_i32 = arith.constant 0 : i32
    %c0_i32_0 = arith.constant 0 : i32
    %c0_i32_1 = arith.constant 0 : i32
    return %c0_i32, %c0_i32_0 : i32, i32
  }
  func.func @transform_2(%arg0: i32) -> (i32, i32) {
    %c0_i32 = arith.constant 0 : i32
    %c0_i32_0 = arith.constant 0 : i32
    %c0_i32_1 = arith.constant 0 : i32
    return %c0_i32, %c0_i32_0 : i32, i32
  }
  func.func @transform_3(%arg0: i32) -> (i32, i32) {
    %c0_i32 = arith.constant 0 : i32
    %c0_i32_0 = arith.constant 0 : i32
    %c0_i32_1 = arith.constant 0 : i32
    return %c0_i32, %c0_i32_0 : i32, i32
  }
  func.func @transform_4(%arg0: i32) -> (i32, i32) {
    %c0_i32 = arith.constant 0 : i32
    %c0_i32_0 = arith.constant 0 : i32
    %c0_i32_1 = arith.constant 0 : i32
    return %c0_i32, %c0_i32_0 : i32, i32
  }
  func.func @transform_5(%arg0: i32) -> (i32, i32) {
    %c0_i32 = arith.constant 0 : i32
    %c0_i32_0 = arith.constant 0 : i32
    %c0_i32_1 = arith.constant 0 : i32
    return %c0_i32, %c0_i32_0 : i32, i32
  }
  func.func @transform_6(%arg0: i32) -> (i32, i32) {
    %c0_i32 = arith.constant 0 : i32
    %c0_i32_0 = arith.constant 0 : i32
    return %arg0, %c0_i32 : i32, i32
  }
  func.func @transform_7(%arg0: i32) -> (i32, i32) {
    %c0_i32 = arith.constant 0 : i32
    %c0_i32_0 = arith.constant 0 : i32
    return %arg0, %c0_i32 : i32, i32
  }
  func.func @transform_8(%arg0: i32) -> (i32, i32) {
    %c0_i32 = arith.constant 0 : i32
    %c0_i32_0 = arith.constant 0 : i32
    %c0_i32_1 = arith.constant 0 : i32
    return %c0_i32, %c0_i32_0 : i32, i32
  }
}

module attributes {stable_mosaic.version = 14 : i64} {
  func.func @_es_body(%arg0: i32, %arg1: memref<1000x64xf32, #tpu.memory_space<vmem>>, %arg2: memref<64x128xf32, #tpu.memory_space<vmem>>, %arg3: memref<1x128xf32, #tpu.memory_space<vmem>>, %arg4: memref<1000x128xf32, #tpu.memory_space<vmem>>) attributes {dimension_semantics = [#tpu.dimension_semantics<arbitrary>], iteration_bounds = array<i64: 80>, scalar_prefetch = 0 : i64, scratch_operands = 0 : i64, tpu.core_type = #tpu.core_type<tc>, window_params = [{transform_indices = @transform_0, window_bounds = array<i64: 1000, 64>}, {pipeline_mode = #tpu.pipeline_mode<synchronous>, transform_indices = @transform_1, window_bounds = array<i64: 64, 128>}, {pipeline_mode = #tpu.pipeline_mode<synchronous>, transform_indices = @transform_2, window_bounds = array<i64: 1, 128>}, {transform_indices = @transform_3, window_bounds = array<i64: 1000, 128>}]} {
    %get3A = arith.constant 0 : index
    %get3A_0 = arith.constant 0 : index
    %get3A_1 = vector.load %arg1[%get3A, %get3A_0] : memref<1000x64xf32, #tpu.memory_space<vmem>>, vector<1000x64xf32>
    %get3A_2 = arith.constant 0 : index
    %get3A_3 = arith.constant 0 : index
    %get3A_4 = vector.load %arg2[%get3A_2, %get3A_3] : memref<64x128xf32, #tpu.memory_space<vmem>>, vector<64x128xf32>
    %dot_general3A = arith.constant dense<0.000000e+00> : vector<1000x128xf32>
    %dot_general3A_5 = tpu.matmul %get3A_1, %get3A_4, %dot_general3A {dimension_numbers = #tpu.dot_dimension_numbers<[1], [0], [0], [1], [0, 0, 1, 1], [], []>, transpose_lhs_hint = false} : vector<1000x64xf32>, vector<64x128xf32>, vector<1000x128xf32> -> vector<1000x128xf32>
    %get3A_6 = arith.constant 0 : index
    %get3A_7 = arith.constant 0 : index
    %get3A_8 = vector.load %arg3[%get3A_6, %get3A_7] : memref<1x128xf32, #tpu.memory_space<vmem>>, vector<1x128xf32>
    %add3A = vector.broadcast %get3A_8 : vector<1x128xf32> to vector<1000x128xf32>
    %add3A_9 = arith.addf %dot_general3A_5, %add3A : vector<1000x128xf32>
    %swap3A = arith.constant 0 : index
    %swap3A_10 = arith.constant 0 : index
    %swap3A_11 = vector.load %arg4[%swap3A, %swap3A_10] : memref<1000x128xf32, #tpu.memory_space<vmem>>, vector<1000x128xf32>
    tpu.vector_store %arg4[%swap3A, %swap3A_10], %add3A_9 {strides = array<i32>} : memref<1000x128xf32, #tpu.memory_space<vmem>>, vector<1000x128xf32>,
    return
  }
  func.func @transform_0(%arg0: i32) -> (i32, i32) {
    %c0_i32 = arith.constant 0 : i32
    %c0_i32_0 = arith.constant 0 : i32
    return %arg0, %c0_i32 : i32, i32
  }
  func.func @transform_1(%arg0: i32) -> (i32, i32) {
    %c0_i32 = arith.constant 0 : i32
    %c0_i32_0 = arith.constant 0 : i32
    %c0_i32_1 = arith.constant 0 : i32
    return %c0_i32, %c0_i32_0 : i32, i32
  }
  func.func @transform_2(%arg0: i32) -> (i32, i32) {
    %c0_i32 = arith.constant 0 : i32
    %c0_i32_0 = arith.constant 0 : i32
    %c0_i32_1 = arith.constant 0 : i32
    return %c0_i32, %c0_i32_0 : i32, i32
  }
  func.func @transform_3(%arg0: i32) -> (i32, i32) {
    %c0_i32 = arith.constant 0 : i32
    %c0_i32_0 = arith.constant 0 : i32
    return %arg0, %c0_i32 : i32, i32
  }
}

</mosaic_0001>

<sc_bundles>
// kernel: kernel.6.cloned.1.call-start
scs
__scs_entry_jumppad:
0x0: {  	(pc) =	sbr.rel $0x88, $3  }
0x1: {  	(tag) =	ssettag $0x0;
	lr =	simm.s32 $0x1  }
0x2: {  	[smem:$0x3F94] =	sst lr;
	_ =	strace $0xD0000000  }
0x3: {  	_ = 	snop  }
0x4: {  	_ = 	snop  }
0x5: {  	_ = 	snop  }
0x6: {  	_ = 	snop  }
0x7: {  	_ = 	snop  }
__scs_overlays_trampoline_lowered:
0x8: {  	[smem:$0x3FA3] =	sst s0  }
0x9: {  	[smem:$0x3FA4] =	sst s1  }
0xa: {  	[smem:$0x3FA5] =	sst s2  }
0xb: {  	[smem:$0x3FA6] =	sst s3  }
0xc: {  	[smem:$0x3FA7] =	sst s4  }
0xd: {  	[smem:$0x3FA8] =	sst s5  }
0xe: {  	[smem:$0x3FA9] =	sst s6  }
0xf: {  	[smem:$0x3FAA] =	sst s7  }
0x10: {  	[smem:$0x3FAB] =	sst s8  }
0x11: {  	[smem:$0x3FAC] =	sst s9;
	s0 =	simm.s32 @!p0 $0x0  }
0x12: {  	s1 =	sld [smem:$0x3F92];
	s0 =	simm.s32 @p0 $0x1  }
0x13: {  	[smem:$0x3FAD] =	sst s0;
	s0 =	simm.s32 @!p1 $0x0  }
0x14: {  	s2 =	sld [smem:$0x3F91];
	s0 =	simm.s32 @p1 $0x1  }
0x15: {  	[smem:$0x3FAE] =	sst s0;
	s0 =	simm.s32 @!p2 $0x0  }
0x16: {  	s3 =	sld [smem:$0x3FDB];
	s0 =	simm.s32 @p2 $0x1  }
0x17: {  	s4 =	simm.s32 $0x1BF5;
	[smem:$0x3FB0] =	sst s0  }
0x18: {  	s0 =	sld [smem:$0x3F93];
	_ =	swait.ge [sflag:s4], $0x0  }
0x19: {  	s7 =	sld [smem:$0x3F94]  }
0x1a: {  	s8 =	sadd.s32 $0xFFFFE003, lr  }
0x1b: {  	s9 =	sadd.s32 $0xFFFFFEF7, lr;
	s5 =	simm.s32 $0xFFFFFFFF;
	p2 =	slt.u32 s8, $0xFFFFF086  }
0x1c: {  	p1 =	slt.u32 s9, $0xF7A;
	s5 =	simm.s32 @!p2 $0x0  }
0x1d: {  	s5 =	simm.s32 @p1 $0x1;
	p0 =	seq.s32 s7, s2  }
0x1e: {  	s7 =	smul.u32 @!p0 $0xF7A, s2;
	p2 =	seq.s32 @!p0 s5, $0x0  }
0x1f: {  	s9 =	smul.u32 $0xF7A, s1;
	s8 =	simm.s32 @!p0 $0x1BF5;
	p2 =	por !p2, p0  }
0x20: {  	[sflag:s8] =	ssyncset.s32 @!p0 $0xFFFFF086;
	s6 =	sadd.s32 @!p0 s3, s7;
	s7 =	simm.s32 @!p0 $0x108  }
0x21: {  	s3 =	sadd.s32 s3, s9;
	s6 =	sadd.s32 @!p0 $0x88, s6;
	s7 =	simm.s32 @p2 $0x1082  }
0x22: {  	[simem:s7], [sflag:s8] =	dma.local @!p0 [hbm:s6], $0xF7A  }
0x23: {  	s9 =	sor.u32 $0xD0000000, s2;
	s6 =	simm.s32 $0x108;
	_ =	swait.ge @!p0 [sflag:s8], $0x0  }
0x24: {  	s3 =	sadd.s32 $0x88, s3;
	s6 =	simm.s32 @!p1 $0x1082;
	[sflag:s4] =	ssyncset.s32 $0xFFFFF086  }
0x25: {  	[simem:s6], [sflag:s4] =	dma.local [hbm:s3], $0xF7A  }
0x26: {  	[smem:$0x3F94] =	sst s1;
	(tag) =	ssettag s2;
	_ =	strace s9  }
0x27: {  	s1 =	sld [smem:$0x3FA4]  }
0x28: {  	s2 =	sld [smem:$0x3FA5]  }
0x29: {  	s4 =	sld [smem:$0x3FA7]  }
0x2a: {  	p0 =	seq.s32 s5, $0x0;
	s5 =	sld [smem:$0x3FA8]  }
0x2b: {  	s6 =	sld [smem:$0x3FA9]  }
0x2c: {  	s7 =	sld [smem:$0x3FAA]  }
0x2d: {  	s3 =	simm.s32 $0x108;
	s8 =	sld [smem:$0x3FAB]  }
0x2e: {  	s3 =	simm.s32 @!p0 $0x1082;
	s9 =	sld [smem:$0x3FAC]  }
0x2f: {  	lr =	sadd.s32 s0, s3;
	s0 =	sld [smem:$0x3FA3]  }
0x30: {  	s3 =	sld [smem:$0x3FA6]  }
0x31: {  	[smem:$0x3FAF] =	sst s10  }
0x32: {  	s10 =	sld [smem:$0x3FAD];
	_ =	sdelay $0x3  }
0x33: {  	p0 =	seq.s32 s10, $0x1;
	s10 =	sld [smem:$0x3FAF];
	_ =	sdelay $0x3  }
0x34: {  	[smem:$0x3FAF] =	sst s10  }
0x35: {  	s10 =	sld [smem:$0x3FAE];
	_ =	sdelay $0x3  }
0x36: {  	p1 =	seq.s32 s10, $0x1;
	s10 =	sld [smem:$0x3FAF];
	_ =	sdelay $0x3  }
0x37: {  	[smem:$0x3FAF] =	sst s10  }
0x38: {  	s10 =	sld [smem:$0x3FB0]  }
0x39: {  	_ = 	snop;
	(pc) =	sbr.ind lr, $3  }
0x3a: {  	_ = 	snop  }
0x3b: {  	_ = 	snop  }
0x3c: {  	p2 =	seq.s32 s10, $0x1;
	s10 =	sld [smem:$0x3FAF]  }
0x3d: {  	_ =	shalt  }
0x3e: {  	_ =	shalt  }
0x3f: {  	_ =	shalt  }
0x40: {  	_ =	shalt  }
0x41: {  	_ =	shalt  }
0x42: {  	_ =	shalt  }
0x43: {  	_ =	shalt  }
0x44: {  	_ =	shalt  }
0x45: {  	_ =	shalt  }
0x46: {  	_ =	shalt  }
0x47: {  	_ =	shalt  }
0x48: {  	_ =	shalt  }
0x49: {  	_ =	shalt  }
0x4a: {  	_ =	shalt  }
0x4b: {  	_ =	shalt  }
0x4c: {  	_ =	shalt  }
0x4d: {  	_ =	shalt  }
0x4e: {  	_ =	shalt  }
0x4f: {  	_ =	shalt  }
0x50: {  	_ =	shalt  }
0x51: {  	_ =	shalt  }
0x52: {  	_ =	shalt  }
0x53: {  	_ =	shalt  }
0x54: {  	_ =	shalt  }
0x55: {  	_ =	shalt  }
0x56: {  	_ =	shalt  }
0x57: {  	_ =	shalt  }
0x58: {  	_ =	shalt  }
0x59: {  	_ =	shalt  }
0x5a: {  	_ =	shalt  }
0x5b: {  	_ =	shalt  }
0x5c: {  	_ =	shalt  }
0x5d: {  	_ =	shalt  }
0x5e: {  	_ =	shalt  }
0x5f: {  	_ =	shalt  }
0x60: {  	_ =	shalt  }
0x61: {  	_ =	shalt  }
0x62: {  	_ =	shalt  }
0x63: {  	_ =	shalt  }
0x64: {  	_ =	shalt  }
0x65: {  	_ =	shalt  }
0x66: {  	_ =	shalt  }
0x67: {  	_ =	shalt  }
0x68: {  	_ =	shalt  }
0x69: {  	_ =	shalt  }
0x6a: {  	_ =	shalt  }
0x6b: {  	_ =	shalt  }
0x6c: {  	_ =	shalt  }
0x6d: {  	_ =	shalt  }
0x6e: {  	_ =	shalt  }
0x6f: {  	_ =	shalt  }
0x70: {  	_ =	shalt  }
0x71: {  	_ =	shalt  }
0x72: {  	_ =	shalt  }
0x73: {  	_ =	shalt  }
0x74: {  	_ =	shalt  }
0x75: {  	_ =	shalt  }
0x76: {  	_ =	shalt  }
0x77: {  	_ =	shalt  }
0x78: {  	_ =	shalt  }
0x79: {  	_ =	shalt  }
0x7a: {  	_ =	shalt  }
0x7b: {  	_ =	shalt  }
0x7c: {  	_ =	shalt  }
0x7d: {  	_ =	shalt  }
0x7e: {  	_ =	shalt  }
0x7f: {  	_ =	shalt  }
0x80: {  	_ =	shalt  }
0x81: {  	_ =	shalt  }
0x82: {  	_ =	shalt  }
0x83: {  	_ =	shalt  }
0x84: {  	_ =	shalt  }
0x85: {  	_ =	shalt  }
0x86: {  	_ =	shalt  }
0x87: {  	_ =	shalt  }
.Lfunc_end0:
.L_simem_size_0:
called_computation_lowered:
.L_overlay_start_0:
0x88: {  	s2 =	sld [smem:$0x3FD9]  }
0x89: {  	s3 =	sld [smem:$0x3FFE];
	_ =	sdelay $0x1  }
0x8a: {  	s1 =	srdreg.scid  }
0x8b: {  	s0 =	sand.u32 $0x1, s1  }
0x8c: {  	s17 =	sshll.u32 s0, $0xA;
	s2 =	sadd.s32 s3, s2  }
0x8d: {  	s2 =	sadd.s32 s2, s17  }
0x8e: {  	[smem:$0x3FBB] =	sst s2  }
0x8f: {  	_ = 	snop  }
0x90: {  	s2 =	sld [smem:$0x3FD0];
	(tm) =	ssettm $0x1  }
0x91: {  	s18 =	sld [smem:$0x3FFB];
	_ =	sdelay $0x3  }
0x92: {  	_ =	strace s18  }
0x93: {  	s3 =	sld [smem:$0x3FFC];
	_ =	sdelay $0x3  }
0x94: {  	_ =	strace s3  }
0x95: {  	s3 =	sld [smem:$0x3FFD];
	_ =	sdelay $0x3  }
0x96: {  	_ =	strace s3  }
0x97: {  	_ =	strace $0x8FFFFFFF  }
0x98: {  	s19 =	sld [smem:$0x3FDB];
	_ =	sdelay $0x1  }
0x99: {  	s4 =	simm.s32 $_scs_section_size  }
0x9a: {  	s5 =	simm.s32 $_size__tile_overlayer_lowered;
	s6 =	simm.s32 $_tile_overlayer_lowered  }
0x9b: {  	s22 =	simm.s32 $0x1BFF;
	s21 =	sshll.u32 s6, $0x1;
	s3 =	sadd.s32 s4, s19  }
0x9c: {  	s7 =	simm.s32 $0x0;
	s20 =	sshll.u32 s5, $0x1;
	s5 =	sadd.s32 s21, s3  }
0x9d: {  	[timem:s7], [sflag:s22] =	dma.local [hbm:s5], s20  }
0x9e: {  	_ =	swait.ge [sflag:s22], s20  }
0x9f: {  	s4 =	ssub.s32 $0x0, s20;
	[sflag:s22] =	ssyncset.done $0x0  }
0xa0: {  	[sflag:s22] =	ssyncadd.s32 s4;
	_ =	sdelay $0x1  }
0xa1: {  	s23 =	simm.s32 $0x1B8B  }
0xa2: {  	_ =	swait.ge [sflag:s23], $0x1  }
0xa3: {  	[sflag:s23] =	ssyncset.done $0x0  }
0xa4: {  	s25 =	simm.s32 $0x1B8E;
	s24 =	sld [smem:$0x3FFE];
	[sflag:s23] =	ssyncadd.s32 $0xFFFFFFFF  }
0xa5: {  	s26 =	simm.s32 $execute0_lowered;
	[smem:$0x3FD2] =	sst s25  }
0xa6: {  	s5 =	sshll.u32 s26, $0x1;
	_ =	strace $0x80000046;
	[dreg:$0x1] =	wrdreg $0xFFFFFFFF  }
0xa7: {  	s28 =	simm.s32 $_size_execute0_lowered;
	s3 =	sadd.s32 s3, s5;
	[dreg:$0x0] =	wrdreg $0x0  }
0xa8: {  	s5 =	sshll.u32 s28, $0x1;
	[dreg:$0x2] =	wrdreg s3  }
0xa9: {  	[dreg:$0x3] =	wrdreg s5  }
0xaa: {  	[dreg:$0x4] =	wrdreg $0xC0  }
0xab: {  	_ =	task [dreg:s7], $0x5FFFF  }
0xac: {  	[dreg:$0x1] =	wrdreg $0xFFFFFFFF  }
0xad: {  	[dreg:$0x0] =	wrdreg $0x60  }
0xae: {  	[dreg:$0x2] =	wrdreg s24  }
0xaf: {  	[dreg:$0x3] =	wrdreg s2  }
0xb0: {  	[dreg:$0x4] =	wrdreg $0x14BC00  }
0xb1: {  	[dreg:$0x5] =	wrdreg $0x9  }
0xb2: {  	_ =	task.clear_ibuf [dreg:s7], $0x6FFFF;
	_ =	strace $0x90000046  }
0xb3: {  	s29 =	simm.s32 $0x9;
	_ =	strace $0x80000048  }
0xb4: {  	_ =	swait.ge [sflag:s29], $0x1  }
0xb5: {  	[sflag:s29] =	ssyncadd.s32 $0xFFFFFFFF  }
0xb6: {  	_ =	strace $0x90000048  }
0xb7: {  	_ =	sfence  }
0xb8: {  	s30 =	sld [smem:$0x0];
	_ =	sdelay $0x2  }
0xb9: {  	s31 =	sshll.u32 s1, $0xD;
	s1 =	sshrl.u32 s1, $0x2  }
0xba: {  	s3 =	sand.u32 $0x4000, s31;
	s1 =	sadd.s32 s1, s30  }
0xbb: {  	s0 =	sor.u32 s3, s0;
	s1 =	sshll.u32 s1, $0x11  }
0xbc: {  	s0 =	sor.u32 s1, s0  }
0xbd: {  	s0 =	sadd.s32 $0x8F2B, s0  }
0xbe: {  	[sflag:s0] =	ssyncadd.remote.s32 $0x1  }
0xbf: {  	_ =	sfence.sel $0xFFFF  }
0xc0: {  	[dreg:$0x0] =	wrdreg $0xFFFFFFFF;
	(pc) =	sbr.abs _section_cstart, $3  }
0xc1: {  	[dreg:$0x1] =	wrdreg $0xFFFFFFFF  }
0xc2: {  	_ =	task.clear_ibuf [dreg:s7], $0x2FFFF;
	_ =	strace $0x9FFFFFFF  }
0xc3: {  	(tm) =	ssettm $0x7FFFFFFF  }
tec
execute0_lowered:
.L_overlay_start_1:
0x0: {  	(tag) =	ssettag $0x1  }
0x1: {  	s0 =	rddreg [dreg:$0x0];
	s1 =	stileid.u32  }
0x2: {  	s2 =	srdreg.scid;
	s19 =	rddreg [dreg:$0x2];
	s12 =	simm.s32 $0x68  }
0x3: {  	s21 =	simm.s32 $0x14140;
	s28 =	simm.s32 $0xDC00;
	s29 =	simm.s32 $0x11C00  }
0x4: {  	s30 =	simm.s32 $0xBC00;
	s31 =	simm.s32 $0xFC00;
	s3 =	smul.u32 $0x68, s1  }
0x5: {  	s2 =	sand.u32 $0x1, s2;
	s7 =	smul.u32 $0x38, s1;
	s5 =	sadd.s32 $0x3800, s0  }
0x6: {  	s6 =	sadd.s32 $0x52C00, s0;
	s8 =	sadd.s32 $0x2AC00, s0;
	s11 =	smul.u32 $0xA00, s1  }
0x7: {  	p0 =	seq.s32 s2, $0x0;
	s10 =	smul.u32 $0x500, s2;
	s2 =	ssub.s32 $0x2, s2  }
0x8: {  	s4 =	sadd.s32 $0x380, s3;
	s3 =	simm.s32 $0x0;
	s22 =	sshrl.u32 s2, $0x1  }
0x9: {  	s12 =	simm.s32 @!p0 $0x38;
	s24 =	sshrl.u32 s11, $0x2;
	s11 =	simm.s32 $0x4  }
0xa: {  	s7 =	smov.u32 @p0 s4;
	[smem:$0x7FF] =	sst s3;
	s2 =	ssub.s32 s2, s22  }
0xb: {  	s25 =	sshrl.u32 s12, $0x1;
	_ =	strace $0x80000047;
	[dreg:$0x4] =	wrdreg s8  }
0xc: {  	p0 =	sne.s32 s1, $0x0;
	s1 =	simm.s32 $0x12C00;
	[dreg:$0x5] =	wrdreg s12  }
0xd: {  	s4 =	sshll.u32 s7, $0x4;
	s8 =	sadd.s32 $0x18B400, s0;
	[dreg:$0xb] =	wrdreg s25  }
0xe: {  	s26 =	smax.u32 s2, $0x1;
	s9 =	sadd.s32 s4, s0;
	s4 =	sadd.s32 $0x17200, s0  }
0xf: {  	s0 =	sadd.s32 s10, s0;
	[dreg:$0xd] =	wrdreg s26;
	s13 =	sadd.s32 $0x34C00, s9  }
0x10: {  	s10 =	sshll.u32 s7, $0x7;
	s23 =	sadd.s32 $0x48C00, s9;
	[dreg:$0x6] =	wrdreg s13  }
0x11: {  	s7 =	sshll.u32 s7, $0x9;
	s9 =	sadd.s32 $0x3EC00, s9;
	[dreg:$0x7] =	wrdreg s23  }
0x12: {  	s25 =	simm.s32 $0x80;
	s7 =	sadd.s32 s6, s7;
	[dreg:$0x8] =	wrdreg s9  }
0x13: {  	s12 =	simm.s32 $0x13C80;
	s0 =	sadd.s32 $0x195400, s0;
	[dreg:$0xa] =	wrdreg s7  }
0x14: {  	s26 =	simm.s32 $0x9C00;
	s9 =	sadd.s32 s24, s19;
	[dreg:$0xc] =	wrdreg s0  }
0x15: {  	v2 =	vlaneseq.u32;
	s23 =	simm.s32 $0x6800;
	s0 =	simm.s32 $0x1;
	s24 =	simm.s32 $0x13C00  }
0x16: {  	v0 =	vimm.f32 $0.0e+00;
	v1 =	vand.u32 $0x7, v2;
	v2 =	vor.u32 $0xFFFFFFF8, v2;
	s7 =	simm.s32 $0x2;
	s13 =	simm.s32 $0x0;
	[dreg:$0x9] =	wrdreg s9  }
.LBB2_1:
0x17: {  	[dreg:$0xe] =	wrdreg s13  }
0x18: {  	s2 =	rddreg [dreg:$0x1];
	s9 =	simm.s32 $0x13D00;
	s13 =	simm.s32 $0x9  }
0x19: {  	[tilespmem:s9], [sflag:$0x9] =	stream.linear.gather [hbm4b:s2+s3], $0x440, $0x38;
	[tilespmem:$0x14E40] =	vst v63  }
0x1a: {  	_ =	swait.ge [sflag:s13], $0x440  }
0x1b: {  	[sflag:s13] =	ssyncset.done $0x0  }
0x1c: {  	s14 =	rddreg [dreg:$0x4];
	[sflag:s13] =	ssyncadd.s32 $0xFFFFFBC0  }
0x1d: {  	[tilespmem:s21], [sflag:$0x9] =	stream.linear.gather [hbm4b:s14+s3], $0x800, $0x38;
	[tilespmem:$0x14E40] =	vst v63  }
0x1e: {  	_ =	swait.ge [sflag:s13], $0x800  }
0x1f: {  	[sflag:s13] =	ssyncset.done $0x0  }
0x20: {  	s15 =	rddreg [dreg:$0x6];
	[sflag:s13] =	ssyncadd.s32 $0xFFFFF800  }
0x21: {  	[tilespmem:s3], [sflag:$0x9] =	stream.linear.gather [hbm4b:s15+s3], $0x3400, $0x38;
	[tilespmem:$0x14E40] =	vst v63  }
0x22: {  	_ =	swait.ge [sflag:s13], $0x3400  }
0x23: {  	[sflag:s13] =	ssyncset.done $0x0  }
0x24: {  	s17 =	simm.s32 $0x3400;
	s16 =	rddreg [dreg:$0x7];
	[sflag:s13] =	ssyncadd.s32 $0xFFFFCC00  }
0x25: {  	[tilespmem:s17], [sflag:$0x9] =	stream.linear.gather [hbm4b:s16+s3], $0x3400, $0x38;
	[tilespmem:$0x14E40] =	vst v63  }
0x26: {  	_ =	swait.ge [sflag:s13], $0x3400  }
0x27: {  	[sflag:s13] =	ssyncset.done $0x0  }
0x28: {  	s18 =	rddreg [dreg:$0x8];
	[sflag:s13] =	ssyncadd.s32 $0xFFFFCC00  }
0x29: {  	[tilespmem:s23], [sflag:$0x9] =	stream.linear.gather [hbm4b:s18+s3], $0x3400, $0x38;
	[tilespmem:$0x14E40] =	vst v63  }
0x2a: {  	_ =	swait.ge [sflag:s13], $0x3400  }
0x2b: {  	[sflag:s13] =	ssyncset.done $0x0  }
0x2c: {  	[sflag:s13] =	ssyncadd.s32 $0xFFFFCC00  }
0x2d: {  	[tilespmem:$0x14940] =	vst v0  }
0x2e: {  	[tilespmem:$0x14950] =	vst v0  }
0x2f: {  	[tilespmem:$0x14960] =	vst v0  }
0x30: {  	[tilespmem:$0x14970] =	vst v0  }
0x31: {  	[tilespmem:$0x14980] =	vst v0  }
0x32: {  	[tilespmem:$0x14990] =	vst v0  }
0x33: {  	[tilespmem:$0x149A0] =	vst v0  }
0x34: {  	[tilespmem:$0x149B0] =	vst v0  }
0x35: {  	[tilespmem:$0x149C0] =	vst v0  }
0x36: {  	[tilespmem:$0x149D0] =	vst v0  }
0x37: {  	[tilespmem:$0x149E0] =	vst v0  }
0x38: {  	[tilespmem:$0x149F0] =	vst v0  }
0x39: {  	[tilespmem:$0x14A00] =	vst v0  }
0x3a: {  	[tilespmem:$0x14A10] =	vst v0  }
0x3b: {  	[tilespmem:$0x14A20] =	vst v0  }
0x3c: {  	[tilespmem:$0x14A30] =	vst v0  }
0x3d: {  	[tilespmem:$0x14A40] =	vst v0  }
0x3e: {  	[tilespmem:$0x14A50] =	vst v0  }
0x3f: {  	[tilespmem:$0x14A60] =	vst v0  }
0x40: {  	[tilespmem:$0x14A70] =	vst v0  }
0x41: {  	[tilespmem:$0x14A80] =	vst v0  }
0x42: {  	[tilespmem:$0x14A90] =	vst v0  }
0x43: {  	[tilespmem:$0x14AA0] =	vst v0  }
0x44: {  	[tilespmem:$0x14AB0] =	vst v0  }
0x45: {  	[tilespmem:$0x14AC0] =	vst v0  }
0x46: {  	[tilespmem:$0x14AD0] =	vst v0  }
0x47: {  	[tilespmem:$0x14AE0] =	vst v0  }
0x48: {  	[tilespmem:$0x14AF0] =	vst v0  }
0x49: {  	[tilespmem:$0x14B00] =	vst v0  }
0x4a: {  	[tilespmem:$0x14B10] =	vst v0  }
0x4b: {  	[tilespmem:$0x14B20] =	vst v0  }
0x4c: {  	[tilespmem:$0x14B30] =	vst v0  }
0x4d: {  	[tilespmem:$0x14B40] =	vst v0  }
0x4e: {  	[tilespmem:$0x14B50] =	vst v0  }
0x4f: {  	[tilespmem:$0x14B60] =	vst v0  }
0x50: {  	[tilespmem:$0x14B70] =	vst v0  }
0x51: {  	[tilespmem:$0x14B80] =	vst v0  }
0x52: {  	[tilespmem:$0x14B90] =	vst v0  }
0x53: {  	[tilespmem:$0x14BA0] =	vst v0  }
0x54: {  	s14 =	simm.s32 $0x14940;
	s20 =	rddreg [dreg:$0x9];
	[tilespmem:$0x14BB0] =	vst v0  }
0x55: {  	[spmem:s20] =	stream.linear.scatter [tilespmem:s14], [sflag:$0x9], $0x280, $0x38;
	[tilespmem:$0x14E40] =	vst v63  }
0x56: {  	_ =	swait.ge [sflag:s13], $0x280  }
0x57: {  	[sflag:s13] =	ssyncset.done $0x0  }
0x58: {  	[sflag:s13] =	ssyncadd.s32 $0xFFFFFD80  }
0x59: {  	[bflag:$0x0] =	sbarrier.arrive $0xFFFF  }
0x5a: {  	v3 =	vld [tilespmem:$0x14100]  }
0x5b: {  	v4 =	vld [tilespmem:$0x14110];
	[tilespmem:s26], [sflag:$0x1] =	stream.indirect.gather [hbm4b:s4+s25], $0x40, s3, s25, $0xb8  }
0x5c: {  	_ = 	snop  }
0x5d: {  	[tilespmem:s28], [sflag:$0x1] =	stream.indirect.gather [hbm4b:s5+s25], $0x40, s17, s25, $0xb8;
	[tilespmem:$0x14E40] =	vst v63  }
0x5e: {  	s18 =	simm.s32 $0x0;
	s22 =	rddreg [dreg:$0xa]  }
0x5f: {  	[tilespmem:s29], [sflag:$0x3] =	stream.linear.gather [hbm4b:s22+s3], $0x1000, $0x38;
	[tilespmem:$0x14E40] =	vst v63  }
.LBB2_2:
0x60: {  	s2 =	sshll.u32 s18, $0x8  }
0x61: {  	s14 =	sor.u32 $0x80, s2  }
0x62: {  	[tilespmem:s30], [sflag:$0x2] =	stream.indirect.gather [hbm4b:s4+s25], $0x40, s14, s25, $0xb8;
	[tilespmem:$0x14E40] =	vst v63  }
0x63: {  	s13 =	sadd.s32 s10, s14  }
0x64: {  	s22 =	sadd.s32 $0x3480, s2;
	p1 =	slt.s32 s13, $0x4E180;
	s9 =	smov.u32 s13  }
0x65: {  	[tilespmem:s31], [sflag:$0x2] =	stream.indirect.gather [hbm4b:s5+s25], $0x40, s22, s25, $0xb8;
	[tilespmem:$0x14E40] =	vst v63  }
0x66: {  	s9 =	simm.s32 @!p1 $0x4E180  }
0x67: {  	s9 =	sshll.u32 s9, $0x2  }
0x68: {  	s9 =	sand.u32 $0x1FFFFE00, s9  }
0x69: {  	s9 =	sadd.s32 s6, s9  }
0x6a: {  	[tilespmem:s1], [sflag:$0x4] =	stream.linear.gather [hbm4b:s9+s3], $0x1000, $0x38;
	[tilespmem:$0x14E40] =	vst v63  }
0x6b: {  	_ =	swait.ge [sflag:s0], $0x2000  }
0x6c: {  	[sflag:s0] =	ssyncset.done $0x0  }
0x6d: {  	[sflag:s0] =	ssyncadd.s32 $0xFFFFE000  }
0x6e: {  	_ =	swait.ge [sflag:s0], $0x2000  }
0x6f: {  	[sflag:s0] =	ssyncset.done $0x0  }
0x70: {  	s20 =	simm.s32 $0x3;
	[sflag:s0] =	ssyncadd.s32 $0xFFFFE000  }
0x71: {  	_ =	swait.ge [sflag:s20], $0x1000  }
0x72: {  	p1 =	seq.s32 s18, $0x0;
	[sflag:s20] =	ssyncset.done $0x0  }
0x73: {  	s9 =	simm.s32 @!p1 $0x5;
	[sflag:s20] =	ssyncadd.s32 $0xFFFFF000  }
0x74: {  	_ =	swait.ge @!p1 [sflag:s9], $0x80  }
0x75: {  	[sflag:s9] =	ssyncset.done @!p1 $0x0  }
0x76: {  	[sflag:s9] =	ssyncadd.s32 @!p1 $0xFFFFFF80;
	s9 =	simm.s32 @!p1 $0x7  }
0x77: {  	_ =	swait.ge @!p1 [sflag:s9], $0x80  }
0x78: {  	s15 =	sshll.u32 s18, $0x1;
	[sflag:s9] =	ssyncset.done @!p1 $0x0  }
0x79: {  	s17 =	sadd.s32 s10, s2;
	v5 =	vor.u32 s2, v1;
	s20 =	simm.s32 $0x0;
	[sflag:s9] =	ssyncadd.s32 @!p1 $0xFFFFFF80  }
.LBB2_3:
0x7a: {  	s2 =	sshll.u32 s20, $0x4;
	v18 =	vlaneseq.u32  }
0x7b: {  	s16 =	sshll.u32 s20, $0x2;
	v6 =	vor.u32 s2, v18  }
0x7c: {  	v8 =	vshrl.u32 v18, $0x2;
	v9 =	vmov s16;
	v7 =	vand.u32 $0x78, v6  }
0x7d: {  	v11 =	vand.u32 $0x3, v18;
	v8 =	vmul.u32 $0x80, v8;
	v7 =	vor.u32 v7, v5  }
0x7e: {  	v9 =	vshll.u32 v9, $0x7;
	v11 =	vmul.u32 $0x20, v11  }
0x7f: {  	v8 =	vor.u32 v8, v9  }
0x80: {  	v17 =	vadd.s32 $0x1, v18;
	v8 =	vor.u32 v11, v8  }
0x81: {  	v22 =	vand.u32 $0x1F, v17;
	v13 =	vor.u32 v18, v8  }
0x82: {  	s2 =	simm.s32 $0x20;
	v24 =	vor.u32 v22, v8;
	v10 =	vld.idx.msk [tilespmem:v7+s23+$0x0], $0xffff;
	v7 =	vshll.u32 v6, $0x6  }
0x83: {  	v20 =	vld [tilespmem:s2+$0x13CF0];
	v12 =	vor.u32 v7, v18  }
0x84: {  	v19 =	vld [tilespmem:s2+$0x13EE0];
	v11 =	vadd.s32 $0x2, v18;
	v9 =	vor.u32 $0x20, v7  }
0x85: {  	v23 =	vld [tilespmem:s2+$0x13CE0];
	v14 =	vor.u32 v11, v9  }
0x86: {  	v16 =	vor.u32 v18, v9;
	v13 =	vld.idx.msk [tilespmem:v13+s29+$0x0], $0xffff  }
0x87: {  	v24 =	vld.idx.msk [tilespmem:v24+s29+$0x0], $0xffff  }
0x88: {  	v21 =	vld.idx.msk [tilespmem:v12+s26+$0x0], $0xffff  }
0x89: {  	v17 =	vor.u32 v17, v9;
	v12 =	vld.idx.msk [tilespmem:v12+s28+$0x0], $0xffff  }
0x8a: {  	v11 =	vand.u32 $0x1F, v11;
	v26 =	vld.idx.msk [tilespmem:v14+s28+$0x0], $0xffff  }
0x8b: {  	v27 =	vor.u32 v7, v11;
	v10 =	vshll.u32 v10, $0x5;
	v28 =	vld.idx.msk [tilespmem:v16+s26+$0x0], $0xffff  }
0x8c: {  	v15 =	vor.u32 v10, v18;
	v14 =	vld.idx.msk [tilespmem:v14+s26+$0x0], $0xffff  }
0x8d: {  	v25 =	vor.u32 v10, v22;
	v22 =	vor.u32 v7, v22;
	v16 =	vld.idx.msk [tilespmem:v16+s28+$0x0], $0xffff  }
0x8e: {  	v35 =	vld.idx.msk [tilespmem:v17+s28+$0x0], $0xffff  }
0x8f: {  	v30 =	vadd.s32 $0x3, v18;
	v17 =	vld.idx.msk [tilespmem:v17+s26+$0x0], $0xffff  }
0x90: {  	v31 =	vand.u32 $0x1F, v30;
	v29 =	vld.idx.msk [tilespmem:v27+s26+$0x0], $0xffff  }
0x91: {  	v33 =	vor.u32 v7, v31;
	v15 =	vld.idx.msk [tilespmem:v15+s21+$0x0], $0xffff  }
0x92: {  	v32 =	vld.idx.msk [tilespmem:v22+s28+$0x0], $0xffff  }
0x93: {  	v34 =	vor.u32 v10, v31;
	v22 =	vld.idx.msk [tilespmem:v22+s26+$0x0], $0xffff  }
0x94: {  	v30 =	vor.u32 v30, v9;
	v27 =	vld.idx.msk [tilespmem:v27+s28+$0x0], $0xffff  }
0x95: {  	v37 =	vor.u32 v11, v8;
	v25 =	vld.idx.msk [tilespmem:v25+s21+$0x0], $0xffff;
	v12 =	vadd.f32 v12, v21  }
0x96: {  	v36 =	vor.u32 v10, v11;
	v38 =	vld.idx.msk [tilespmem:v33+s28+$0x0], $0xffff  }
0x97: {  	v33 =	vld.idx.msk [tilespmem:v33+s26+$0x0], $0xffff;
	v21 =	vadd.f32 v15, v12  }
0x98: {  	v22 =	vadd.f32 v32, v22;
	v15 =	vld.idx.msk [tilespmem:v34+s21+$0x0], $0xffff;
	v12 =	vadd.f32 v26, v14  }
0x99: {  	v26 =	vadd.f32 v16, v28;
	v14 =	vld.idx.msk [tilespmem:v30+s26+$0x0], $0xffff;
	v16 =	vadd.f32 v27, v29  }
0x9a: {  	v11 =	vimm.f32 $0.0e+00;
	v28 =	vadd.f32 v35, v17;
	v17 =	vld.idx.msk [tilespmem:v37+s29+$0x0], $0xffff;
	v25 =	vadd.f32 v25, v22  }
0x9b: {  	v27 =	vmax.f32 v21, $0.0e+00;
	v22 =	vld.idx.msk [tilespmem:v36+s21+$0x0], $0xffff;
	v21 =	vor.u32 v31, v8;
	v26 =	vadd.f32 v13, v26  }
0x9c: {  	v13 =	vld [tilespmem:s2+$0x13F10];
	v23 =	vmul.f32 v27, v23;
	v27 =	vadd.s32 $0x4, v18;
	v29 =	vmax.f32 v25, $0.0e+00  }
0x9d: {  	v18 =	vld [tilespmem:s2+$0x13EF0];
	v63 =	vmax.f32 v26, $0.0e+00;
	v26 =	vadd.f32 v24, v28;
	v25 =	vadd.f32 v38, v33  }
0x9e: {  	s9 =	simm.s32 $0x180;
	v19 =	vmul.f32 v63, v19;
	v23 =	vadd.f32 v23, v11;
	v24 =	vmul.f32 v29, v20;
	v20 =	vld.idx.msk [tilespmem:v30+s28+$0x0], $0xffff  }
.LBB2_4:
0x9f: {  	p2 =	sne.s32 s9, $0x780;
	v26 =	vmax.f32 v26, $0.0e+00;
	v28 =	vld [tilespmem:s2+$0x13D10];
	v27 =	vand.u32 $0x1F, v27;
	s16 =	smov.u32 s9;
	s9 =	sadd.s32 $0x100, s9  }
0xa0: {  	v29 =	vor.u32 v7, v27;
	v30 =	vor.u32 v27, v9;
	v31 =	vadd.s32 $0x2, v27;
	v21 =	vld.idx.msk [tilespmem:v21+s29+$0x0], $0xffff  }
0xa1: {  	v32 =	vor.u32 v27, v8;
	v33 =	vadd.s32 $0x1, v27;
	v34 =	vand.u32 $0x1F, v31;
	v35 =	vld [tilespmem:s2+$0x13F00]  }
0xa2: {  	v16 =	vadd.f32 v22, v16;
	v36 =	vor.u32 v10, v27;
	v37 =	vand.u32 $0x1F, v33;
	v38 =	vld [tilespmem:s2+$0x13D00];
	s2 =	sshra.s32 s16, $0x2  }
0xa3: {  	v12 =	vadd.f32 v17, v12;
	v22 =	vor.u32 v7, v37;
	v40 =	vor.u32 v10, v37;
	v39 =	vld [tilespmem:s2+$0x13CF0]  }
0xa4: {  	v31 =	vor.u32 v31, v9;
	v17 =	vor.u32 v37, v8;
	v37 =	vor.u32 v7, v34;
	v41 =	vld [tilespmem:s2+$0x13EE0]  }
0xa5: {  	v15 =	vadd.f32 v15, v25;
	v33 =	vor.u32 v33, v9;
	v18 =	vmul.f32 v26, v18;
	v42 =	vld [tilespmem:s2+$0x13CE0]  }
0xa6: {  	v11 =	vadd.f32 v19, v11;
	v16 =	vmax.f32 v16, $0.0e+00;
	v14 =	vadd.f32 v20, v14;
	v25 =	vld.idx.msk [tilespmem:v29+s26+$0x0], $0xffff  }
0xa7: {  	v15 =	vmax.f32 v15, $0.0e+00;
	v20 =	vadd.f32 v24, v23;
	v19 =	vld.idx.msk [tilespmem:v29+s28+$0x0], $0xffff;
	v16 =	vmul.f32 v16, v38  }
0xa8: {  	v12 =	vmax.f32 v12, $0.0e+00;
	v11 =	vadd.f32 v18, v11;
	v14 =	vadd.f32 v21, v14;
	v23 =	vld.idx.msk [tilespmem:v32+s29+$0x0], $0xffff  }
0xa9: {  	v15 =	vmul.f32 v15, v28;
	v12 =	vmul.f32 v12, v35;
	v18 =	vld.idx.msk [tilespmem:v31+s28+$0x0], $0xffff;
	v16 =	vadd.f32 v16, v20  }
0xaa: {  	v14 =	vmax.f32 v14, $0.0e+00;
	v20 =	vld.idx.msk [tilespmem:v36+s21+$0x0], $0xffff  }
0xab: {  	v11 =	vadd.f32 v12, v11;
	v12 =	vmul.f32 v14, v13;
	v21 =	vld.idx.msk [tilespmem:v30+s26+$0x0], $0xffff;
	v24 =	vadd.f32 v15, v16  }
0xac: {  	v13 =	vld.idx.msk [tilespmem:v31+s26+$0x0], $0xffff  }
0xad: {  	v11 =	vadd.f32 v12, v11;
	v26 =	vld.idx.msk [tilespmem:v17+s29+$0x0], $0xffff  }
0xae: {  	v17 =	vld.idx.msk [tilespmem:v40+s21+$0x0], $0xffff  }
0xaf: {  	v15 =	vadd.s32 $0x3, v27;
	v14 =	vld.idx.msk [tilespmem:v37+s26+$0x0], $0xffff  }
0xb0: {  	v28 =	vand.u32 $0x1F, v15;
	v16 =	vld.idx.msk [tilespmem:v37+s28+$0x0], $0xffff  }
0xb1: {  	v31 =	vor.u32 v7, v28;
	v29 =	vld.idx.msk [tilespmem:v22+s28+$0x0], $0xffff  }
0xb2: {  	v12 =	vadd.f32 v18, v13;
	v22 =	vld.idx.msk [tilespmem:v22+s26+$0x0], $0xffff  }
0xb3: {  	v18 =	vor.u32 v10, v28;
	v13 =	vld.idx.msk [tilespmem:v30+s28+$0x0], $0xffff  }
0xb4: {  	v32 =	vor.u32 v15, v9;
	v30 =	vld.idx.msk [tilespmem:v33+s28+$0x0], $0xffff  }
0xb5: {  	v35 =	vor.u32 v10, v34;
	v33 =	vld.idx.msk [tilespmem:v33+s26+$0x0], $0xffff  }
0xb6: {  	v15 =	vadd.f32 v19, v25;
	v19 =	vor.u32 v34, v8;
	v16 =	vadd.f32 v16, v14;
	v25 =	vld.idx.msk [tilespmem:v31+s28+$0x0], $0xffff  }
0xb7: {  	v31 =	vld.idx.msk [tilespmem:v31+s26+$0x0], $0xffff  }
0xb8: {  	v20 =	vadd.f32 v20, v15;
	v22 =	vadd.f32 v29, v22;
	v15 =	vld.idx.msk [tilespmem:v18+s21+$0x0], $0xffff  }
0xb9: {  	v13 =	vadd.f32 v13, v21;
	v14 =	vld.idx.msk [tilespmem:v32+s26+$0x0], $0xffff  }
.Ltmp0:
0xba: {  	v18 =	vmax.f32 v20, $0.0e+00;
	v21 =	vor.u32 v28, v8;
	v20 =	vadd.f32 v17, v22;
	v22 =	vld.idx.msk [tilespmem:v35+s21+$0x0], $0xffff;
	(pc) =	sbr.rel @p2 .LBB2_4-.Ltmp0, $4  }
0xbb: {  	v28 =	vmul.f32 v18, v42;
	v18 =	vadd.f32 v23, v13;
	v23 =	vadd.f32 v30, v33;
	v17 =	vld.idx.msk [tilespmem:v19+s29+$0x0], $0xffff  }
0xbc: {  	v27 =	vadd.s32 $0x4, v27;
	v20 =	vmax.f32 v20, $0.0e+00;
	v13 =	vld [tilespmem:s2+$0x13F10]  }
0xbd: {  	v19 =	vmax.f32 v18, $0.0e+00;
	v26 =	vadd.f32 v26, v23;
	v25 =	vadd.f32 v25, v31;
	v18 =	vld [tilespmem:s2+$0x13EF0]  }
0xbe: {  	v23 =	vadd.f32 v28, v24;
	v24 =	vmul.f32 v20, v39;
	v19 =	vmul.f32 v19, v41;
	v20 =	vld.idx.msk [tilespmem:v32+s28+$0x0], $0xffff  }
0xbf: {  	v7 =	vld [tilespmem:s2+$0x13D00];
	_ =	sdelay $0x1  }
0xc0: {  	v8 =	vld [tilespmem:s2+$0x13D10];
	v9 =	vadd.f32 v22, v16;
	_ =	sdelay $0x1  }
0xc1: {  	v10 =	vadd.f32 v15, v25;
	v9 =	vmax.f32 v9, $0.0e+00  }
0xc2: {  	v57 =	vadd.f32 v24, v23;
	v7 =	vmul.f32 v9, v7  }
0xc3: {  	v58 =	vmax.f32 v10, $0.0e+00  }
0xc4: {  	v8 =	vmul.f32 v58, v8;
	v7 =	vadd.f32 v7, v57;
	_ =	sdelay $0x1  }
0xc5: {  	v7 =	vadd.f32 v8, v7;
	_ =	sdelay $0x1  }
0xc6: {  	v7 =	vadd.f32 v7, v3;
	_ =	sdelay $0x1  }
0xc7: {  	v7 =	vsub.f32 $0.0e+00, v7;
	_ =	sdelay $0x1  }
0xc8: {  	v7 =	vmul.f32 $1.442695020e+00, v7;
	_ =	sdelay $0x1  }
0xc9: {  	(erf) = vpow2.f32 v7;
	_ =	sdelay $0x7  }
0xca: {  	v7 =	vld.idx.msk [tilespmem:v21+s29+$0x0], $0xffff  }
0xcb: {  	v59 =	vld [tilespmem:s2+$0x13F00];
	v60 =	vpop (erf)  }
0xcc: {  	v9 =	vadd.f32 $1.000000000e+00, v60  }
0xcd: {  	v61 =	vmax.f32 v26, $0.0e+00;
	v12 =	vadd.f32 v17, v12;
	v14 =	vadd.f32 v20, v14  }
0xce: {  	v11 =	vadd.f32 v19, v11;
	v10 =	vmul.f32 v61, v18;
	(erf) = vrcp.f32 v9  }
0xcf: {  	v62 =	vmax.f32 v12, $0.0e+00;
	v7 =	vadd.f32 v7, v14  }
0xd0: {  	v10 =	vadd.f32 v10, v11;
	v8 =	vmul.f32 v62, v59  }
0xd1: {  	v7 =	vmax.f32 v7, $0.0e+00  }
0xd2: {  	v8 =	vadd.f32 v8, v10;
	v7 =	vmul.f32 v7, v13;
	_ =	sdelay $0x1  }
0xd3: {  	v7 =	vadd.f32 v7, v8;
	_ =	sdelay $0x1  }
0xd4: {  	v7 =	vadd.f32 v7, v4  }
0xd5: {  	v63 =	vpop (erf)  }
0xd6: {  	v7 =	vmul.f32 v63, v7;
	_ =	sdelay $0x1  }
0xd7: {  	v7 =	vmul.f32 $1.442695020e+00, v7;
	_ =	sdelay $0x1  }
0xd8: {  	(erf) = vpow2.f32 v7;
	_ =	sdelay $0x3  }
0xd9: {  	s20 =	sadd.s32 $0x1, s20  }
0xda: {  	v6 =	vand.u32 v2, v6;
	p2 =	sne.s32 s20, $0x8  }
.Ltmp1:
0xdb: {  	_ = 	snop;
	(pc) =	sbr.rel @p2 .LBB2_3-.Ltmp1, $3  }
0xdc: {  	_ =	sdelay $0x1  }
0xdd: {  	v7 =	vpop (erf)  }
0xde: {  	[tilespmem:v6+s24+$0x0] =	vst.idx.msk $0xffff, v7  }
0xdf: {  	s2 =	sshrl.u32 s17, $0x3  }
0xe0: {  	s20 =	sshll.u32 s18, $0xA;
	s2 =	sadd.s32 s8, s2  }
0xe1: {  	[hbm4b:s2+s3] =	stream.linear.scatter [tilespmem:s24], [sflag:$0x5], $0x80, $0x38;
	[tilespmem:$0x14E40] =	vst v63  }
0xe2: {  	s2 =	sshra.s32 s20, $0x2  }
0xe3: {  	s2 =	sadd.s32 $0x3400, s2  }
0xe4: {  	[spmem:s19] =	stream.indirect.scatter.add.f32 [tilespmem:s24], [sflag:$0x7], $0x1, s2, s25, $0xb8;
	[tilespmem:$0x14E40] =	vst v63  }
0xe5: {  	s9 =	rddreg [dreg:$0x5];
	s2 =	sadd.s32 $0x2, s15  }
0xe6: {  	p2 =	sge.u32 s2, s9  }
0xe7: {  	s2 =	sshll.u32 @!p2 s2, $0x7;
	s9 =	simm.s32 @!p2 $0x80;
	s15 =	simm.s32 @!p2 $0x9C00  }
0xe8: {  	[tilespmem:s15], [sflag:$0x1] =	stream.indirect.gather @!p2 [hbm4b:s4+s9], $0x40, s2, s9, $0xb8;
	[tilespmem:$0x14E40] =	vst v63  }
0xe9: {  	s15 =	sadd.s32 @!p2 $0x3400, s2;
	s2 =	sadd.s32 @!p2 s10, s2  }
0xea: {  	s16 =	simm.s32 @!p2 $0xDC00;
	s2 =	smin.u32 @!p2 s2, $0x4E180  }
0xeb: {  	[tilespmem:s16], [sflag:$0x1] =	stream.indirect.gather @!p2 [hbm4b:s5+s9], $0x40, s15, s9, $0xb8;
	[tilespmem:$0x14E40] =	vst v63  }
0xec: {  	s2 =	sshll.u32 @!p2 s2, $0x2  }
0xed: {  	s9 =	simm.s32 @!p2 $0x0;
	s15 =	simm.s32 @!p2 $0x11C00;
	s2 =	sadd.s32 @!p2 s6, s2  }
0xee: {  	[tilespmem:s15], [sflag:$0x3] =	stream.linear.gather @!p2 [hbm4b:s2+s9], $0x1000, $0x38;
	[tilespmem:$0x14E40] =	vst v63  }
0xef: {  	_ =	swait.ge [sflag:s7], $0x2000  }
0xf0: {  	[sflag:s7] =	ssyncset.done $0x0  }
0xf1: {  	[sflag:s7] =	ssyncadd.s32 $0xFFFFE000  }
0xf2: {  	_ =	swait.ge [sflag:s7], $0x2000  }
0xf3: {  	[sflag:s7] =	ssyncset.done $0x0  }
0xf4: {  	[sflag:s7] =	ssyncadd.s32 $0xFFFFE000  }
0xf5: {  	_ =	swait.ge [sflag:s11], $0x1000  }
0xf6: {  	[sflag:s11] =	ssyncset.done $0x0  }
0xf7: {  	s2 =	simm.s32 @!p1 $0x6;
	[sflag:s11] =	ssyncadd.s32 $0xFFFFF000  }
0xf8: {  	_ =	swait.ge @!p1 [sflag:s2], $0x80  }
0xf9: {  	[sflag:s2] =	ssyncset.done @!p1 $0x0  }
0xfa: {  	[sflag:s2] =	ssyncadd.s32 @!p1 $0xFFFFFF80;
	s2 =	simm.s32 @!p1 $0x8  }
0xfb: {  	_ =	swait.ge @!p1 [sflag:s2], $0x80  }
0xfc: {  	[sflag:s2] =	ssyncset.done @!p1 $0x0  }
0xfd: {  	v5 =	vor.u32 s14, v1;
	s14 =	simm.s32 $0x0;
	[sflag:s2] =	ssyncadd.s32 @!p1 $0xFFFFFF80  }
.LBB2_7:
0xfe: {  	s2 =	sshll.u32 s14, $0x4;
	v18 =	vlaneseq.u32  }
0xff: {  	s20 =	sshll.u32 s14, $0x2;
	v6 =	vor.u32 s2, v18  }
0x100: {  	v8 =	vshrl.u32 v18, $0x2;
	v9 =	vmov s20;
	v7 =	vand.u32 $0x78, v6  }
0x101: {  	v11 =	vand.u32 $0x3, v18;
	v8 =	vmul.u32 $0x80, v8;
	v7 =	vor.u32 v7, v5  }
0x102: {  	v9 =	vshll.u32 v9, $0x7;
	v11 =	vmul.u32 $0x20, v11  }
0x103: {  	v8 =	vor.u32 v8, v9  }
0x104: {  	v17 =	vadd.s32 $0x1, v18;
	v8 =	vor.u32 v11, v8  }
0x105: {  	v22 =	vand.u32 $0x1F, v17;
	v13 =	vor.u32 v18, v8  }
0x106: {  	s2 =	simm.s32 $0x20;
	v24 =	vor.u32 v22, v8;
	v10 =	vld.idx.msk [tilespmem:v7+s23+$0x0], $0xffff;
	v7 =	vshll.u32 v6, $0x6  }
0x107: {  	v20 =	vld [tilespmem:s2+$0x13CF0];
	v12 =	vor.u32 v7, v18  }
0x108: {  	v19 =	vld [tilespmem:s2+$0x13EE0];
	v11 =	vadd.s32 $0x2, v18;
	v9 =	vor.u32 $0x20, v7  }
0x109: {  	v23 =	vld [tilespmem:s2+$0x13CE0];
	v14 =	vor.u32 v11, v9  }
0x10a: {  	v16 =	vor.u32 v18, v9;
	v13 =	vld.idx.msk [tilespmem:v13+s1+$0x0], $0xffff  }
0x10b: {  	v24 =	vld.idx.msk [tilespmem:v24+s1+$0x0], $0xffff  }
0x10c: {  	v21 =	vld.idx.msk [tilespmem:v12+s30+$0x0], $0xffff  }
0x10d: {  	v17 =	vor.u32 v17, v9;
	v12 =	vld.idx.msk [tilespmem:v12+s31+$0x0], $0xffff  }
0x10e: {  	v11 =	vand.u32 $0x1F, v11;
	v26 =	vld.idx.msk [tilespmem:v14+s31+$0x0], $0xffff  }
0x10f: {  	v27 =	vor.u32 v7, v11;
	v10 =	vshll.u32 v10, $0x5;
	v28 =	vld.idx.msk [tilespmem:v16+s30+$0x0], $0xffff  }
0x110: {  	v15 =	vor.u32 v10, v18;
	v14 =	vld.idx.msk [tilespmem:v14+s30+$0x0], $0xffff  }
0x111: {  	v25 =	vor.u32 v10, v22;
	v22 =	vor.u32 v7, v22;
	v16 =	vld.idx.msk [tilespmem:v16+s31+$0x0], $0xffff  }
0x112: {  	v35 =	vld.idx.msk [tilespmem:v17+s31+$0x0], $0xffff  }
0x113: {  	v30 =	vadd.s32 $0x3, v18;
	v17 =	vld.idx.msk [tilespmem:v17+s30+$0x0], $0xffff  }
0x114: {  	v31 =	vand.u32 $0x1F, v30;
	v29 =	vld.idx.msk [tilespmem:v27+s30+$0x0], $0xffff  }
0x115: {  	v33 =	vor.u32 v7, v31;
	v15 =	vld.idx.msk [tilespmem:v15+s21+$0x0], $0xffff  }
0x116: {  	v32 =	vld.idx.msk [tilespmem:v22+s31+$0x0], $0xffff  }
0x117: {  	v34 =	vor.u32 v10, v31;
	v22 =	vld.idx.msk [tilespmem:v22+s30+$0x0], $0xffff  }
0x118: {  	v30 =	vor.u32 v30, v9;
	v27 =	vld.idx.msk [tilespmem:v27+s31+$0x0], $0xffff  }
0x119: {  	v37 =	vor.u32 v11, v8;
	v25 =	vld.idx.msk [tilespmem:v25+s21+$0x0], $0xffff;
	v12 =	vadd.f32 v12, v21  }
0x11a: {  	v36 =	vor.u32 v10, v11;
	v38 =	vld.idx.msk [tilespmem:v33+s31+$0x0], $0xffff  }
0x11b: {  	v33 =	vld.idx.msk [tilespmem:v33+s30+$0x0], $0xffff;
	v21 =	vadd.f32 v15, v12  }
0x11c: {  	v22 =	vadd.f32 v32, v22;
	v15 =	vld.idx.msk [tilespmem:v34+s21+$0x0], $0xffff;
	v12 =	vadd.f32 v26, v14  }
0x11d: {  	v26 =	vadd.f32 v16, v28;
	v14 =	vld.idx.msk [tilespmem:v30+s30+$0x0], $0xffff;
	v16 =	vadd.f32 v27, v29  }
0x11e: {  	v11 =	vimm.f32 $0.0e+00;
	v28 =	vadd.f32 v35, v17;
	v17 =	vld.idx.msk [tilespmem:v37+s1+$0x0], $0xffff;
	v25 =	vadd.f32 v25, v22  }
0x11f: {  	v27 =	vmax.f32 v21, $0.0e+00;
	v22 =	vld.idx.msk [tilespmem:v36+s21+$0x0], $0xffff;
	v21 =	vor.u32 v31, v8;
	v26 =	vadd.f32 v13, v26  }
0x120: {  	v13 =	vld [tilespmem:s2+$0x13F10];
	v23 =	vmul.f32 v27, v23;
	v27 =	vadd.s32 $0x4, v18;
	v29 =	vmax.f32 v25, $0.0e+00  }
0x121: {  	v18 =	vld [tilespmem:s2+$0x13EF0];
	v63 =	vmax.f32 v26, $0.0e+00;
	v26 =	vadd.f32 v24, v28;
	v25 =	vadd.f32 v38, v33  }
0x122: {  	s9 =	simm.s32 $0x180;
	v19 =	vmul.f32 v63, v19;
	v23 =	vadd.f32 v23, v11;
	v24 =	vmul.f32 v29, v20;
	v20 =	vld.idx.msk [tilespmem:v30+s31+$0x0], $0xffff  }
.LBB2_8:
0x123: {  	p1 =	sne.s32 s9, $0x780;
	v26 =	vmax.f32 v26, $0.0e+00;
	v28 =	vld [tilespmem:s2+$0x13D10];
	v27 =	vand.u32 $0x1F, v27;
	s15 =	smov.u32 s9;
	s9 =	sadd.s32 $0x100, s9  }
0x124: {  	v29 =	vor.u32 v7, v27;
	v30 =	vor.u32 v27, v9;
	v31 =	vadd.s32 $0x2, v27;
	v21 =	vld.idx.msk [tilespmem:v21+s1+$0x0], $0xffff  }
0x125: {  	v32 =	vor.u32 v27, v8;
	v33 =	vadd.s32 $0x1, v27;
	v34 =	vand.u32 $0x1F, v31;
	v35 =	vld [tilespmem:s2+$0x13F00]  }
0x126: {  	v16 =	vadd.f32 v22, v16;
	v36 =	vor.u32 v10, v27;
	v37 =	vand.u32 $0x1F, v33;
	v38 =	vld [tilespmem:s2+$0x13D00];
	s2 =	sshra.s32 s15, $0x2  }
0x127: {  	v12 =	vadd.f32 v17, v12;
	v22 =	vor.u32 v7, v37;
	v40 =	vor.u32 v10, v37;
	v39 =	vld [tilespmem:s2+$0x13CF0]  }
0x128: {  	v31 =	vor.u32 v31, v9;
	v17 =	vor.u32 v37, v8;
	v37 =	vor.u32 v7, v34;
	v41 =	vld [tilespmem:s2+$0x13EE0]  }
0x129: {  	v15 =	vadd.f32 v15, v25;
	v33 =	vor.u32 v33, v9;
	v18 =	vmul.f32 v26, v18;
	v42 =	vld [tilespmem:s2+$0x13CE0]  }
0x12a: {  	v11 =	vadd.f32 v19, v11;
	v16 =	vmax.f32 v16, $0.0e+00;
	v14 =	vadd.f32 v20, v14;
	v25 =	vld.idx.msk [tilespmem:v29+s30+$0x0], $0xffff  }
0x12b: {  	v15 =	vmax.f32 v15, $0.0e+00;
	v20 =	vadd.f32 v24, v23;
	v19 =	vld.idx.msk [tilespmem:v29+s31+$0x0], $0xffff;
	v16 =	vmul.f32 v16, v38  }
0x12c: {  	v12 =	vmax.f32 v12, $0.0e+00;
	v11 =	vadd.f32 v18, v11;
	v14 =	vadd.f32 v21, v14;
	v23 =	vld.idx.msk [tilespmem:v32+s1+$0x0], $0xffff  }
0x12d: {  	v15 =	vmul.f32 v15, v28;
	v12 =	vmul.f32 v12, v35;
	v18 =	vld.idx.msk [tilespmem:v31+s31+$0x0], $0xffff;
	v16 =	vadd.f32 v16, v20  }
0x12e: {  	v14 =	vmax.f32 v14, $0.0e+00;
	v20 =	vld.idx.msk [tilespmem:v36+s21+$0x0], $0xffff  }
0x12f: {  	v11 =	vadd.f32 v12, v11;
	v12 =	vmul.f32 v14, v13;
	v21 =	vld.idx.msk [tilespmem:v30+s30+$0x0], $0xffff;
	v24 =	vadd.f32 v15, v16  }
0x130: {  	v13 =	vld.idx.msk [tilespmem:v31+s30+$0x0], $0xffff  }
0x131: {  	v11 =	vadd.f32 v12, v11;
	v26 =	vld.idx.msk [tilespmem:v17+s1+$0x0], $0xffff  }
0x132: {  	v17 =	vld.idx.msk [tilespmem:v40+s21+$0x0], $0xffff  }
0x133: {  	v15 =	vadd.s32 $0x3, v27;
	v14 =	vld.idx.msk [tilespmem:v37+s30+$0x0], $0xffff  }
0x134: {  	v28 =	vand.u32 $0x1F, v15;
	v16 =	vld.idx.msk [tilespmem:v37+s31+$0x0], $0xffff  }
0x135: {  	v31 =	vor.u32 v7, v28;
	v29 =	vld.idx.msk [tilespmem:v22+s31+$0x0], $0xffff  }
0x136: {  	v12 =	vadd.f32 v18, v13;
	v22 =	vld.idx.msk [tilespmem:v22+s30+$0x0], $0xffff  }
0x137: {  	v18 =	vor.u32 v10, v28;
	v13 =	vld.idx.msk [tilespmem:v30+s31+$0x0], $0xffff  }
0x138: {  	v32 =	vor.u32 v15, v9;
	v30 =	vld.idx.msk [tilespmem:v33+s31+$0x0], $0xffff  }
0x139: {  	v35 =	vor.u32 v10, v34;
	v33 =	vld.idx.msk [tilespmem:v33+s30+$0x0], $0xffff  }
0x13a: {  	v15 =	vadd.f32 v19, v25;
	v19 =	vor.u32 v34, v8;
	v16 =	vadd.f32 v16, v14;
	v25 =	vld.idx.msk [tilespmem:v31+s31+$0x0], $0xffff  }
0x13b: {  	v31 =	vld.idx.msk [tilespmem:v31+s30+$0x0], $0xffff  }
0x13c: {  	v20 =	vadd.f32 v20, v15;
	v22 =	vadd.f32 v29, v22;
	v15 =	vld.idx.msk [tilespmem:v18+s21+$0x0], $0xffff  }
0x13d: {  	v13 =	vadd.f32 v13, v21;
	v14 =	vld.idx.msk [tilespmem:v32+s30+$0x0], $0xffff  }
.Ltmp2:
0x13e: {  	v18 =	vmax.f32 v20, $0.0e+00;
	v21 =	vor.u32 v28, v8;
	v20 =	vadd.f32 v17, v22;
	v22 =	vld.idx.msk [tilespmem:v35+s21+$0x0], $0xffff;
	(pc) =	sbr.rel @p1 .LBB2_8-.Ltmp2, $4  }
0x13f: {  	v28 =	vmul.f32 v18, v42;
	v18 =	vadd.f32 v23, v13;
	v23 =	vadd.f32 v30, v33;
	v17 =	vld.idx.msk [tilespmem:v19+s1+$0x0], $0xffff  }
0x140: {  	v27 =	vadd.s32 $0x4, v27;
	v20 =	vmax.f32 v20, $0.0e+00;
	v13 =	vld [tilespmem:s2+$0x13F10]  }
0x141: {  	v19 =	vmax.f32 v18, $0.0e+00;
	v26 =	vadd.f32 v26, v23;
	v25 =	vadd.f32 v25, v31;
	v18 =	vld [tilespmem:s2+$0x13EF0]  }
0x142: {  	v23 =	vadd.f32 v28, v24;
	v24 =	vmul.f32 v20, v39;
	v19 =	vmul.f32 v19, v41;
	v20 =	vld.idx.msk [tilespmem:v32+s31+$0x0], $0xffff  }
0x143: {  	v7 =	vld [tilespmem:s2+$0x13D00];
	_ =	sdelay $0x1  }
0x144: {  	v8 =	vld [tilespmem:s2+$0x13D10];
	v9 =	vadd.f32 v22, v16;
	_ =	sdelay $0x1  }
0x145: {  	v10 =	vadd.f32 v15, v25;
	v9 =	vmax.f32 v9, $0.0e+00  }
0x146: {  	v57 =	vadd.f32 v24, v23;
	v7 =	vmul.f32 v9, v7  }
0x147: {  	v58 =	vmax.f32 v10, $0.0e+00  }
0x148: {  	v8 =	vmul.f32 v58, v8;
	v7 =	vadd.f32 v7, v57;
	_ =	sdelay $0x1  }
0x149: {  	v7 =	vadd.f32 v8, v7;
	_ =	sdelay $0x1  }
0x14a: {  	v7 =	vadd.f32 v7, v3;
	_ =	sdelay $0x1  }
0x14b: {  	v7 =	vsub.f32 $0.0e+00, v7;
	_ =	sdelay $0x1  }
0x14c: {  	v7 =	vmul.f32 $1.442695020e+00, v7;
	_ =	sdelay $0x1  }
0x14d: {  	(erf) = vpow2.f32 v7;
	_ =	sdelay $0x7  }
0x14e: {  	v7 =	vld.idx.msk [tilespmem:v21+s1+$0x0], $0xffff  }
0x14f: {  	v59 =	vld [tilespmem:s2+$0x13F00];
	v60 =	vpop (erf)  }
0x150: {  	v9 =	vadd.f32 $1.000000000e+00, v60  }
0x151: {  	v61 =	vmax.f32 v26, $0.0e+00;
	v12 =	vadd.f32 v17, v12;
	v14 =	vadd.f32 v20, v14  }
0x152: {  	v11 =	vadd.f32 v19, v11;
	v10 =	vmul.f32 v61, v18;
	(erf) = vrcp.f32 v9  }
0x153: {  	v62 =	vmax.f32 v12, $0.0e+00;
	v7 =	vadd.f32 v7, v14  }
0x154: {  	v10 =	vadd.f32 v10, v11;
	v8 =	vmul.f32 v62, v59  }
0x155: {  	v7 =	vmax.f32 v7, $0.0e+00  }
0x156: {  	v8 =	vadd.f32 v8, v10;
	v7 =	vmul.f32 v7, v13;
	_ =	sdelay $0x1  }
0x157: {  	v7 =	vadd.f32 v7, v8;
	_ =	sdelay $0x1  }
0x158: {  	v7 =	vadd.f32 v7, v4  }
0x159: {  	v63 =	vpop (erf)  }
0x15a: {  	v7 =	vmul.f32 v63, v7;
	_ =	sdelay $0x1  }
0x15b: {  	v7 =	vmul.f32 $1.442695020e+00, v7;
	_ =	sdelay $0x1  }
0x15c: {  	(erf) = vpow2.f32 v7;
	_ =	sdelay $0x3  }
0x15d: {  	s14 =	sadd.s32 $0x1, s14  }
0x15e: {  	v6 =	vand.u32 v2, v6;
	p1 =	sne.s32 s14, $0x8  }
.Ltmp3:
0x15f: {  	_ = 	snop;
	(pc) =	sbr.rel @p1 .LBB2_7-.Ltmp3, $3  }
0x160: {  	_ =	sdelay $0x1  }
0x161: {  	v7 =	vpop (erf)  }
0x162: {  	[tilespmem:v6+s12+$0x0] =	vst.idx.msk $0xffff, v7  }
0x163: {  	s2 =	sshrl.u32 s13, $0x3  }
0x164: {  	s2 =	sadd.s32 s8, s2  }
0x165: {  	[hbm4b:s2+s3] =	stream.linear.scatter [tilespmem:s12], [sflag:$0x6], $0x80, $0x38;
	[tilespmem:$0x14E40] =	vst v63  }
0x166: {  	_ = 	snop  }
0x167: {  	[spmem:s19] =	stream.indirect.scatter.add.f32 [tilespmem:s12], [sflag:$0x8], $0x1, s22, s25, $0xb8;
	[tilespmem:$0x14E40] =	vst v63  }
0x168: {  	s18 =	sadd.s32 $0x1, s18;
	s22 =	rddreg [dreg:$0xb]  }
0x169: {  	p1 =	sne.s32 s18, s22  }
.Ltmp4:
0x16a: {  	_ = 	snop;
	(pc) =	sbr.rel @p1 .LBB2_2-.Ltmp4, $1  }
0x16b: {  	_ =	sdelay $0x3  }
0x16c: {  	s2 =	simm.s32 $0x5  }
0x16d: {  	_ =	swait.ge [sflag:s2], $0x80  }
0x16e: {  	[sflag:s2] =	ssyncset.done $0x0  }
0x16f: {  	s16 =	simm.s32 $0x7;
	[sflag:s2] =	ssyncadd.s32 $0xFFFFFF80  }
0x170: {  	_ =	swait.ge [sflag:s16], $0x80  }
0x171: {  	[sflag:s16] =	ssyncset.done $0x0  }
0x172: {  	s17 =	simm.s32 $0x6;
	[sflag:s16] =	ssyncadd.s32 $0xFFFFFF80  }
0x173: {  	_ =	swait.ge [sflag:s17], $0x80  }
0x174: {  	[sflag:s17] =	ssyncset.done $0x0  }
0x175: {  	s18 =	simm.s32 $0x8;
	[sflag:s17] =	ssyncadd.s32 $0xFFFFFF80  }
0x176: {  	_ =	swait.ge [sflag:s18], $0x80  }
0x177: {  	[sflag:s18] =	ssyncset.done $0x0  }
0x178: {  	[sflag:s18] =	ssyncadd.s32 $0xFFFFFF80  }
0x179: {  	[bflag:$0x0] =	sbarrier.arrive $0xFFFF  }
0x17a: {  	s9 =	simm.s32 @!p0 $0x1C09;
	s2 =	sshrl.u32 @!p0 s19, $0x3;
	s13 =	rddreg [dreg:$0xc]  }
0x17b: {  	[hbm:s13], [sflag:s9] =	dma.local @!p0 [spmem:s2], $0x500  }
0x17c: {  	s2 =	simm.s32 @!p0 $0x9  }
0x17d: {  	_ =	swait.ge @!p0 [sflag:s2], $0x500  }
0x17e: {  	s20 =	rddreg [dreg:$0xe]  }
0x17f: {  	s22 =	rddreg [dreg:$0xd];
	s13 =	sadd.s32 $0x1, s20  }
0x180: {  	p1 =	sne.s32 s13, s22  }
.Ltmp5:
0x181: {  	_ = 	snop;
	(pc) =	sbr.rel @p1 .LBB2_1-.Ltmp5, $3  }
0x182: {  	_ =	sdelay $0x1  }
0x183: {  	[sflag:s2] =	ssyncset.done @!p0 $0x0  }
0x184: {  	[sflag:s2] =	ssyncadd.s32 @!p0 $0xFFFFFB00  }
0x185: {  	_ =	sfence.sel $0x180000  }
0x186: {  	[bflag:$0x0] =	sbarrier.arrive $0xFFFF  }
0x187: {  	_ =	strace $0x90000047  }
0x188: {  	[bflag:$0x2] =	sbarrier.arrive $0xFFFF  }
0x189: {  	s0 =	rddreg [dreg:$0x3]  }
0x18a: {  	s0 =	sadd.s32 @!p0 $0x100000, s0  }
0x18b: {  	[sflag:s0] =	ssyncadd.tile.s32 @!p0 $0x1;
	_ =	shalt  }
.Lfunc_end2:
_tile_overlayer_lowered:
.L_overlay_start_2:
0x18c: {  	(tag) =	ssettag $0x2  }
0x18d: {  	s0 =	rddreg [dreg:$0x0];
	s2 =	stileid.u32  }
0x18e: {  	s1 =	rddreg [dreg:$0x1];
	p0 =	sne.s32 s2, $0x0  }
0x18f: {  	s3 =	rddreg [dreg:$0x2];
	[bflag:$0x3] =	sbarrier.arrive $0xFFFF;
	s2 =	simm.s32 @!p0 $0x1C09  }
0x190: {  	[timem:s3], [sflag:s2] =	dma.local @!p0 [hbm:s0], s1  }
0x191: {  	s0 =	simm.s32 @!p0 $0x9  }
0x192: {  	_ =	swait.ge @!p0 [sflag:s0], s1  }
0x193: {  	s1 =	ssub.s32 @!p0 $0x0, s1;
	[sflag:s0] =	ssyncset.done @!p0 $0x0  }
0x194: {  	[sflag:s0] =	ssyncadd.s32 @!p0 s1  }
0x195: {  	[bflag:$0x3] =	sbarrier.arrive $0xFFFF  }
0x196: {  	_ =	shalt  }

// kernel: kernel.9.cloned.1.call-start
scs
__scs_entry_jumppad:
0x0: {  	(pc) =	sbr.rel $0x88, $3  }
0x1: {  	(tag) =	ssettag $0x0;
	lr =	simm.s32 $0x1  }
0x2: {  	[smem:$0x3F94] =	sst lr;
	_ =	strace $0xD0000000  }
0x3: {  	_ = 	snop  }
0x4: {  	_ = 	snop  }
0x5: {  	_ = 	snop  }
0x6: {  	_ = 	snop  }
0x7: {  	_ = 	snop  }
__scs_overlays_trampoline_lowered:
0x8: {  	[smem:$0x3FA3] =	sst s0  }
0x9: {  	[smem:$0x3FA4] =	sst s1  }
0xa: {  	[smem:$0x3FA5] =	sst s2  }
0xb: {  	[smem:$0x3FA6] =	sst s3  }
0xc: {  	[smem:$0x3FA7] =	sst s4  }
0xd: {  	[smem:$0x3FA8] =	sst s5  }
0xe: {  	[smem:$0x3FA9] =	sst s6  }
0xf: {  	[smem:$0x3FAA] =	sst s7  }
0x10: {  	[smem:$0x3FAB] =	sst s8  }
0x11: {  	[smem:$0x3FAC] =	sst s9;
	s0 =	simm.s32 @!p0 $0x0  }
0x12: {  	s1 =	sld [smem:$0x3F92];
	s0 =	simm.s32 @p0 $0x1  }
0x13: {  	[smem:$0x3FAD] =	sst s0;
	s0 =	simm.s32 @!p1 $0x0  }
0x14: {  	s2 =	sld [smem:$0x3F91];
	s0 =	simm.s32 @p1 $0x1  }
0x15: {  	[smem:$0x3FAE] =	sst s0;
	s0 =	simm.s32 @!p2 $0x0  }
0x16: {  	s3 =	sld [smem:$0x3FDB];
	s0 =	simm.s32 @p2 $0x1  }
0x17: {  	s4 =	simm.s32 $0x1BF5;
	[smem:$0x3FB0] =	sst s0  }
0x18: {  	s0 =	sld [smem:$0x3F93];
	_ =	swait.ge [sflag:s4], $0x0  }
0x19: {  	s7 =	sld [smem:$0x3F94]  }
0x1a: {  	s8 =	sadd.s32 $0xFFFFE003, lr  }
0x1b: {  	s9 =	sadd.s32 $0xFFFFFEF7, lr;
	s5 =	simm.s32 $0xFFFFFFFF;
	p2 =	slt.u32 s8, $0xFFFFF086  }
0x1c: {  	p1 =	slt.u32 s9, $0xF7A;
	s5 =	simm.s32 @!p2 $0x0  }
0x1d: {  	s5 =	simm.s32 @p1 $0x1;
	p0 =	seq.s32 s7, s2  }
0x1e: {  	s7 =	smul.u32 @!p0 $0xF7A, s2;
	p2 =	seq.s32 @!p0 s5, $0x0  }
0x1f: {  	s9 =	smul.u32 $0xF7A, s1;
	s8 =	simm.s32 @!p0 $0x1BF5;
	p2 =	por !p2, p0  }
0x20: {  	[sflag:s8] =	ssyncset.s32 @!p0 $0xFFFFF086;
	s6 =	sadd.s32 @!p0 s3, s7;
	s7 =	simm.s32 @!p0 $0x108  }
0x21: {  	s3 =	sadd.s32 s3, s9;
	s6 =	sadd.s32 @!p0 $0x88, s6;
	s7 =	simm.s32 @p2 $0x1082  }
0x22: {  	[simem:s7], [sflag:s8] =	dma.local @!p0 [hbm:s6], $0xF7A  }
0x23: {  	s9 =	sor.u32 $0xD0000000, s2;
	s6 =	simm.s32 $0x108;
	_ =	swait.ge @!p0 [sflag:s8], $0x0  }
0x24: {  	s3 =	sadd.s32 $0x88, s3;
	s6 =	simm.s32 @!p1 $0x1082;
	[sflag:s4] =	ssyncset.s32 $0xFFFFF086  }
0x25: {  	[simem:s6], [sflag:s4] =	dma.local [hbm:s3], $0xF7A  }
0x26: {  	[smem:$0x3F94] =	sst s1;
	(tag) =	ssettag s2;
	_ =	strace s9  }
0x27: {  	s1 =	sld [smem:$0x3FA4]  }
0x28: {  	s2 =	sld [smem:$0x3FA5]  }
0x29: {  	s4 =	sld [smem:$0x3FA7]  }
0x2a: {  	p0 =	seq.s32 s5, $0x0;
	s5 =	sld [smem:$0x3FA8]  }
0x2b: {  	s6 =	sld [smem:$0x3FA9]  }
0x2c: {  	s7 =	sld [smem:$0x3FAA]  }
0x2d: {  	s3 =	simm.s32 $0x108;
	s8 =	sld [smem:$0x3FAB]  }
0x2e: {  	s3 =	simm.s32 @!p0 $0x1082;
	s9 =	sld [smem:$0x3FAC]  }
0x2f: {  	lr =	sadd.s32 s0, s3;
	s0 =	sld [smem:$0x3FA3]  }
0x30: {  	s3 =	sld [smem:$0x3FA6]  }
0x31: {  	[smem:$0x3FAF] =	sst s10  }
0x32: {  	s10 =	sld [smem:$0x3FAD];
	_ =	sdelay $0x3  }
0x33: {  	p0 =	seq.s32 s10, $0x1;
	s10 =	sld [smem:$0x3FAF];
	_ =	sdelay $0x3  }
0x34: {  	[smem:$0x3FAF] =	sst s10  }
0x35: {  	s10 =	sld [smem:$0x3FAE];
	_ =	sdelay $0x3  }
0x36: {  	p1 =	seq.s32 s10, $0x1;
	s10 =	sld [smem:$0x3FAF];
	_ =	sdelay $0x3  }
0x37: {  	[smem:$0x3FAF] =	sst s10  }
0x38: {  	s10 =	sld [smem:$0x3FB0]  }
0x39: {  	_ = 	snop;
	(pc) =	sbr.ind lr, $3  }
0x3a: {  	_ = 	snop  }
0x3b: {  	_ = 	snop  }
0x3c: {  	p2 =	seq.s32 s10, $0x1;
	s10 =	sld [smem:$0x3FAF]  }
0x3d: {  	_ =	shalt  }
0x3e: {  	_ =	shalt  }
0x3f: {  	_ =	shalt  }
0x40: {  	_ =	shalt  }
0x41: {  	_ =	shalt  }
0x42: {  	_ =	shalt  }
0x43: {  	_ =	shalt  }
0x44: {  	_ =	shalt  }
0x45: {  	_ =	shalt  }
0x46: {  	_ =	shalt  }
0x47: {  	_ =	shalt  }
0x48: {  	_ =	shalt  }
0x49: {  	_ =	shalt  }
0x4a: {  	_ =	shalt  }
0x4b: {  	_ =	shalt  }
0x4c: {  	_ =	shalt  }
0x4d: {  	_ =	shalt  }
0x4e: {  	_ =	shalt  }
0x4f: {  	_ =	shalt  }
0x50: {  	_ =	shalt  }
0x51: {  	_ =	shalt  }
0x52: {  	_ =	shalt  }
0x53: {  	_ =	shalt  }
0x54: {  	_ =	shalt  }
0x55: {  	_ =	shalt  }
0x56: {  	_ =	shalt  }
0x57: {  	_ =	shalt  }
0x58: {  	_ =	shalt  }
0x59: {  	_ =	shalt  }
0x5a: {  	_ =	shalt  }
0x5b: {  	_ =	shalt  }
0x5c: {  	_ =	shalt  }
0x5d: {  	_ =	shalt  }
0x5e: {  	_ =	shalt  }
0x5f: {  	_ =	shalt  }
0x60: {  	_ =	shalt  }
0x61: {  	_ =	shalt  }
0x62: {  	_ =	shalt  }
0x63: {  	_ =	shalt  }
0x64: {  	_ =	shalt  }
0x65: {  	_ =	shalt  }
0x66: {  	_ =	shalt  }
0x67: {  	_ =	shalt  }
0x68: {  	_ =	shalt  }
0x69: {  	_ =	shalt  }
0x6a: {  	_ =	shalt  }
0x6b: {  	_ =	shalt  }
0x6c: {  	_ =	shalt  }
0x6d: {  	_ =	shalt  }
0x6e: {  	_ =	shalt  }
0x6f: {  	_ =	shalt  }
0x70: {  	_ =	shalt  }
0x71: {  	_ =	shalt  }
0x72: {  	_ =	shalt  }
0x73: {  	_ =	shalt  }
0x74: {  	_ =	shalt  }
0x75: {  	_ =	shalt  }
0x76: {  	_ =	shalt  }
0x77: {  	_ =	shalt  }
0x78: {  	_ =	shalt  }
0x79: {  	_ =	shalt  }
0x7a: {  	_ =	shalt  }
0x7b: {  	_ =	shalt  }
0x7c: {  	_ =	shalt  }
0x7d: {  	_ =	shalt  }
0x7e: {  	_ =	shalt  }
0x7f: {  	_ =	shalt  }
0x80: {  	_ =	shalt  }
0x81: {  	_ =	shalt  }
0x82: {  	_ =	shalt  }
0x83: {  	_ =	shalt  }
0x84: {  	_ =	shalt  }
0x85: {  	_ =	shalt  }
0x86: {  	_ =	shalt  }
0x87: {  	_ =	shalt  }
.Lfunc_end0:
.L_simem_size_0:
called_computation.1_lowered:
.L_overlay_start_0:
0x88: {  	s2 =	sld [smem:$0x3FD9]  }
0x89: {  	s3 =	sld [smem:$0x3FFE];
	_ =	sdelay $0x1  }
0x8a: {  	s1 =	srdreg.scid  }
0x8b: {  	s0 =	sand.u32 $0x1, s1  }
0x8c: {  	s17 =	sshll.u32 s0, $0xA;
	s2 =	sadd.s32 s3, s2  }
0x8d: {  	s2 =	sadd.s32 s2, s17  }
0x8e: {  	[smem:$0x3FBB] =	sst s2  }
0x8f: {  	_ = 	snop  }
0x90: {  	s2 =	sld [smem:$0x3FD0];
	(tm) =	ssettm $0x1  }
0x91: {  	s18 =	sld [smem:$0x3FFB];
	_ =	sdelay $0x3  }
0x92: {  	_ =	strace s18  }
0x93: {  	s3 =	sld [smem:$0x3FFC];
	_ =	sdelay $0x3  }
0x94: {  	_ =	strace s3  }
0x95: {  	s3 =	sld [smem:$0x3FFD];
	_ =	sdelay $0x3  }
0x96: {  	_ =	strace s3  }
0x97: {  	_ =	strace $0x8FFFFFFF  }
0x98: {  	s19 =	sld [smem:$0x3FDB];
	_ =	sdelay $0x1  }
0x99: {  	s4 =	simm.s32 $_scs_section_size  }
0x9a: {  	s5 =	simm.s32 $_size__tile_overlayer_lowered;
	s6 =	simm.s32 $_tile_overlayer_lowered  }
0x9b: {  	s22 =	simm.s32 $0x1BFF;
	s21 =	sshll.u32 s6, $0x1;
	s3 =	sadd.s32 s4, s19  }
0x9c: {  	s7 =	simm.s32 $0x0;
	s20 =	sshll.u32 s5, $0x1;
	s5 =	sadd.s32 s21, s3  }
0x9d: {  	[timem:s7], [sflag:s22] =	dma.local [hbm:s5], s20  }
0x9e: {  	_ =	swait.ge [sflag:s22], s20  }
0x9f: {  	s4 =	ssub.s32 $0x0, s20;
	[sflag:s22] =	ssyncset.done $0x0  }
0xa0: {  	[sflag:s22] =	ssyncadd.s32 s4;
	_ =	sdelay $0x1  }
0xa1: {  	s23 =	simm.s32 $0x1B8B  }
0xa2: {  	_ =	swait.ge [sflag:s23], $0x1  }
0xa3: {  	[sflag:s23] =	ssyncset.done $0x0  }
0xa4: {  	s25 =	simm.s32 $0x1B8E;
	s24 =	sld [smem:$0x3FFE];
	[sflag:s23] =	ssyncadd.s32 $0xFFFFFFFF  }
0xa5: {  	s26 =	simm.s32 $execute0_lowered;
	[smem:$0x3FD2] =	sst s25  }
0xa6: {  	s5 =	sshll.u32 s26, $0x1;
	_ =	strace $0x80000049;
	[dreg:$0x1] =	wrdreg $0xFFFFFFFF  }
0xa7: {  	s28 =	simm.s32 $_size_execute0_lowered;
	s3 =	sadd.s32 s3, s5;
	[dreg:$0x0] =	wrdreg $0x0  }
0xa8: {  	s5 =	sshll.u32 s28, $0x1;
	[dreg:$0x2] =	wrdreg s3  }
0xa9: {  	[dreg:$0x3] =	wrdreg s5  }
0xaa: {  	[dreg:$0x4] =	wrdreg $0xC0  }
0xab: {  	_ =	task [dreg:s7], $0x5FFFF  }
0xac: {  	[dreg:$0x1] =	wrdreg $0xFFFFFFFF  }
0xad: {  	[dreg:$0x0] =	wrdreg $0x60  }
0xae: {  	[dreg:$0x2] =	wrdreg s24  }
0xaf: {  	[dreg:$0x3] =	wrdreg s2  }
0xb0: {  	[dreg:$0x4] =	wrdreg $0x9  }
0xb1: {  	_ =	task.clear_ibuf [dreg:s7], $0x5FFFF;
	_ =	strace $0x90000049  }
0xb2: {  	s29 =	simm.s32 $0x9;
	_ =	strace $0x8000004B  }
0xb3: {  	_ =	swait.ge [sflag:s29], $0x1  }
0xb4: {  	[sflag:s29] =	ssyncadd.s32 $0xFFFFFFFF  }
0xb5: {  	_ =	strace $0x9000004B  }
0xb6: {  	_ =	sfence  }
0xb7: {  	s30 =	sld [smem:$0x0];
	_ =	sdelay $0x2  }
0xb8: {  	s31 =	sshll.u32 s1, $0xD;
	s1 =	sshrl.u32 s1, $0x2  }
0xb9: {  	s3 =	sand.u32 $0x4000, s31;
	s1 =	sadd.s32 s1, s30  }
0xba: {  	s0 =	sor.u32 s3, s0;
	s1 =	sshll.u32 s1, $0x11  }
0xbb: {  	s0 =	sor.u32 s1, s0  }
0xbc: {  	s0 =	sadd.s32 $0x8F2B, s0  }
0xbd: {  	[sflag:s0] =	ssyncadd.remote.s32 $0x1  }
0xbe: {  	_ =	sfence.sel $0xFFFF  }
0xbf: {  	[dreg:$0x0] =	wrdreg $0xFFFFFFFF;
	(pc) =	sbr.abs _section_cstart, $3  }
0xc0: {  	[dreg:$0x1] =	wrdreg $0xFFFFFFFF  }
0xc1: {  	_ =	task.clear_ibuf [dreg:s7], $0x2FFFF;
	_ =	strace $0x9FFFFFFF  }
0xc2: {  	(tm) =	ssettm $0x7FFFFFFF  }
0xc3: {  	_ =	shalt  }
tec
execute0_lowered:
.L_overlay_start_1:
0x0: {  	(tag) =	ssettag $0x1  }
0x1: {  	s4 =	rddreg [dreg:$0x0]  }
0x2: {  	s0 =	srdreg.scid;
	s6 =	rddreg [dreg:$0x1]  }
0x3: {  	s1 =	rddreg [dreg:$0x2];
	s2 =	simm.s32 $0x0;
	s3 =	sand.u32 $0x1, s0  }
0x4: {  	s10 =	simm.s32 $0x1;
	s0 =	stileid.u32;
	s5 =	smul.u32 $0x27100, s3  }
0x5: {  	s11 =	simm.s32 $0x5000;
	s12 =	simm.s32 $0x5190;
	s7 =	smul.u32 $0x2710, s0  }
0x6: {  	s13 =	simm.s32 $0x5320;
	s14 =	simm.s32 $0x2;
	s15 =	simm.s32 $0x0  }
0x7: {  	[smem:$0x7FF] =	sst s2;
	s30 =	ssub.s32 $0x2, s3;
	s5 =	sadd.s32 s7, s5  }
0x8: {  	_ =	strace $0x8000004A;
	s31 =	sshrl.u32 s30, $0x1;
	s8 =	sshrl.u32 s5, $0x3  }
0x9: {  	s3 =	sadd.s32 $0x195400, s4;
	s5 =	ssub.s32 s30, s31;
	s9 =	sadd.s32 s8, s4  }
0xa: {  	s4 =	sadd.s32 $0x195900, s4;
	s5 =	smax.u32 s5, $0x1;
	s6 =	sadd.s32 s8, s6  }
0xb: {  	s7 =	sadd.s32 $0x18B400, s9;
	s8 =	sadd.s32 $0x2AE00, s9;
	s9 =	simm.s32 $0x2800  }
.LBB2_1:
0xc: {  	[tilespmem:s2], [sflag:$0x1] =	stream.linear.gather [hbm4b:s3+s2], $0x2800, $0x38;
	[tilespmem:$0x54B0] =	vst v63  }
0xd: {  	_ = 	snop  }
0xe: {  	[tilespmem:s9], [sflag:$0x1] =	stream.linear.gather [hbm4b:s4+s2], $0x2800, $0x38;
	[tilespmem:$0x54B0] =	vst v63  }
0xf: {  	_ =	swait.ge [sflag:s10], $0x2800  }
0x10: {  	[sflag:s10] =	ssyncset.done $0x0  }
0x11: {  	[sflag:s10] =	ssyncadd.s32 $0xFFFFD800  }
0x12: {  	_ =	swait.ge [sflag:s10], $0x2800  }
0x13: {  	[sflag:s10] =	ssyncset.done $0x0  }
0x14: {  	s16 =	simm.s32 $0x0;
	[sflag:s10] =	ssyncadd.s32 $0xFFFFD800  }
.LBB2_2:
0x15: {  	s17 =	sadd.s32 s16, s8  }
0x16: {  	[tilespmem:s11], [sflag:$0x1] =	stream.linear.gather [hbm4b:s17+s2], $0x190, $0x38;
	[tilespmem:$0x54B0] =	vst v63  }
0x17: {  	s30 =	sadd.s32 s16, s7  }
0x18: {  	[tilespmem:s12], [sflag:$0x1] =	stream.linear.gather [hbm4b:s30+s2], $0x190, $0x38;
	[tilespmem:$0x54B0] =	vst v63  }
0x19: {  	_ =	swait.ge [sflag:s10], $0x190  }
0x1a: {  	[sflag:s10] =	ssyncset.done $0x0  }
0x1b: {  	[sflag:s10] =	ssyncadd.s32 $0xFFFFFE70  }
0x1c: {  	_ =	swait.ge [sflag:s10], $0x190  }
0x1d: {  	[sflag:s10] =	ssyncset.done $0x0  }
0x1e: {  	[sflag:s10] =	ssyncadd.s32 $0xFFFFFE70  }
0x1f: {  	v0 =	vld [tilespmem:$0x5000];
	_ =	sdelay $0x7  }
0x20: {  	v1 =	vld.idx.msk [tilespmem:v0+s2+$0x0], $0xffff  }
0x21: {  	v0 =	vld.idx.msk [tilespmem:v0+s9+$0x0], $0xffff;
	_ =	sdelay $0x4  }
0x22: {  	v0 =	vadd.f32 v0, v1;
	_ =	sdelay $0x1  }
0x23: {  	v0 =	vmax.f32 v0, $9.999999710e-10  }
0x24: {  	(erf) = vrcp.f32 v0;
	_ =	sdelay $0x3  }
0x25: {  	v51 =	vld [tilespmem:$0x5190]  }
0x26: {  	v52 =	vld [tilespmem:$0x5010];
	_ =	sdelay $0x3  }
0x27: {  	v2 =	vpop (erf)  }
0x28: {  	v0 =	vmul.f32 v2, v51;
	_ =	sdelay $0x1  }
0x29: {  	[tilespmem:$0x5320] =	vst v0  }
0x2a: {  	v0 =	vld.idx.msk [tilespmem:v52+s2+$0x0], $0xffff  }
0x2b: {  	v1 =	vld.idx.msk [tilespmem:v52+s9+$0x0], $0xffff;
	_ =	sdelay $0x4  }
0x2c: {  	v0 =	vadd.f32 v1, v0;
	_ =	sdelay $0x1  }
0x2d: {  	v0 =	vmax.f32 v0, $9.999999710e-10  }
0x2e: {  	(erf) = vrcp.f32 v0;
	_ =	sdelay $0x3  }
0x2f: {  	v53 =	vld [tilespmem:$0x51A0]  }
0x30: {  	v54 =	vld [tilespmem:$0x5020];
	_ =	sdelay $0x3  }
0x31: {  	v55 =	vpop (erf)  }
0x32: {  	v0 =	vmul.f32 v55, v53;
	_ =	sdelay $0x1  }
0x33: {  	[tilespmem:$0x5330] =	vst v0  }
0x34: {  	v0 =	vld.idx.msk [tilespmem:v54+s2+$0x0], $0xffff  }
0x35: {  	v1 =	vld.idx.msk [tilespmem:v54+s9+$0x0], $0xffff;
	_ =	sdelay $0x4  }
0x36: {  	v0 =	vadd.f32 v1, v0;
	_ =	sdelay $0x1  }
0x37: {  	v0 =	vmax.f32 v0, $9.999999710e-10  }
0x38: {  	(erf) = vrcp.f32 v0;
	_ =	sdelay $0x3  }
0x39: {  	v56 =	vld [tilespmem:$0x51B0]  }
0x3a: {  	v57 =	vld [tilespmem:$0x5030];
	_ =	sdelay $0x3  }
0x3b: {  	v58 =	vpop (erf)  }
0x3c: {  	v0 =	vmul.f32 v58, v56;
	_ =	sdelay $0x1  }
0x3d: {  	[tilespmem:$0x5340] =	vst v0  }
0x3e: {  	v0 =	vld.idx.msk [tilespmem:v57+s2+$0x0], $0xffff  }
0x3f: {  	v1 =	vld.idx.msk [tilespmem:v57+s9+$0x0], $0xffff;
	_ =	sdelay $0x4  }
0x40: {  	v0 =	vadd.f32 v1, v0;
	_ =	sdelay $0x1  }
0x41: {  	v0 =	vmax.f32 v0, $9.999999710e-10  }
0x42: {  	(erf) = vrcp.f32 v0;
	_ =	sdelay $0x3  }
0x43: {  	v59 =	vld [tilespmem:$0x51C0]  }
0x44: {  	v60 =	vld [tilespmem:$0x5040];
	_ =	sdelay $0x3  }
0x45: {  	v61 =	vpop (erf)  }
0x46: {  	v0 =	vmul.f32 v61, v59;
	_ =	sdelay $0x1  }
0x47: {  	[tilespmem:$0x5350] =	vst v0  }
0x48: {  	v0 =	vld.idx.msk [tilespmem:v60+s2+$0x0], $0xffff  }
0x49: {  	v1 =	vld.idx.msk [tilespmem:v60+s9+$0x0], $0xffff;
	_ =	sdelay $0x4  }
0x4a: {  	v0 =	vadd.f32 v1, v0;
	_ =	sdelay $0x1  }
0x4b: {  	v0 =	vmax.f32 v0, $9.999999710e-10  }
0x4c: {  	(erf) = vrcp.f32 v0;
	_ =	sdelay $0x3  }
0x4d: {  	v62 =	vld [tilespmem:$0x51D0]  }
0x4e: {  	v63 =	vld [tilespmem:$0x5050];
	_ =	sdelay $0x3  }
0x4f: {  	v4 =	vpop (erf)  }
0x50: {  	v0 =	vmul.f32 v4, v62;
	_ =	sdelay $0x1  }
0x51: {  	[tilespmem:$0x5360] =	vst v0  }
0x52: {  	v0 =	vld.idx.msk [tilespmem:v63+s2+$0x0], $0xffff  }
0x53: {  	v1 =	vld.idx.msk [tilespmem:v63+s9+$0x0], $0xffff;
	_ =	sdelay $0x4  }
0x54: {  	v0 =	vadd.f32 v1, v0;
	_ =	sdelay $0x1  }
0x55: {  	v0 =	vmax.f32 v0, $9.999999710e-10  }
0x56: {  	(erf) = vrcp.f32 v0;
	_ =	sdelay $0x3  }
0x57: {  	v5 =	vld [tilespmem:$0x51E0]  }
0x58: {  	v6 =	vld [tilespmem:$0x5060];
	_ =	sdelay $0x3  }
0x59: {  	v7 =	vpop (erf)  }
0x5a: {  	v0 =	vmul.f32 v7, v5;
	_ =	sdelay $0x1  }
0x5b: {  	[tilespmem:$0x5370] =	vst v0  }
0x5c: {  	v0 =	vld.idx.msk [tilespmem:v6+s2+$0x0], $0xffff  }
0x5d: {  	v1 =	vld.idx.msk [tilespmem:v6+s9+$0x0], $0xffff;
	_ =	sdelay $0x4  }
0x5e: {  	v0 =	vadd.f32 v1, v0;
	_ =	sdelay $0x1  }
0x5f: {  	v0 =	vmax.f32 v0, $9.999999710e-10  }
0x60: {  	(erf) = vrcp.f32 v0;
	_ =	sdelay $0x3  }
0x61: {  	v8 =	vld [tilespmem:$0x51F0]  }
0x62: {  	v9 =	vld [tilespmem:$0x5070];
	_ =	sdelay $0x3  }
0x63: {  	v10 =	vpop (erf)  }
0x64: {  	v0 =	vmul.f32 v10, v8;
	_ =	sdelay $0x1  }
0x65: {  	[tilespmem:$0x5380] =	vst v0  }
0x66: {  	v0 =	vld.idx.msk [tilespmem:v9+s2+$0x0], $0xffff  }
0x67: {  	v1 =	vld.idx.msk [tilespmem:v9+s9+$0x0], $0xffff;
	_ =	sdelay $0x4  }
0x68: {  	v0 =	vadd.f32 v1, v0;
	_ =	sdelay $0x1  }
0x69: {  	v0 =	vmax.f32 v0, $9.999999710e-10  }
0x6a: {  	(erf) = vrcp.f32 v0;
	_ =	sdelay $0x3  }
0x6b: {  	v11 =	vld [tilespmem:$0x5200]  }
0x6c: {  	v12 =	vld [tilespmem:$0x5080];
	_ =	sdelay $0x3  }
0x6d: {  	v13 =	vpop (erf)  }
0x6e: {  	v0 =	vmul.f32 v13, v11;
	_ =	sdelay $0x1  }
0x6f: {  	[tilespmem:$0x5390] =	vst v0  }
0x70: {  	v0 =	vld.idx.msk [tilespmem:v12+s2+$0x0], $0xffff  }
0x71: {  	v1 =	vld.idx.msk [tilespmem:v12+s9+$0x0], $0xffff;
	_ =	sdelay $0x4  }
0x72: {  	v0 =	vadd.f32 v1, v0;
	_ =	sdelay $0x1  }
0x73: {  	v0 =	vmax.f32 v0, $9.999999710e-10  }
0x74: {  	(erf) = vrcp.f32 v0;
	_ =	sdelay $0x3  }
0x75: {  	v14 =	vld [tilespmem:$0x5210]  }
0x76: {  	v15 =	vld [tilespmem:$0x5090];
	_ =	sdelay $0x3  }
0x77: {  	v16 =	vpop (erf)  }
0x78: {  	v0 =	vmul.f32 v16, v14;
	_ =	sdelay $0x1  }
0x79: {  	[tilespmem:$0x53A0] =	vst v0  }
0x7a: {  	v0 =	vld.idx.msk [tilespmem:v15+s2+$0x0], $0xffff  }
0x7b: {  	v1 =	vld.idx.msk [tilespmem:v15+s9+$0x0], $0xffff;
	_ =	sdelay $0x4  }
0x7c: {  	v0 =	vadd.f32 v1, v0;
	_ =	sdelay $0x1  }
0x7d: {  	v0 =	vmax.f32 v0, $9.999999710e-10  }
0x7e: {  	(erf) = vrcp.f32 v0;
	_ =	sdelay $0x3  }
0x7f: {  	v17 =	vld [tilespmem:$0x5220]  }
0x80: {  	v18 =	vld [tilespmem:$0x50A0];
	_ =	sdelay $0x3  }
0x81: {  	v19 =	vpop (erf)  }
0x82: {  	v0 =	vmul.f32 v19, v17;
	_ =	sdelay $0x1  }
0x83: {  	[tilespmem:$0x53B0] =	vst v0  }
0x84: {  	v0 =	vld.idx.msk [tilespmem:v18+s2+$0x0], $0xffff  }
0x85: {  	v1 =	vld.idx.msk [tilespmem:v18+s9+$0x0], $0xffff;
	_ =	sdelay $0x4  }
0x86: {  	v0 =	vadd.f32 v1, v0;
	_ =	sdelay $0x1  }
0x87: {  	v0 =	vmax.f32 v0, $9.999999710e-10  }
0x88: {  	(erf) = vrcp.f32 v0;
	_ =	sdelay $0x3  }
0x89: {  	v20 =	vld [tilespmem:$0x5230]  }
0x8a: {  	v21 =	vld [tilespmem:$0x50B0];
	_ =	sdelay $0x3  }
0x8b: {  	v22 =	vpop (erf)  }
0x8c: {  	v0 =	vmul.f32 v22, v20;
	_ =	sdelay $0x1  }
0x8d: {  	[tilespmem:$0x53C0] =	vst v0  }
0x8e: {  	v0 =	vld.idx.msk [tilespmem:v21+s2+$0x0], $0xffff  }
0x8f: {  	v1 =	vld.idx.msk [tilespmem:v21+s9+$0x0], $0xffff;
	_ =	sdelay $0x4  }
0x90: {  	v0 =	vadd.f32 v1, v0;
	_ =	sdelay $0x1  }
0x91: {  	v0 =	vmax.f32 v0, $9.999999710e-10  }
0x92: {  	(erf) = vrcp.f32 v0;
	_ =	sdelay $0x3  }
0x93: {  	v23 =	vld [tilespmem:$0x5240]  }
0x94: {  	v24 =	vld [tilespmem:$0x50C0];
	_ =	sdelay $0x3  }
0x95: {  	v25 =	vpop (erf)  }
0x96: {  	v0 =	vmul.f32 v25, v23;
	_ =	sdelay $0x1  }
0x97: {  	[tilespmem:$0x53D0] =	vst v0  }
0x98: {  	v0 =	vld.idx.msk [tilespmem:v24+s2+$0x0], $0xffff  }
0x99: {  	v1 =	vld.idx.msk [tilespmem:v24+s9+$0x0], $0xffff;
	_ =	sdelay $0x4  }
0x9a: {  	v0 =	vadd.f32 v1, v0;
	_ =	sdelay $0x1  }
0x9b: {  	v0 =	vmax.f32 v0, $9.999999710e-10  }
0x9c: {  	(erf) = vrcp.f32 v0;
	_ =	sdelay $0x3  }
0x9d: {  	v26 =	vld [tilespmem:$0x5250]  }
0x9e: {  	v27 =	vld [tilespmem:$0x50D0];
	_ =	sdelay $0x3  }
0x9f: {  	v28 =	vpop (erf)  }
0xa0: {  	v0 =	vmul.f32 v28, v26;
	_ =	sdelay $0x1  }
0xa1: {  	[tilespmem:$0x53E0] =	vst v0  }
0xa2: {  	v0 =	vld.idx.msk [tilespmem:v27+s2+$0x0], $0xffff  }
0xa3: {  	v1 =	vld.idx.msk [tilespmem:v27+s9+$0x0], $0xffff;
	_ =	sdelay $0x4  }
0xa4: {  	v0 =	vadd.f32 v1, v0;
	_ =	sdelay $0x1  }
0xa5: {  	v0 =	vmax.f32 v0, $9.999999710e-10  }
0xa6: {  	(erf) = vrcp.f32 v0;
	_ =	sdelay $0x3  }
0xa7: {  	v29 =	vld [tilespmem:$0x5260]  }
0xa8: {  	v30 =	vld [tilespmem:$0x50E0];
	_ =	sdelay $0x3  }
0xa9: {  	v31 =	vpop (erf)  }
0xaa: {  	v0 =	vmul.f32 v31, v29;
	_ =	sdelay $0x1  }
0xab: {  	[tilespmem:$0x53F0] =	vst v0  }
0xac: {  	v0 =	vld.idx.msk [tilespmem:v30+s2+$0x0], $0xffff  }
0xad: {  	v1 =	vld.idx.msk [tilespmem:v30+s9+$0x0], $0xffff;
	_ =	sdelay $0x4  }
0xae: {  	v0 =	vadd.f32 v1, v0;
	_ =	sdelay $0x1  }
0xaf: {  	v0 =	vmax.f32 v0, $9.999999710e-10  }
0xb0: {  	(erf) = vrcp.f32 v0;
	_ =	sdelay $0x3  }
0xb1: {  	v32 =	vld [tilespmem:$0x5270]  }
0xb2: {  	v33 =	vld [tilespmem:$0x50F0];
	_ =	sdelay $0x3  }
0xb3: {  	v34 =	vpop (erf)  }
0xb4: {  	v0 =	vmul.f32 v34, v32;
	_ =	sdelay $0x1  }
0xb5: {  	[tilespmem:$0x5400] =	vst v0  }
0xb6: {  	v0 =	vld.idx.msk [tilespmem:v33+s2+$0x0], $0xffff  }
0xb7: {  	v1 =	vld.idx.msk [tilespmem:v33+s9+$0x0], $0xffff;
	_ =	sdelay $0x4  }
0xb8: {  	v0 =	vadd.f32 v1, v0;
	_ =	sdelay $0x1  }
0xb9: {  	v0 =	vmax.f32 v0, $9.999999710e-10  }
0xba: {  	(erf) = vrcp.f32 v0;
	_ =	sdelay $0x3  }
0xbb: {  	v35 =	vld [tilespmem:$0x5280]  }
0xbc: {  	v36 =	vld [tilespmem:$0x5100];
	_ =	sdelay $0x3  }
0xbd: {  	v37 =	vpop (erf)  }
0xbe: {  	v0 =	vmul.f32 v37, v35;
	_ =	sdelay $0x1  }
0xbf: {  	[tilespmem:$0x5410] =	vst v0  }
0xc0: {  	v0 =	vld.idx.msk [tilespmem:v36+s2+$0x0], $0xffff  }
0xc1: {  	v1 =	vld.idx.msk [tilespmem:v36+s9+$0x0], $0xffff;
	_ =	sdelay $0x4  }
0xc2: {  	v0 =	vadd.f32 v1, v0;
	_ =	sdelay $0x1  }
0xc3: {  	v0 =	vmax.f32 v0, $9.999999710e-10  }
0xc4: {  	(erf) = vrcp.f32 v0;
	_ =	sdelay $0x3  }
0xc5: {  	v38 =	vld [tilespmem:$0x5290]  }
0xc6: {  	v39 =	vld [tilespmem:$0x5110];
	_ =	sdelay $0x3  }
0xc7: {  	v40 =	vpop (erf)  }
0xc8: {  	v0 =	vmul.f32 v40, v38;
	_ =	sdelay $0x1  }
0xc9: {  	[tilespmem:$0x5420] =	vst v0  }
0xca: {  	v0 =	vld.idx.msk [tilespmem:v39+s2+$0x0], $0xffff  }
0xcb: {  	v1 =	vld.idx.msk [tilespmem:v39+s9+$0x0], $0xffff;
	_ =	sdelay $0x4  }
0xcc: {  	v0 =	vadd.f32 v1, v0;
	_ =	sdelay $0x1  }
0xcd: {  	v0 =	vmax.f32 v0, $9.999999710e-10  }
0xce: {  	(erf) = vrcp.f32 v0;
	_ =	sdelay $0x3  }
0xcf: {  	v41 =	vld [tilespmem:$0x52A0]  }
0xd0: {  	v42 =	vld [tilespmem:$0x5120];
	_ =	sdelay $0x3  }
0xd1: {  	v43 =	vpop (erf)  }
0xd2: {  	v0 =	vmul.f32 v43, v41;
	_ =	sdelay $0x1  }
0xd3: {  	[tilespmem:$0x5430] =	vst v0  }
0xd4: {  	v0 =	vld.idx.msk [tilespmem:v42+s2+$0x0], $0xffff  }
0xd5: {  	v1 =	vld.idx.msk [tilespmem:v42+s9+$0x0], $0xffff;
	_ =	sdelay $0x4  }
0xd6: {  	v0 =	vadd.f32 v1, v0;
	_ =	sdelay $0x1  }
0xd7: {  	v0 =	vmax.f32 v0, $9.999999710e-10  }
0xd8: {  	(erf) = vrcp.f32 v0;
	_ =	sdelay $0x3  }
0xd9: {  	v44 =	vld [tilespmem:$0x52B0]  }
0xda: {  	v45 =	vld [tilespmem:$0x5130];
	_ =	sdelay $0x3  }
0xdb: {  	v46 =	vpop (erf)  }
0xdc: {  	v0 =	vmul.f32 v46, v44;
	_ =	sdelay $0x1  }
0xdd: {  	[tilespmem:$0x5440] =	vst v0  }
0xde: {  	v0 =	vld.idx.msk [tilespmem:v45+s2+$0x0], $0xffff  }
0xdf: {  	v1 =	vld.idx.msk [tilespmem:v45+s9+$0x0], $0xffff;
	_ =	sdelay $0x4  }
0xe0: {  	v0 =	vadd.f32 v1, v0;
	_ =	sdelay $0x1  }
0xe1: {  	v0 =	vmax.f32 v0, $9.999999710e-10  }
0xe2: {  	(erf) = vrcp.f32 v0;
	_ =	sdelay $0x3  }
0xe3: {  	v47 =	vld [tilespmem:$0x52C0]  }
0xe4: {  	v48 =	vld [tilespmem:$0x5140];
	_ =	sdelay $0x3  }
0xe5: {  	v49 =	vpop (erf)  }
0xe6: {  	v0 =	vmul.f32 v49, v47;
	_ =	sdelay $0x1  }
0xe7: {  	[tilespmem:$0x5450] =	vst v0  }
0xe8: {  	v0 =	vld.idx.msk [tilespmem:v48+s2+$0x0], $0xffff  }
0xe9: {  	v1 =	vld.idx.msk [tilespmem:v48+s9+$0x0], $0xffff;
	_ =	sdelay $0x4  }
0xea: {  	v0 =	vadd.f32 v1, v0;
	_ =	sdelay $0x1  }
0xeb: {  	v0 =	vmax.f32 v0, $9.999999710e-10  }
0xec: {  	(erf) = vrcp.f32 v0;
	_ =	sdelay $0x3  }
0xed: {  	v50 =	vld [tilespmem:$0x52D0]  }
0xee: {  	v51 =	vld [tilespmem:$0x5150];
	_ =	sdelay $0x3  }
0xef: {  	v52 =	vpop (erf)  }
0xf0: {  	v0 =	vmul.f32 v52, v50;
	_ =	sdelay $0x1  }
0xf1: {  	[tilespmem:$0x5460] =	vst v0  }
0xf2: {  	v0 =	vld.idx.msk [tilespmem:v51+s2+$0x0], $0xffff  }
0xf3: {  	v1 =	vld.idx.msk [tilespmem:v51+s9+$0x0], $0xffff;
	_ =	sdelay $0x4  }
0xf4: {  	v0 =	vadd.f32 v1, v0;
	_ =	sdelay $0x1  }
0xf5: {  	v0 =	vmax.f32 v0, $9.999999710e-10  }
0xf6: {  	(erf) = vrcp.f32 v0;
	_ =	sdelay $0x3  }
0xf7: {  	v53 =	vld [tilespmem:$0x52E0]  }
0xf8: {  	v54 =	vld [tilespmem:$0x5160];
	_ =	sdelay $0x3  }
0xf9: {  	v55 =	vpop (erf)  }
0xfa: {  	v0 =	vmul.f32 v55, v53;
	_ =	sdelay $0x1  }
0xfb: {  	[tilespmem:$0x5470] =	vst v0  }
0xfc: {  	v0 =	vld.idx.msk [tilespmem:v54+s2+$0x0], $0xffff  }
0xfd: {  	v1 =	vld.idx.msk [tilespmem:v54+s9+$0x0], $0xffff;
	_ =	sdelay $0x4  }
0xfe: {  	v0 =	vadd.f32 v1, v0;
	_ =	sdelay $0x1  }
0xff: {  	v0 =	vmax.f32 v0, $9.999999710e-10  }
0x100: {  	(erf) = vrcp.f32 v0;
	_ =	sdelay $0x3  }
0x101: {  	v56 =	vld [tilespmem:$0x52F0]  }
0x102: {  	v57 =	vld [tilespmem:$0x5170];
	_ =	sdelay $0x3  }
0x103: {  	v58 =	vpop (erf)  }
0x104: {  	v0 =	vmul.f32 v58, v56;
	_ =	sdelay $0x1  }
0x105: {  	[tilespmem:$0x5480] =	vst v0  }
0x106: {  	v0 =	vld.idx.msk [tilespmem:v57+s2+$0x0], $0xffff  }
0x107: {  	v1 =	vld.idx.msk [tilespmem:v57+s9+$0x0], $0xffff;
	_ =	sdelay $0x4  }
0x108: {  	v0 =	vadd.f32 v1, v0;
	_ =	sdelay $0x1  }
0x109: {  	v0 =	vmax.f32 v0, $9.999999710e-10  }
0x10a: {  	(erf) = vrcp.f32 v0;
	_ =	sdelay $0x3  }
0x10b: {  	v59 =	vld [tilespmem:$0x5300]  }
0x10c: {  	v60 =	vld [tilespmem:$0x5180];
	_ =	sdelay $0x3  }
0x10d: {  	v61 =	vpop (erf)  }
0x10e: {  	v0 =	vmul.f32 v61, v59;
	_ =	sdelay $0x1  }
0x10f: {  	[tilespmem:$0x5490] =	vst v0  }
0x110: {  	v0 =	vld.idx.msk [tilespmem:v60+s2+$0x0], $0xffff  }
0x111: {  	v1 =	vld.idx.msk [tilespmem:v60+s9+$0x0], $0xffff;
	_ =	sdelay $0x4  }
0x112: {  	v0 =	vadd.f32 v1, v0;
	_ =	sdelay $0x1  }
0x113: {  	v0 =	vmax.f32 v0, $9.999999710e-10  }
0x114: {  	(erf) = vrcp.f32 v0;
	_ =	sdelay $0x4  }
0x115: {  	v62 =	vld [tilespmem:$0x5310];
	_ =	sdelay $0x3  }
0x116: {  	v63 =	vpop (erf)  }
0x117: {  	v0 =	vmul.f32 v63, v62  }
0x118: {  	p0 =	sne.s32 s16, $0x4B0  }
.Ltmp0:
0x119: {  	s31 =	sadd.s32 s16, s6;
	[tilespmem:$0x54A0] =	vst v0;
	(pc) =	sbr.rel @p0 .LBB2_2-.Ltmp0, $4  }
0x11a: {  	[hbm4b:s31+s2] =	stream.linear.scatter [tilespmem:s13], [sflag:$0x2], $0x190, $0x38;
	[tilespmem:$0x54B0] =	vst v63  }
0x11b: {  	_ =	swait.ge [sflag:s14], $0x190  }
0x11c: {  	[sflag:s14] =	ssyncset.done $0x0  }
0x11d: {  	s16 =	sadd.s32 $0x32, s16;
	[sflag:s14] =	ssyncadd.s32 $0xFFFFFE70  }
0x11e: {  	s15 =	sadd.s32 $0x1, s15  }
0x11f: {  	p0 =	sne.s32 s15, s5  }
.Ltmp1:
0x120: {  	_ = 	snop;
	(pc) =	sbr.rel @p0 .LBB2_1-.Ltmp1, $1  }
0x121: {  	_ =	sdelay $0x3  }
0x122: {  	_ =	sfence.sel $0x180000  }
0x123: {  	[bflag:$0x0] =	sbarrier.arrive $0xFFFF  }
0x124: {  	p0 =	sne.s32 s0, $0x0;
	_ =	strace $0x9000004A  }
0x125: {  	s0 =	sadd.s32 @!p0 $0x100000, s1;
	[bflag:$0x2] =	sbarrier.arrive $0xFFFF  }
0x126: {  	[sflag:s0] =	ssyncadd.tile.s32 @!p0 $0x1;
	_ =	shalt  }
.Lfunc_end2:
_tile_overlayer_lowered:
.L_overlay_start_2:
0x127: {  	(tag) =	ssettag $0x2  }
0x128: {  	s0 =	rddreg [dreg:$0x0];
	s2 =	stileid.u32  }
0x129: {  	s1 =	rddreg [dreg:$0x1];
	p0 =	sne.s32 s2, $0x0  }
0x12a: {  	s3 =	rddreg [dreg:$0x2];
	[bflag:$0x3] =	sbarrier.arrive $0xFFFF;
	s2 =	simm.s32 @!p0 $0x1C02  }
0x12b: {  	[timem:s3], [sflag:s2] =	dma.local @!p0 [hbm:s0], s1  }
0x12c: {  	s0 =	simm.s32 @!p0 $0x2  }
0x12d: {  	_ =	swait.ge @!p0 [sflag:s0], s1  }
0x12e: {  	s1 =	ssub.s32 @!p0 $0x0, s1;
	[sflag:s0] =	ssyncset.done @!p0 $0x0  }
0x12f: {  	[sflag:s0] =	ssyncadd.s32 @!p0 s1  }
0x130: {  	[bflag:$0x3] =	sbarrier.arrive $0xFFFF  }
0x131: {  	_ =	shalt  }

</sc_bundles>
